<compile_context>
chip_gen: v7x
topology: tpu7x:2x2x1
jax: 0.10.2.dev20260603
libtpu: 0.0.44.dev20260713+nightly
codegen_flags: <defaults>
</compile_context>

<pallas_src>
import functools

import jax
import jax.numpy as jnp
from jax import lax
from jax.experimental import pallas as pl
from jax.experimental.pallas import tpu as pltpu
from jax.experimental.pallas import tpu_sc as plsc

D = 100000
N = 128
B = 16384
ARITY = 3

NC = 2
NS = 16
NW = NC * NS
QPW = B // NW
CH = 64
NCH = QPW // CH
LANES = 16
QPR = 128 // LANES
SCAT = CH * LANES // 128


@functools.partial(
    pl.kernel,
    mesh=plsc.VectorSubcoreMesh(core_axis_name="c", subcore_axis_name="s"),
    out_type=jax.ShapeDtypeStruct((B,), jnp.float32),
    scratch_types=[
        pltpu.VMEM((ARITY, NCH, CH), jnp.int32),
        pltpu.VMEM((CH, N), jnp.float32),
        pltpu.VMEM((CH, N), jnp.float32),
        pltpu.VMEM((CH, N), jnp.float32),
        pltpu.VMEM((CH, N), jnp.float32),
        pltpu.VMEM((CH, N), jnp.float32),
        pltpu.VMEM((CH, N), jnp.float32),
        pltpu.VMEM((NCH * SCAT, 128), jnp.float32),
        pltpu.VMEM((NCH * SCAT, 128), jnp.int32),
        pltpu.VMEM((QPW,), jnp.float32),
        pltpu.VMEM_SHARED((NS * QPW,), jnp.float32),
        pltpu.SemaphoreType.DMA,
        pltpu.SemaphoreType.DMA,
        pltpu.SemaphoreType.DMA,
    ],
)
def _rap_sc(idx_hbm, w_hbm, out_hbm, idx_v,
            s0a, s0b, s0c, s1a, s1b, s1c, pball, sidx, out_v, out_sh,
            sem0, sem1, psem):
    sub = lax.axis_index("s")
    wid = sub * NC + lax.axis_index("c")
    base = wid * QPW
    sbase = sub * QPW
    slots = ((s0a, s0b, s0c), (s1a, s1b, s1c))
    sems = (sem0, sem1)

    pltpu.sync_copy(idx_hbm.at[wid], idx_v)

    def fire(c, par):
        for a in range(ARITY):
            pltpu.async_copy(w_hbm.at[idx_v.at[a, c]], slots[par][a],
                             sems[par])

    def drain_gather(par):
        for a in range(ARITY):
            pltpu.make_async_copy(w_hbm.at[pl.ds(0, CH)], slots[par][a],
                                  sems[par]).wait()

    fire(0, 0)

    zero = jnp.zeros((LANES,), jnp.float32)

    def ibody(r, _):
        for k in range(QPR):
            sidx[r, pl.ds(k * LANES, LANES)] = jnp.full(
                (LANES,), sbase + r * QPR + k, jnp.int32)
        return 0

    lax.fori_loop(0, NCH * SCAT, ibody, 0)

    def zbody(g, _):
        out_v[pl.ds(g * LANES, LANES)] = zero
        return 0

    lax.fori_loop(0, QPW // LANES, zbody, 0)
    pltpu.sync_copy(out_v, out_sh.at[pl.ds(sbase, QPW)])

    def pair_body(p, _):
        for par in range(2):
            c = p * 2 + par

            @pl.when(c + 1 < NCH)
            def _():
                fire(c + 1, 1 - par)

            drain_gather(par)
            r0, r1, r2 = slots[par]

            def tree_partial(q, r0=r0, r1=r1, r2=r2):
                prods = [r0[q, pl.ds(j * LANES, LANES)]
                         * r1[q, pl.ds(j * LANES, LANES)]
                         * r2[q, pl.ds(j * LANES, LANES)]
                         for j in range(N // LANES)]
                while len(prods) > 1:
                    prods = [prods[i] + prods[i + 1]
                             for i in range(0, len(prods), 2)]
                return prods[0] * (1.0 / N)

            def qbody(i, _, c=c, tree_partial=tree_partial):
                for k in range(QPR):
                    pball[c * SCAT + i, pl.ds(k * LANES, LANES)] = (
                        tree_partial(i * QPR + k))
                return 0

            lax.fori_loop(0, SCAT, qbody, 0)

            for b in range(SCAT):
                pltpu.async_copy(pball.at[c * SCAT + b],
                                 out_sh.at[sidx.at[c * SCAT + b]],
                                 psem, add=True)
        return 0

    lax.fori_loop(0, NCH // 2, pair_body, 0)

    pltpu.make_async_copy(w_hbm.at[pl.ds(0, NCH * SCAT)], pball, psem).wait()
    pltpu.sync_copy(out_sh.at[pl.ds(sbase, QPW)], out_hbm.at[pl.ds(base, QPW)])


def kernel(q_t_idxs, W):
    idx = q_t_idxs.astype(jnp.int32)
    idx = idx.reshape(NW, NCH, CH, ARITY).transpose(0, 3, 1, 2)
    return _rap_sc(idx, W)

# --- scband reference (transcript-rebuilt; emitter-appended) ---
"""Pipeline reference for scband-rap-57999238365252 (READ-ONLY COPY).

The authoritative reference and input builder live on the scoring server;
editing this copy changes nothing except your own understanding.
"""

import jax, jax.numpy as jnp
import numpy as np

D = 100000  # domain size (num_embeddings)
N = 128     # number of synthetic records (embedding_dim)
B = 16384   # number of queries
ARITY = 3   # k-way marginal queries


def setup_inputs(seed: int = 0) -> dict:
    key = jax.random.key(seed)
    k1, k2 = jax.random.split(key)
    # UnifInitializer: (rand - 0.5) * (1 / 0.5) -> uniform in [-1, 1]
    W = (jax.random.uniform(k1, (D, N), dtype=jnp.float32) - 0.5) * 2.0
    q_t_idxs = jax.random.randint(k2, (B, ARITY), 0, D, dtype=jnp.int64 if jax.config.jax_enable_x64 else jnp.int32)
    return {"q_t_idxs": q_t_idxs, "W": W}


def reference(q_t_idxs, W):
    # RAP.get_answers with softmax=False:
    #   x = syndata.weight.T        -> [N, D]
    #   x = x[:, q_t_idxs]          -> [N, B, ARITY] (gather along domain axis)
    #   x = x.prod(dim=-1)          -> [N, B]
    #   x = x.mean(dim=0)           -> [B]
    x = W.T
    x = x[:, q_t_idxs]
    x = jnp.prod(x, axis=-1)
    x = jnp.mean(x, axis=0)
    return x

if __name__ == "__main__":
    import jax
    _d = setup_inputs()
    print(jax.jit(kernel)(*tuple(_d.values())))

</pallas_src>

<mosaic_0001>
#map = affine_map<(d0, d1) -> (0, 0, 0, 0)>
#map1 = affine_map<(d0, d1) -> (0, 0)>
#map2 = affine_map<(d0, d1) -> (0)>
module attributes {stable_mosaic.version = 14 : i64} {
  func.func @_rap_sc(%arg0: i32, %arg1: i32, %arg2: memref<32x3x8x64xi32, #tpu.memory_space<hbm>>, %arg3: memref<100000x128xf32, #tpu.memory_space<hbm>>, %arg4: memref<16384xf32, #tpu.memory_space<hbm>>, %arg5: memref<3x8x64xi32, #tpu.memory_space<vmem>>, %arg6: memref<64x128xf32, #tpu.memory_space<vmem>>, %arg7: memref<64x128xf32, #tpu.memory_space<vmem>>, %arg8: memref<64x128xf32, #tpu.memory_space<vmem>>, %arg9: memref<64x128xf32, #tpu.memory_space<vmem>>, %arg10: memref<64x128xf32, #tpu.memory_space<vmem>>, %arg11: memref<64x128xf32, #tpu.memory_space<vmem>>, %arg12: memref<64x128xf32, #tpu.memory_space<vmem>>, %arg13: memref<64x128xi32, #tpu.memory_space<vmem>>, %arg14: memref<512xf32, #tpu.memory_space<vmem>>, %arg15: memref<8192xf32, #tpu.memory_space<vmem_shared>>, %arg16: memref<!tpu.dma_semaphore, #tpu.memory_space<semaphore_mem>>, %arg17: memref<!tpu.dma_semaphore, #tpu.memory_space<semaphore_mem>>, %arg18: memref<!tpu.dma_semaphore, #tpu.memory_space<semaphore_mem>>) attributes {dimension_semantics = [#tpu.dimension_semantics<core_parallel>, #tpu.dimension_semantics<subcore_parallel>], iteration_bounds = array<i64: 2, 16>, scalar_prefetch = 0 : i64, scratch_operands = 14 : i64, tpu.core_type = #tpu.core_type<sc_vector_subcore>, window_params = [{transform_indices = #map}, {transform_indices = #map1}, {transform_indices = #map2}]} {
    %mul3A = arith.constant 2 : i32
    %mul3A_0 = arith.muli %arg1, %mul3A : i32
    %add3A = arith.addi %mul3A_0, %arg0 : i32
    %mul3A_1 = arith.constant 512 : i32
    %mul3A_2 = arith.muli %add3A, %mul3A_1 : i32
    %mul3A_3 = arith.constant 512 : i32
    %mul3A_4 = arith.muli %arg1, %mul3A_3 : i32
    "tpu.region"() ({
      %run_scoped3A = tpu.sem_alloc : memref<!tpu.dma_semaphore, #tpu.memory_space<semaphore_mem>>
      %dma_start3A_54 = arith.constant 0 : i32
      %dma_start3A_55 = arith.constant 0 : i32
      %dma_start3A_56 = arith.constant 0 : i32
      %dma_start3A_57 = tpu.memref_slice %arg2[%add3A, %dma_start3A_54, %dma_start3A_55, %dma_start3A_56] : memref<32x3x8x64xi32, #tpu.memory_space<hbm>> -> memref<1x3x8x64xi32, #tpu.memory_space<hbm>>
      %dma_start3A_58 = tpu.memref_squeeze %dma_start3A_57 : memref<1x3x8x64xi32, #tpu.memory_space<hbm>> -> memref<3x8x64xi32, #tpu.memory_space<hbm>>
      %dma_start3A_59 = arith.constant 0 : i32
      %dma_start3A_60 = arith.constant 0 : i32
      %dma_start3A_61 = arith.constant 0 : i32
      %dma_start3A_62 = tpu.memref_slice %arg2[%add3A, %dma_start3A_59, %dma_start3A_60, %dma_start3A_61] : memref<32x3x8x64xi32, #tpu.memory_space<hbm>> -> memref<1x3x8x64xi32, #tpu.memory_space<hbm>>
      %dma_start3A_63 = tpu.memref_squeeze %dma_start3A_62 : memref<1x3x8x64xi32, #tpu.memory_space<hbm>> -> memref<3x8x64xi32, #tpu.memory_space<hbm>>
      tpu.enqueue_dma source(%dma_start3A_63 : memref<3x8x64xi32, #tpu.memory_space<hbm>>) target(%arg5 : memref<3x8x64xi32, #tpu.memory_space<vmem>>) target_semaphore(%run_scoped3A : memref<!tpu.dma_semaphore, #tpu.memory_space<semaphore_mem>>)
      %dma_wait3A_64 = arith.constant 0 : i32
      %dma_wait3A_65 = arith.constant 0 : i32
      %dma_wait3A_66 = arith.constant 0 : i32
      %dma_wait3A_67 = tpu.memref_slice %arg2[%add3A, %dma_wait3A_64, %dma_wait3A_65, %dma_wait3A_66] : memref<32x3x8x64xi32, #tpu.memory_space<hbm>> -> memref<1x3x8x64xi32, #tpu.memory_space<hbm>>
      %dma_wait3A_68 = tpu.memref_squeeze %dma_wait3A_67 : memref<1x3x8x64xi32, #tpu.memory_space<hbm>> -> memref<3x8x64xi32, #tpu.memory_space<hbm>>
      %dma_wait3A_69 = arith.constant 0 : i32
      %dma_wait3A_70 = arith.constant 0 : i32
      %dma_wait3A_71 = arith.constant 0 : i32
      %dma_wait3A_72 = tpu.memref_slice %arg2[%add3A, %dma_wait3A_69, %dma_wait3A_70, %dma_wait3A_71] : memref<32x3x8x64xi32, #tpu.memory_space<hbm>> -> memref<1x3x8x64xi32, #tpu.memory_space<hbm>>
      %dma_wait3A_73 = tpu.memref_squeeze %dma_wait3A_72 : memref<1x3x8x64xi32, #tpu.memory_space<hbm>> -> memref<3x8x64xi32, #tpu.memory_space<hbm>>
      tpu.wait_dma2 semaphore(%run_scoped3A : memref<!tpu.dma_semaphore, #tpu.memory_space<semaphore_mem>>) src(%dma_wait3A_73 : memref<3x8x64xi32, #tpu.memory_space<hbm>>) dst(%arg5 : memref<3x8x64xi32, #tpu.memory_space<vmem>>)
      tpu.yield
    }) : () -> ()
    %dma_start3A = arith.constant 0 : i32
    %dma_start3A_5 = arith.constant 0 : i32
    %dma_start3A_6 = arith.constant 0 : i32
    %dma_start3A_7 = tpu.memref_slice %arg5[%dma_start3A, %dma_start3A_5, %dma_start3A_6] : memref<3x8x64xi32, #tpu.memory_space<vmem>> -> memref<1x1x64xi32, #tpu.memory_space<vmem>>
    %dma_start3A_8 = tpu.memref_squeeze %dma_start3A_7 : memref<1x1x64xi32, #tpu.memory_space<vmem>> -> memref<64xi32, #tpu.memory_space<vmem>>
    %dma_start3A_9 = arith.constant 0 : i32
    %dma_start3A_10 = arith.constant 0 : i32
    %dma_start3A_11 = tpu.memref_slice %arg3[%dma_start3A_9, %dma_start3A_10] : memref<100000x128xf32, #tpu.memory_space<hbm>> -> memref<100000x128xf32, #tpu.memory_space<hbm>>
    tpu.enqueue_indirect_dma source(%dma_start3A_11 : memref<100000x128xf32, #tpu.memory_space<hbm>>) target(%arg6 : memref<64x128xf32, #tpu.memory_space<vmem>>) offsets(%dma_start3A_8 : memref<64xi32, #tpu.memory_space<vmem>>) semaphore(%arg16 : memref<!tpu.dma_semaphore, #tpu.memory_space<semaphore_mem>>)
    %dma_start3A_12 = arith.constant 1 : i32
    %dma_start3A_13 = arith.constant 0 : i32
    %dma_start3A_14 = arith.constant 0 : i32
    %dma_start3A_15 = tpu.memref_slice %arg5[%dma_start3A_12, %dma_start3A_13, %dma_start3A_14] : memref<3x8x64xi32, #tpu.memory_space<vmem>> -> memref<1x1x64xi32, #tpu.memory_space<vmem>>
    %dma_start3A_16 = tpu.memref_squeeze %dma_start3A_15 : memref<1x1x64xi32, #tpu.memory_space<vmem>> -> memref<64xi32, #tpu.memory_space<vmem>>
    %dma_start3A_17 = arith.constant 0 : i32
    %dma_start3A_18 = arith.constant 0 : i32
    %dma_start3A_19 = tpu.memref_slice %arg3[%dma_start3A_17, %dma_start3A_18] : memref<100000x128xf32, #tpu.memory_space<hbm>> -> memref<100000x128xf32, #tpu.memory_space<hbm>>
    tpu.enqueue_indirect_dma source(%dma_start3A_19 : memref<100000x128xf32, #tpu.memory_space<hbm>>) target(%arg7 : memref<64x128xf32, #tpu.memory_space<vmem>>) offsets(%dma_start3A_16 : memref<64xi32, #tpu.memory_space<vmem>>) semaphore(%arg16 : memref<!tpu.dma_semaphore, #tpu.memory_space<semaphore_mem>>)
    %dma_start3A_20 = arith.constant 2 : i32
    %dma_start3A_21 = arith.constant 0 : i32
    %dma_start3A_22 = arith.constant 0 : i32
    %dma_start3A_23 = tpu.memref_slice %arg5[%dma_start3A_20, %dma_start3A_21, %dma_start3A_22] : memref<3x8x64xi32, #tpu.memory_space<vmem>> -> memref<1x1x64xi32, #tpu.memory_space<vmem>>
    %dma_start3A_24 = tpu.memref_squeeze %dma_start3A_23 : memref<1x1x64xi32, #tpu.memory_space<vmem>> -> memref<64xi32, #tpu.memory_space<vmem>>
    %dma_start3A_25 = arith.constant 0 : i32
    %dma_start3A_26 = arith.constant 0 : i32
    %dma_start3A_27 = tpu.memref_slice %arg3[%dma_start3A_25, %dma_start3A_26] : memref<100000x128xf32, #tpu.memory_space<hbm>> -> memref<100000x128xf32, #tpu.memory_space<hbm>>
    tpu.enqueue_indirect_dma source(%dma_start3A_27 : memref<100000x128xf32, #tpu.memory_space<hbm>>) target(%arg8 : memref<64x128xf32, #tpu.memory_space<vmem>>) offsets(%dma_start3A_24 : memref<64xi32, #tpu.memory_space<vmem>>) semaphore(%arg16 : memref<!tpu.dma_semaphore, #tpu.memory_space<semaphore_mem>>)
    %broadcast_in_dim3A = arith.constant 0.000000e+00 : f32
    %broadcast_in_dim3A_28 = vector.broadcast %broadcast_in_dim3A : f32 to vector<16xf32>
    %scan3A = arith.constant 0 : i32
    %scan3A_29 = arith.constant 0 : i32
    %scan3A_30 = arith.constant 64 : i32
    %scan3A_31 = arith.addi %scan3A_29, %scan3A_30 : i32
    %scan3A_32 = arith.constant 1 : i32
    %scan3A_33 = scf.for %scan3A_54 = %scan3A_29 to %scan3A_31 step %scan3A_32 iter_args(%scan3A_55 = %scan3A) -> (i32)  : i32 {
      %mul3A_56 = arith.constant 8 : i32
      %mul3A_57 = arith.muli %scan3A_54, %mul3A_56 : i32
      %add3A_58 = arith.addi %mul3A_4, %mul3A_57 : i32
      %add3A_59 = arith.constant 0 : i32
      %add3A_60 = arith.addi %add3A_58, %add3A_59 : i32
      %broadcast_in_dim3A_61 = vector.broadcast %add3A_60 : i32 to vector<16xi32>
      %swap3A = arith.index_cast %scan3A_54 : i32 to index
      %swap3A_62 = arith.constant 0 : index
      %swap3A_63 = tpu.vector_load %arg13[%swap3A, %swap3A_62] {strides = array<i32>} : memref<64x128xi32, #tpu.memory_space<vmem>>, vector<1x16xi32>,
      %swap3A_64 = vector.shape_cast %swap3A_63 : vector<1x16xi32> to vector<16xi32>
      %swap3A_65 = vector.shape_cast %broadcast_in_dim3A_61 : vector<16xi32> to vector<1x16xi32>
      tpu.vector_store %arg13[%swap3A, %swap3A_62], %swap3A_65 {strides = array<i32>} : memref<64x128xi32, #tpu.memory_space<vmem>>, vector<1x16xi32>,
      %mul3A_66 = arith.constant 8 : i32
      %mul3A_67 = arith.muli %scan3A_54, %mul3A_66 : i32
      %add3A_68 = arith.addi %mul3A_4, %mul3A_67 : i32
      %add3A_69 = arith.constant 1 : i32
      %add3A_70 = arith.addi %add3A_68, %add3A_69 : i32
      %broadcast_in_dim3A_71 = vector.broadcast %add3A_70 : i32 to vector<16xi32>
      %swap3A_72 = arith.index_cast %scan3A_54 : i32 to index
      %swap3A_73 = arith.constant 16 : index
      %swap3A_74 = tpu.vector_load %arg13[%swap3A_72, %swap3A_73] {strides = array<i32>} : memref<64x128xi32, #tpu.memory_space<vmem>>, vector<1x16xi32>,
      %swap3A_75 = vector.shape_cast %swap3A_74 : vector<1x16xi32> to vector<16xi32>
      %swap3A_76 = vector.shape_cast %broadcast_in_dim3A_71 : vector<16xi32> to vector<1x16xi32>
      tpu.vector_store %arg13[%swap3A_72, %swap3A_73], %swap3A_76 {strides = array<i32>} : memref<64x128xi32, #tpu.memory_space<vmem>>, vector<1x16xi32>,
      %mul3A_77 = arith.constant 8 : i32
      %mul3A_78 = arith.muli %scan3A_54, %mul3A_77 : i32
      %add3A_79 = arith.addi %mul3A_4, %mul3A_78 : i32
      %add3A_80 = arith.constant 2 : i32
      %add3A_81 = arith.addi %add3A_79, %add3A_80 : i32
      %broadcast_in_dim3A_82 = vector.broadcast %add3A_81 : i32 to vector<16xi32>
      %swap3A_83 = arith.index_cast %scan3A_54 : i32 to index
      %swap3A_84 = arith.constant 32 : index
      %swap3A_85 = tpu.vector_load %arg13[%swap3A_83, %swap3A_84] {strides = array<i32>} : memref<64x128xi32, #tpu.memory_space<vmem>>, vector<1x16xi32>,
      %swap3A_86 = vector.shape_cast %swap3A_85 : vector<1x16xi32> to vector<16xi32>
      %swap3A_87 = vector.shape_cast %broadcast_in_dim3A_82 : vector<16xi32> to vector<1x16xi32>
      tpu.vector_store %arg13[%swap3A_83, %swap3A_84], %swap3A_87 {strides = array<i32>} : memref<64x128xi32, #tpu.memory_space<vmem>>, vector<1x16xi32>,
      %mul3A_88 = arith.constant 8 : i32
      %mul3A_89 = arith.muli %scan3A_54, %mul3A_88 : i32
      %add3A_90 = arith.addi %mul3A_4, %mul3A_89 : i32
      %add3A_91 = arith.constant 3 : i32
      %add3A_92 = arith.addi %add3A_90, %add3A_91 : i32
      %broadcast_in_dim3A_93 = vector.broadcast %add3A_92 : i32 to vector<16xi32>
      %swap3A_94 = arith.index_cast %scan3A_54 : i32 to index
      %swap3A_95 = arith.constant 48 : index
      %swap3A_96 = tpu.vector_load %arg13[%swap3A_94, %swap3A_95] {strides = array<i32>} : memref<64x128xi32, #tpu.memory_space<vmem>>, vector<1x16xi32>,
      %swap3A_97 = vector.shape_cast %swap3A_96 : vector<1x16xi32> to vector<16xi32>
      %swap3A_98 = vector.shape_cast %broadcast_in_dim3A_93 : vector<16xi32> to vector<1x16xi32>
      tpu.vector_store %arg13[%swap3A_94, %swap3A_95], %swap3A_98 {strides = array<i32>} : memref<64x128xi32, #tpu.memory_space<vmem>>, vector<1x16xi32>,
      %mul3A_99 = arith.constant 8 : i32
      %mul3A_100 = arith.muli %scan3A_54, %mul3A_99 : i32
      %add3A_101 = arith.addi %mul3A_4, %mul3A_100 : i32
      %add3A_102 = arith.constant 4 : i32
      %add3A_103 = arith.addi %add3A_101, %add3A_102 : i32
      %broadcast_in_dim3A_104 = vector.broadcast %add3A_103 : i32 to vector<16xi32>
      %swap3A_105 = arith.index_cast %scan3A_54 : i32 to index
      %swap3A_106 = arith.constant 64 : index
      %swap3A_107 = tpu.vector_load %arg13[%swap3A_105, %swap3A_106] {strides = array<i32>} : memref<64x128xi32, #tpu.memory_space<vmem>>, vector<1x16xi32>,
      %swap3A_108 = vector.shape_cast %swap3A_107 : vector<1x16xi32> to vector<16xi32>
      %swap3A_109 = vector.shape_cast %broadcast_in_dim3A_104 : vector<16xi32> to vector<1x16xi32>
      tpu.vector_store %arg13[%swap3A_105, %swap3A_106], %swap3A_109 {strides = array<i32>} : memref<64x128xi32, #tpu.memory_space<vmem>>, vector<1x16xi32>,
      %mul3A_110 = arith.constant 8 : i32
      %mul3A_111 = arith.muli %scan3A_54, %mul3A_110 : i32
      %add3A_112 = arith.addi %mul3A_4, %mul3A_111 : i32
      %add3A_113 = arith.constant 5 : i32
      %add3A_114 = arith.addi %add3A_112, %add3A_113 : i32
      %broadcast_in_dim3A_115 = vector.broadcast %add3A_114 : i32 to vector<16xi32>
      %swap3A_116 = arith.index_cast %scan3A_54 : i32 to index
      %swap3A_117 = arith.constant 80 : index
      %swap3A_118 = tpu.vector_load %arg13[%swap3A_116, %swap3A_117] {strides = array<i32>} : memref<64x128xi32, #tpu.memory_space<vmem>>, vector<1x16xi32>,
      %swap3A_119 = vector.shape_cast %swap3A_118 : vector<1x16xi32> to vector<16xi32>
      %swap3A_120 = vector.shape_cast %broadcast_in_dim3A_115 : vector<16xi32> to vector<1x16xi32>
      tpu.vector_store %arg13[%swap3A_116, %swap3A_117], %swap3A_120 {strides = array<i32>} : memref<64x128xi32, #tpu.memory_space<vmem>>, vector<1x16xi32>,
      %mul3A_121 = arith.constant 8 : i32
      %mul3A_122 = arith.muli %scan3A_54, %mul3A_121 : i32
      %add3A_123 = arith.addi %mul3A_4, %mul3A_122 : i32
      %add3A_124 = arith.constant 6 : i32
      %add3A_125 = arith.addi %add3A_123, %add3A_124 : i32
      %broadcast_in_dim3A_126 = vector.broadcast %add3A_125 : i32 to vector<16xi32>
      %swap3A_127 = arith.index_cast %scan3A_54 : i32 to index
      %swap3A_128 = arith.constant 96 : index
      %swap3A_129 = tpu.vector_load %arg13[%swap3A_127, %swap3A_128] {strides = array<i32>} : memref<64x128xi32, #tpu.memory_space<vmem>>, vector<1x16xi32>,
      %swap3A_130 = vector.shape_cast %swap3A_129 : vector<1x16xi32> to vector<16xi32>
      %swap3A_131 = vector.shape_cast %broadcast_in_dim3A_126 : vector<16xi32> to vector<1x16xi32>
      tpu.vector_store %arg13[%swap3A_127, %swap3A_128], %swap3A_131 {strides = array<i32>} : memref<64x128xi32, #tpu.memory_space<vmem>>, vector<1x16xi32>,
      %mul3A_132 = arith.constant 8 : i32
      %mul3A_133 = arith.muli %scan3A_54, %mul3A_132 : i32
      %add3A_134 = arith.addi %mul3A_4, %mul3A_133 : i32
      %add3A_135 = arith.constant 7 : i32
      %add3A_136 = arith.addi %add3A_134, %add3A_135 : i32
      %broadcast_in_dim3A_137 = vector.broadcast %add3A_136 : i32 to vector<16xi32>
      %swap3A_138 = arith.index_cast %scan3A_54 : i32 to index
      %swap3A_139 = arith.constant 112 : index
      %swap3A_140 = tpu.vector_load %arg13[%swap3A_138, %swap3A_139] {strides = array<i32>} : memref<64x128xi32, #tpu.memory_space<vmem>>, vector<1x16xi32>,
      %swap3A_141 = vector.shape_cast %swap3A_140 : vector<1x16xi32> to vector<16xi32>
      %swap3A_142 = vector.shape_cast %broadcast_in_dim3A_137 : vector<16xi32> to vector<1x16xi32>
      tpu.vector_store %arg13[%swap3A_138, %swap3A_139], %swap3A_142 {strides = array<i32>} : memref<64x128xi32, #tpu.memory_space<vmem>>, vector<1x16xi32>,
      %scan3A_143 = arith.constant 0 : i32
      scf.yield %scan3A_143 : i32
    }
    %scan3A_34 = arith.constant 64 : i32
    %scan3A_35 = arith.constant 0 : i32
    %scan3A_36 = arith.constant 0 : i32
    %scan3A_37 = arith.constant 32 : i32
    %scan3A_38 = arith.addi %scan3A_36, %scan3A_37 : i32
    %scan3A_39 = arith.constant 1 : i32
    %scan3A_40 = scf.for %scan3A_54 = %scan3A_36 to %scan3A_38 step %scan3A_39 iter_args(%scan3A_55 = %scan3A_35) -> (i32)  : i32 {
      %mul3A_56 = arith.constant 16 : i32
      %mul3A_57 = arith.muli %scan3A_54, %mul3A_56 : i32
      %swap3A = arith.index_cast %mul3A_57 : i32 to index
      %swap3A_58 = tpu.vector_load %arg14[%swap3A] {strides = array<i32>} : memref<512xf32, #tpu.memory_space<vmem>>, vector<16xf32>,
      %swap3A_59 = vector.shape_cast %swap3A_58 : vector<16xf32> to vector<16xf32>
      %swap3A_60 = vector.shape_cast %broadcast_in_dim3A_28 : vector<16xf32> to vector<16xf32>
      tpu.vector_store %arg14[%swap3A], %swap3A_60 {strides = array<i32>} : memref<512xf32, #tpu.memory_space<vmem>>, vector<16xf32>,
      %scan3A_61 = arith.constant 0 : i32
      scf.yield %scan3A_61 : i32
    }
    %scan3A_41 = arith.constant 32 : i32
    "tpu.region"() ({
      %run_scoped3A = tpu.sem_alloc : memref<!tpu.dma_semaphore, #tpu.memory_space<semaphore_mem>>
      %dma_start3A_54 = tpu.memref_slice %arg15[%mul3A_4] : memref<8192xf32, #tpu.memory_space<vmem_shared>> -> memref<512xf32, #tpu.memory_space<vmem_shared>>
      %dma_start3A_55 = tpu.memref_slice %arg15[%mul3A_4] : memref<8192xf32, #tpu.memory_space<vmem_shared>> -> memref<512xf32, #tpu.memory_space<vmem_shared>>
      tpu.enqueue_dma source(%arg14 : memref<512xf32, #tpu.memory_space<vmem>>) target(%dma_start3A_55 : memref<512xf32, #tpu.memory_space<vmem_shared>>) target_semaphore(%run_scoped3A : memref<!tpu.dma_semaphore, #tpu.memory_space<semaphore_mem>>)
      %dma_wait3A_56 = tpu.memref_slice %arg15[%mul3A_4] : memref<8192xf32, #tpu.memory_space<vmem_shared>> -> memref<512xf32, #tpu.memory_space<vmem_shared>>
      %dma_wait3A_57 = tpu.memref_slice %arg15[%mul3A_4] : memref<8192xf32, #tpu.memory_space<vmem_shared>> -> memref<512xf32, #tpu.memory_space<vmem_shared>>
      tpu.wait_dma2 semaphore(%run_scoped3A : memref<!tpu.dma_semaphore, #tpu.memory_space<semaphore_mem>>) src(%arg14 : memref<512xf32, #tpu.memory_space<vmem>>) dst(%dma_wait3A_57 : memref<512xf32, #tpu.memory_space<vmem_shared>>)
      tpu.yield
    }) : () -> ()
    %scan3A_42 = arith.constant 0 : i32
    %scan3A_43 = arith.constant 0 : i32
    %scan3A_44 = arith.constant 4 : i32
    %scan3A_45 = arith.addi %scan3A_43, %scan3A_44 : i32
    %scan3A_46 = arith.constant 1 : i32
    %scan3A_47 = scf.for %scan3A_54 = %scan3A_43 to %scan3A_45 step %scan3A_46 iter_args(%scan3A_55 = %scan3A_42) -> (i32)  : i32 {
      %mul3A_56 = arith.constant 2 : i32
      %mul3A_57 = arith.muli %scan3A_54, %mul3A_56 : i32
      %add3A_58 = arith.constant 0 : i32
      %add3A_59 = arith.addi %mul3A_57, %add3A_58 : i32
      %add3A_60 = arith.constant 1 : i32
      %add3A_61 = arith.addi %add3A_59, %add3A_60 : i32
      %lt3A = arith.constant 8 : i32
      %lt3A_62 = arith.cmpi slt, %add3A_61, %lt3A : i32
      %convert_element_type3A = arith.extui %lt3A_62 : i1 to i32
      %cond3A = arith.constant 0 : i32
      %cond3A_63 = arith.cmpi ne, %convert_element_type3A, %cond3A : i32
      scf.if %cond3A_63 {
        %add3A_382 = arith.constant 1 : i32
        %add3A_383 = arith.addi %add3A_59, %add3A_382 : i32
        %dma_start3A_384 = arith.constant 0 : i32
        %dma_start3A_385 = arith.constant 0 : i32
        %dma_start3A_386 = tpu.memref_slice %arg5[%dma_start3A_384, %add3A_383, %dma_start3A_385] : memref<3x8x64xi32, #tpu.memory_space<vmem>> -> memref<1x1x64xi32, #tpu.memory_space<vmem>>
        %dma_start3A_387 = tpu.memref_squeeze %dma_start3A_386 : memref<1x1x64xi32, #tpu.memory_space<vmem>> -> memref<64xi32, #tpu.memory_space<vmem>>
        %dma_start3A_388 = arith.constant 0 : i32
        %dma_start3A_389 = arith.constant 0 : i32
        %dma_start3A_390 = tpu.memref_slice %arg3[%dma_start3A_388, %dma_start3A_389] : memref<100000x128xf32, #tpu.memory_space<hbm>> -> memref<100000x128xf32, #tpu.memory_space<hbm>>
        tpu.enqueue_indirect_dma source(%dma_start3A_390 : memref<100000x128xf32, #tpu.memory_space<hbm>>) target(%arg9 : memref<64x128xf32, #tpu.memory_space<vmem>>) offsets(%dma_start3A_387 : memref<64xi32, #tpu.memory_space<vmem>>) semaphore(%arg17 : memref<!tpu.dma_semaphore, #tpu.memory_space<semaphore_mem>>)
        %dma_start3A_391 = arith.constant 1 : i32
        %dma_start3A_392 = arith.constant 0 : i32
        %dma_start3A_393 = tpu.memref_slice %arg5[%dma_start3A_391, %add3A_383, %dma_start3A_392] : memref<3x8x64xi32, #tpu.memory_space<vmem>> -> memref<1x1x64xi32, #tpu.memory_space<vmem>>
        %dma_start3A_394 = tpu.memref_squeeze %dma_start3A_393 : memref<1x1x64xi32, #tpu.memory_space<vmem>> -> memref<64xi32, #tpu.memory_space<vmem>>
        %dma_start3A_395 = arith.constant 0 : i32
        %dma_start3A_396 = arith.constant 0 : i32
        %dma_start3A_397 = tpu.memref_slice %arg3[%dma_start3A_395, %dma_start3A_396] : memref<100000x128xf32, #tpu.memory_space<hbm>> -> memref<100000x128xf32, #tpu.memory_space<hbm>>
        tpu.enqueue_indirect_dma source(%dma_start3A_397 : memref<100000x128xf32, #tpu.memory_space<hbm>>) target(%arg10 : memref<64x128xf32, #tpu.memory_space<vmem>>) offsets(%dma_start3A_394 : memref<64xi32, #tpu.memory_space<vmem>>) semaphore(%arg17 : memref<!tpu.dma_semaphore, #tpu.memory_space<semaphore_mem>>)
        %dma_start3A_398 = arith.constant 2 : i32
        %dma_start3A_399 = arith.constant 0 : i32
        %dma_start3A_400 = tpu.memref_slice %arg5[%dma_start3A_398, %add3A_383, %dma_start3A_399] : memref<3x8x64xi32, #tpu.memory_space<vmem>> -> memref<1x1x64xi32, #tpu.memory_space<vmem>>
        %dma_start3A_401 = tpu.memref_squeeze %dma_start3A_400 : memref<1x1x64xi32, #tpu.memory_space<vmem>> -> memref<64xi32, #tpu.memory_space<vmem>>
        %dma_start3A_402 = arith.constant 0 : i32
        %dma_start3A_403 = arith.constant 0 : i32
        %dma_start3A_404 = tpu.memref_slice %arg3[%dma_start3A_402, %dma_start3A_403] : memref<100000x128xf32, #tpu.memory_space<hbm>> -> memref<100000x128xf32, #tpu.memory_space<hbm>>
        tpu.enqueue_indirect_dma source(%dma_start3A_404 : memref<100000x128xf32, #tpu.memory_space<hbm>>) target(%arg11 : memref<64x128xf32, #tpu.memory_space<vmem>>) offsets(%dma_start3A_401 : memref<64xi32, #tpu.memory_space<vmem>>) semaphore(%arg17 : memref<!tpu.dma_semaphore, #tpu.memory_space<semaphore_mem>>)
      } else {
      }
      %dma_wait3A_64 = arith.constant 0 : i32
      %dma_wait3A_65 = arith.constant 0 : i32
      %dma_wait3A_66 = tpu.memref_slice %arg3[%dma_wait3A_64, %dma_wait3A_65] : memref<100000x128xf32, #tpu.memory_space<hbm>> -> memref<64x128xf32, #tpu.memory_space<hbm>>
      %dma_wait3A_67 = arith.constant 0 : i32
      %dma_wait3A_68 = arith.constant 0 : i32
      %dma_wait3A_69 = tpu.memref_slice %arg3[%dma_wait3A_67, %dma_wait3A_68] : memref<100000x128xf32, #tpu.memory_space<hbm>> -> memref<64x128xf32, #tpu.memory_space<hbm>>
      tpu.wait_dma2 semaphore(%arg16 : memref<!tpu.dma_semaphore, #tpu.memory_space<semaphore_mem>>) src(%dma_wait3A_69 : memref<64x128xf32, #tpu.memory_space<hbm>>) dst(%arg6 : memref<64x128xf32, #tpu.memory_space<vmem>>)
      %dma_wait3A_70 = arith.constant 0 : i32
      %dma_wait3A_71 = arith.constant 0 : i32
      %dma_wait3A_72 = tpu.memref_slice %arg3[%dma_wait3A_70, %dma_wait3A_71] : memref<100000x128xf32, #tpu.memory_space<hbm>> -> memref<64x128xf32, #tpu.memory_space<hbm>>
      %dma_wait3A_73 = arith.constant 0 : i32
      %dma_wait3A_74 = arith.constant 0 : i32
      %dma_wait3A_75 = tpu.memref_slice %arg3[%dma_wait3A_73, %dma_wait3A_74] : memref<100000x128xf32, #tpu.memory_space<hbm>> -> memref<64x128xf32, #tpu.memory_space<hbm>>
      tpu.wait_dma2 semaphore(%arg16 : memref<!tpu.dma_semaphore, #tpu.memory_space<semaphore_mem>>) src(%dma_wait3A_75 : memref<64x128xf32, #tpu.memory_space<hbm>>) dst(%arg7 : memref<64x128xf32, #tpu.memory_space<vmem>>)
      %dma_wait3A_76 = arith.constant 0 : i32
      %dma_wait3A_77 = arith.constant 0 : i32
      %dma_wait3A_78 = tpu.memref_slice %arg3[%dma_wait3A_76, %dma_wait3A_77] : memref<100000x128xf32, #tpu.memory_space<hbm>> -> memref<64x128xf32, #tpu.memory_space<hbm>>
      %dma_wait3A_79 = arith.constant 0 : i32
      %dma_wait3A_80 = arith.constant 0 : i32
      %dma_wait3A_81 = tpu.memref_slice %arg3[%dma_wait3A_79, %dma_wait3A_80] : memref<100000x128xf32, #tpu.memory_space<hbm>> -> memref<64x128xf32, #tpu.memory_space<hbm>>
      tpu.wait_dma2 semaphore(%arg16 : memref<!tpu.dma_semaphore, #tpu.memory_space<semaphore_mem>>) src(%dma_wait3A_81 : memref<64x128xf32, #tpu.memory_space<hbm>>) dst(%arg8 : memref<64x128xf32, #tpu.memory_space<vmem>>)
      %scan3A_82 = arith.constant 0 : i32
      %scan3A_83 = arith.constant 0 : i32
      %scan3A_84 = arith.constant 8 : i32
      %scan3A_85 = arith.addi %scan3A_83, %scan3A_84 : i32
      %scan3A_86 = arith.constant 1 : i32
      %scan3A_87 = scf.for %scan3A_382 = %scan3A_83 to %scan3A_85 step %scan3A_86 iter_args(%scan3A_383 = %scan3A_82) -> (i32)  : i32 {
        %mul3A_384 = arith.constant 8 : i32
        %mul3A_385 = arith.muli %scan3A_382, %mul3A_384 : i32
        %add3A_386 = arith.constant 0 : i32
        %add3A_387 = arith.addi %mul3A_385, %add3A_386 : i32
        %get3A = arith.index_cast %add3A_387 : i32 to index
        %get3A_388 = arith.constant 0 : index
        %get3A_389 = tpu.vector_load %arg6[%get3A, %get3A_388] {strides = array<i32>} : memref<64x128xf32, #tpu.memory_space<vmem>>, vector<1x16xf32>,
        %get3A_390 = vector.shape_cast %get3A_389 : vector<1x16xf32> to vector<16xf32>
        %get3A_391 = arith.index_cast %add3A_387 : i32 to index
        %get3A_392 = arith.constant 0 : index
        %get3A_393 = tpu.vector_load %arg7[%get3A_391, %get3A_392] {strides = array<i32>} : memref<64x128xf32, #tpu.memory_space<vmem>>, vector<1x16xf32>,
        %get3A_394 = vector.shape_cast %get3A_393 : vector<1x16xf32> to vector<16xf32>
        %mul3A_395 = arith.mulf %get3A_390, %get3A_394 : vector<16xf32>
        %get3A_396 = arith.index_cast %add3A_387 : i32 to index
        %get3A_397 = arith.constant 0 : index
        %get3A_398 = tpu.vector_load %arg8[%get3A_396, %get3A_397] {strides = array<i32>} : memref<64x128xf32, #tpu.memory_space<vmem>>, vector<1x16xf32>,
        %get3A_399 = vector.shape_cast %get3A_398 : vector<1x16xf32> to vector<16xf32>
        %mul3A_400 = arith.mulf %mul3A_395, %get3A_399 : vector<16xf32>
        %get3A_401 = arith.index_cast %add3A_387 : i32 to index
        %get3A_402 = arith.constant 16 : index
        %get3A_403 = tpu.vector_load %arg6[%get3A_401, %get3A_402] {strides = array<i32>} : memref<64x128xf32, #tpu.memory_space<vmem>>, vector<1x16xf32>,
        %get3A_404 = vector.shape_cast %get3A_403 : vector<1x16xf32> to vector<16xf32>
        %get3A_405 = arith.index_cast %add3A_387 : i32 to index
        %get3A_406 = arith.constant 16 : index
        %get3A_407 = tpu.vector_load %arg7[%get3A_405, %get3A_406] {strides = array<i32>} : memref<64x128xf32, #tpu.memory_space<vmem>>, vector<1x16xf32>,
        %get3A_408 = vector.shape_cast %get3A_407 : vector<1x16xf32> to vector<16xf32>
        %mul3A_409 = arith.mulf %get3A_404, %get3A_408 : vector<16xf32>
        %get3A_410 = arith.index_cast %add3A_387 : i32 to index
        %get3A_411 = arith.constant 16 : index
        %get3A_412 = tpu.vector_load %arg8[%get3A_410, %get3A_411] {strides = array<i32>} : memref<64x128xf32, #tpu.memory_space<vmem>>, vector<1x16xf32>,
        %get3A_413 = vector.shape_cast %get3A_412 : vector<1x16xf32> to vector<16xf32>
        %mul3A_414 = arith.mulf %mul3A_409, %get3A_413 : vector<16xf32>
        %get3A_415 = arith.index_cast %add3A_387 : i32 to index
        %get3A_416 = arith.constant 32 : index
        %get3A_417 = tpu.vector_load %arg6[%get3A_415, %get3A_416] {strides = array<i32>} : memref<64x128xf32, #tpu.memory_space<vmem>>, vector<1x16xf32>,
        %get3A_418 = vector.shape_cast %get3A_417 : vector<1x16xf32> to vector<16xf32>
        %get3A_419 = arith.index_cast %add3A_387 : i32 to index
        %get3A_420 = arith.constant 32 : index
        %get3A_421 = tpu.vector_load %arg7[%get3A_419, %get3A_420] {strides = array<i32>} : memref<64x128xf32, #tpu.memory_space<vmem>>, vector<1x16xf32>,
        %get3A_422 = vector.shape_cast %get3A_421 : vector<1x16xf32> to vector<16xf32>
        %mul3A_423 = arith.mulf %get3A_418, %get3A_422 : vector<16xf32>
        %get3A_424 = arith.index_cast %add3A_387 : i32 to index
        %get3A_425 = arith.constant 32 : index
        %get3A_426 = tpu.vector_load %arg8[%get3A_424, %get3A_425] {strides = array<i32>} : memref<64x128xf32, #tpu.memory_space<vmem>>, vector<1x16xf32>,
        %get3A_427 = vector.shape_cast %get3A_426 : vector<1x16xf32> to vector<16xf32>
        %mul3A_428 = arith.mulf %mul3A_423, %get3A_427 : vector<16xf32>
        %get3A_429 = arith.index_cast %add3A_387 : i32 to index
        %get3A_430 = arith.constant 48 : index
        %get3A_431 = tpu.vector_load %arg6[%get3A_429, %get3A_430] {strides = array<i32>} : memref<64x128xf32, #tpu.memory_space<vmem>>, vector<1x16xf32>,
        %get3A_432 = vector.shape_cast %get3A_431 : vector<1x16xf32> to vector<16xf32>
        %get3A_433 = arith.index_cast %add3A_387 : i32 to index
        %get3A_434 = arith.constant 48 : index
        %get3A_435 = tpu.vector_load %arg7[%get3A_433, %get3A_434] {strides = array<i32>} : memref<64x128xf32, #tpu.memory_space<vmem>>, vector<1x16xf32>,
        %get3A_436 = vector.shape_cast %get3A_435 : vector<1x16xf32> to vector<16xf32>
        %mul3A_437 = arith.mulf %get3A_432, %get3A_436 : vector<16xf32>
        %get3A_438 = arith.index_cast %add3A_387 : i32 to index
        %get3A_439 = arith.constant 48 : index
        %get3A_440 = tpu.vector_load %arg8[%get3A_438, %get3A_439] {strides = array<i32>} : memref<64x128xf32, #tpu.memory_space<vmem>>, vector<1x16xf32>,
        %get3A_441 = vector.shape_cast %get3A_440 : vector<1x16xf32> to vector<16xf32>
        %mul3A_442 = arith.mulf %mul3A_437, %get3A_441 : vector<16xf32>
        %get3A_443 = arith.index_cast %add3A_387 : i32 to index
        %get3A_444 = arith.constant 64 : index
        %get3A_445 = tpu.vector_load %arg6[%get3A_443, %get3A_444] {strides = array<i32>} : memref<64x128xf32, #tpu.memory_space<vmem>>, vector<1x16xf32>,
        %get3A_446 = vector.shape_cast %get3A_445 : vector<1x16xf32> to vector<16xf32>
        %get3A_447 = arith.index_cast %add3A_387 : i32 to index
        %get3A_448 = arith.constant 64 : index
        %get3A_449 = tpu.vector_load %arg7[%get3A_447, %get3A_448] {strides = array<i32>} : memref<64x128xf32, #tpu.memory_space<vmem>>, vector<1x16xf32>,
        %get3A_450 = vector.shape_cast %get3A_449 : vector<1x16xf32> to vector<16xf32>
        %mul3A_451 = arith.mulf %get3A_446, %get3A_450 : vector<16xf32>
        %get3A_452 = arith.index_cast %add3A_387 : i32 to index
        %get3A_453 = arith.constant 64 : index
        %get3A_454 = tpu.vector_load %arg8[%get3A_452, %get3A_453] {strides = array<i32>} : memref<64x128xf32, #tpu.memory_space<vmem>>, vector<1x16xf32>,
        %get3A_455 = vector.shape_cast %get3A_454 : vector<1x16xf32> to vector<16xf32>
        %mul3A_456 = arith.mulf %mul3A_451, %get3A_455 : vector<16xf32>
        %get3A_457 = arith.index_cast %add3A_387 : i32 to index
        %get3A_458 = arith.constant 80 : index
        %get3A_459 = tpu.vector_load %arg6[%get3A_457, %get3A_458] {strides = array<i32>} : memref<64x128xf32, #tpu.memory_space<vmem>>, vector<1x16xf32>,
        %get3A_460 = vector.shape_cast %get3A_459 : vector<1x16xf32> to vector<16xf32>
        %get3A_461 = arith.index_cast %add3A_387 : i32 to index
        %get3A_462 = arith.constant 80 : index
        %get3A_463 = tpu.vector_load %arg7[%get3A_461, %get3A_462] {strides = array<i32>} : memref<64x128xf32, #tpu.memory_space<vmem>>, vector<1x16xf32>,
        %get3A_464 = vector.shape_cast %get3A_463 : vector<1x16xf32> to vector<16xf32>
        %mul3A_465 = arith.mulf %get3A_460, %get3A_464 : vector<16xf32>
        %get3A_466 = arith.index_cast %add3A_387 : i32 to index
        %get3A_467 = arith.constant 80 : index
        %get3A_468 = tpu.vector_load %arg8[%get3A_466, %get3A_467] {strides = array<i32>} : memref<64x128xf32, #tpu.memory_space<vmem>>, vector<1x16xf32>,
        %get3A_469 = vector.shape_cast %get3A_468 : vector<1x16xf32> to vector<16xf32>
        %mul3A_470 = arith.mulf %mul3A_465, %get3A_469 : vector<16xf32>
        %get3A_471 = arith.index_cast %add3A_387 : i32 to index
        %get3A_472 = arith.constant 96 : index
        %get3A_473 = tpu.vector_load %arg6[%get3A_471, %get3A_472] {strides = array<i32>} : memref<64x128xf32, #tpu.memory_space<vmem>>, vector<1x16xf32>,
        %get3A_474 = vector.shape_cast %get3A_473 : vector<1x16xf32> to vector<16xf32>
        %get3A_475 = arith.index_cast %add3A_387 : i32 to index
        %get3A_476 = arith.constant 96 : index
        %get3A_477 = tpu.vector_load %arg7[%get3A_475, %get3A_476] {strides = array<i32>} : memref<64x128xf32, #tpu.memory_space<vmem>>, vector<1x16xf32>,
        %get3A_478 = vector.shape_cast %get3A_477 : vector<1x16xf32> to vector<16xf32>
        %mul3A_479 = arith.mulf %get3A_474, %get3A_478 : vector<16xf32>
        %get3A_480 = arith.index_cast %add3A_387 : i32 to index
        %get3A_481 = arith.constant 96 : index
        %get3A_482 = tpu.vector_load %arg8[%get3A_480, %get3A_481] {strides = array<i32>} : memref<64x128xf32, #tpu.memory_space<vmem>>, vector<1x16xf32>,
        %get3A_483 = vector.shape_cast %get3A_482 : vector<1x16xf32> to vector<16xf32>
        %mul3A_484 = arith.mulf %mul3A_479, %get3A_483 : vector<16xf32>
        %get3A_485 = arith.index_cast %add3A_387 : i32 to index
        %get3A_486 = arith.constant 112 : index
        %get3A_487 = tpu.vector_load %arg6[%get3A_485, %get3A_486] {strides = array<i32>} : memref<64x128xf32, #tpu.memory_space<vmem>>, vector<1x16xf32>,
        %get3A_488 = vector.shape_cast %get3A_487 : vector<1x16xf32> to vector<16xf32>
        %get3A_489 = arith.index_cast %add3A_387 : i32 to index
        %get3A_490 = arith.constant 112 : index
        %get3A_491 = tpu.vector_load %arg7[%get3A_489, %get3A_490] {strides = array<i32>} : memref<64x128xf32, #tpu.memory_space<vmem>>, vector<1x16xf32>,
        %get3A_492 = vector.shape_cast %get3A_491 : vector<1x16xf32> to vector<16xf32>
        %mul3A_493 = arith.mulf %get3A_488, %get3A_492 : vector<16xf32>
        %get3A_494 = arith.index_cast %add3A_387 : i32 to index
        %get3A_495 = arith.constant 112 : index
        %get3A_496 = tpu.vector_load %arg8[%get3A_494, %get3A_495] {strides = array<i32>} : memref<64x128xf32, #tpu.memory_space<vmem>>, vector<1x16xf32>,
        %get3A_497 = vector.shape_cast %get3A_496 : vector<1x16xf32> to vector<16xf32>
        %mul3A_498 = arith.mulf %mul3A_493, %get3A_497 : vector<16xf32>
        %add3A_499 = arith.addf %mul3A_400, %mul3A_414 : vector<16xf32>
        %add3A_500 = arith.addf %mul3A_428, %mul3A_442 : vector<16xf32>
        %add3A_501 = arith.addf %mul3A_456, %mul3A_470 : vector<16xf32>
        %add3A_502 = arith.addf %mul3A_484, %mul3A_498 : vector<16xf32>
        %add3A_503 = arith.addf %add3A_499, %add3A_500 : vector<16xf32>
        %add3A_504 = arith.addf %add3A_501, %add3A_502 : vector<16xf32>
        %add3A_505 = arith.addf %add3A_503, %add3A_504 : vector<16xf32>
        %mul3A_506 = arith.constant 7.812500e-03 : f32
        %mul3A_507 = vector.broadcast %mul3A_506 : f32 to vector<16xf32>
        %mul3A_508 = arith.mulf %add3A_505, %mul3A_507 : vector<16xf32>
        %mul3A_509 = arith.constant 8 : i32
        %mul3A_510 = arith.muli %add3A_59, %mul3A_509 : i32
        %add3A_511 = arith.addi %mul3A_510, %scan3A_382 : i32
        %swap3A = arith.index_cast %add3A_511 : i32 to index
        %swap3A_512 = arith.constant 0 : index
        %swap3A_513 = tpu.vector_load %arg12[%swap3A, %swap3A_512] {strides = array<i32>} : memref<64x128xf32, #tpu.memory_space<vmem>>, vector<1x16xf32>,
        %swap3A_514 = vector.shape_cast %swap3A_513 : vector<1x16xf32> to vector<16xf32>
        %swap3A_515 = vector.shape_cast %mul3A_508 : vector<16xf32> to vector<1x16xf32>
        tpu.vector_store %arg12[%swap3A, %swap3A_512], %swap3A_515 {strides = array<i32>} : memref<64x128xf32, #tpu.memory_space<vmem>>, vector<1x16xf32>,
        %mul3A_516 = arith.constant 8 : i32
        %mul3A_517 = arith.muli %scan3A_382, %mul3A_516 : i32
        %add3A_518 = arith.constant 1 : i32
        %add3A_519 = arith.addi %mul3A_517, %add3A_518 : i32
        %get3A_520 = arith.index_cast %add3A_519 : i32 to index
        %get3A_521 = arith.constant 0 : index
        %get3A_522 = tpu.vector_load %arg6[%get3A_520, %get3A_521] {strides = array<i32>} : memref<64x128xf32, #tpu.memory_space<vmem>>, vector<1x16xf32>,
        %get3A_523 = vector.shape_cast %get3A_522 : vector<1x16xf32> to vector<16xf32>
        %get3A_524 = arith.index_cast %add3A_519 : i32 to index
        %get3A_525 = arith.constant 0 : index
        %get3A_526 = tpu.vector_load %arg7[%get3A_524, %get3A_525] {strides = array<i32>} : memref<64x128xf32, #tpu.memory_space<vmem>>, vector<1x16xf32>,
        %get3A_527 = vector.shape_cast %get3A_526 : vector<1x16xf32> to vector<16xf32>
        %mul3A_528 = arith.mulf %get3A_523, %get3A_527 : vector<16xf32>
        %get3A_529 = arith.index_cast %add3A_519 : i32 to index
        %get3A_530 = arith.constant 0 : index
        %get3A_531 = tpu.vector_load %arg8[%get3A_529, %get3A_530] {strides = array<i32>} : memref<64x128xf32, #tpu.memory_space<vmem>>, vector<1x16xf32>,
        %get3A_532 = vector.shape_cast %get3A_531 : vector<1x16xf32> to vector<16xf32>
        %mul3A_533 = arith.mulf %mul3A_528, %get3A_532 : vector<16xf32>
        %get3A_534 = arith.index_cast %add3A_519 : i32 to index
        %get3A_535 = arith.constant 16 : index
        %get3A_536 = tpu.vector_load %arg6[%get3A_534, %get3A_535] {strides = array<i32>} : memref<64x128xf32, #tpu.memory_space<vmem>>, vector<1x16xf32>,
        %get3A_537 = vector.shape_cast %get3A_536 : vector<1x16xf32> to vector<16xf32>
        %get3A_538 = arith.index_cast %add3A_519 : i32 to index
        %get3A_539 = arith.constant 16 : index
        %get3A_540 = tpu.vector_load %arg7[%get3A_538, %get3A_539] {strides = array<i32>} : memref<64x128xf32, #tpu.memory_space<vmem>>, vector<1x16xf32>,
        %get3A_541 = vector.shape_cast %get3A_540 : vector<1x16xf32> to vector<16xf32>
        %mul3A_542 = arith.mulf %get3A_537, %get3A_541 : vector<16xf32>
        %get3A_543 = arith.index_cast %add3A_519 : i32 to index
        %get3A_544 = arith.constant 16 : index
        %get3A_545 = tpu.vector_load %arg8[%get3A_543, %get3A_544] {strides = array<i32>} : memref<64x128xf32, #tpu.memory_space<vmem>>, vector<1x16xf32>,
        %get3A_546 = vector.shape_cast %get3A_545 : vector<1x16xf32> to vector<16xf32>
        %mul3A_547 = arith.mulf %mul3A_542, %get3A_546 : vector<16xf32>
        %get3A_548 = arith.index_cast %add3A_519 : i32 to index
        %get3A_549 = arith.constant 32 : index
        %get3A_550 = tpu.vector_load %arg6[%get3A_548, %get3A_549] {strides = array<i32>} : memref<64x128xf32, #tpu.memory_space<vmem>>, vector<1x16xf32>,
        %get3A_551 = vector.shape_cast %get3A_550 : vector<1x16xf32> to vector<16xf32>
        %get3A_552 = arith.index_cast %add3A_519 : i32 to index
        %get3A_553 = arith.constant 32 : index
        %get3A_554 = tpu.vector_load %arg7[%get3A_552, %get3A_553] {strides = array<i32>} : memref<64x128xf32, #tpu.memory_space<vmem>>, vector<1x16xf32>,
        %get3A_555 = vector.shape_cast %get3A_554 : vector<1x16xf32> to vector<16xf32>
        %mul3A_556 = arith.mulf %get3A_551, %get3A_555 : vector<16xf32>
        %get3A_557 = arith.index_cast %add3A_519 : i32 to index
        %get3A_558 = arith.constant 32 : index
        %get3A_559 = tpu.vector_load %arg8[%get3A_557, %get3A_558] {strides = array<i32>} : memref<64x128xf32, #tpu.memory_space<vmem>>, vector<1x16xf32>,
        %get3A_560 = vector.shape_cast %get3A_559 : vector<1x16xf32> to vector<16xf32>
        %mul3A_561 = arith.mulf %mul3A_556, %get3A_560 : vector<16xf32>
        %get3A_562 = arith.index_cast %add3A_519 : i32 to index
        %get3A_563 = arith.constant 48 : index
        %get3A_564 = tpu.vector_load %arg6[%get3A_562, %get3A_563] {strides = array<i32>} : memref<64x128xf32, #tpu.memory_space<vmem>>, vector<1x16xf32>,
        %get3A_565 = vector.shape_cast %get3A_564 : vector<1x16xf32> to vector<16xf32>
        %get3A_566 = arith.index_cast %add3A_519 : i32 to index
        %get3A_567 = arith.constant 48 : index
        %get3A_568 = tpu.vector_load %arg7[%get3A_566, %get3A_567] {strides = array<i32>} : memref<64x128xf32, #tpu.memory_space<vmem>>, vector<1x16xf32>,
        %get3A_569 = vector.shape_cast %get3A_568 : vector<1x16xf32> to vector<16xf32>
        %mul3A_570 = arith.mulf %get3A_565, %get3A_569 : vector<16xf32>
        %get3A_571 = arith.index_cast %add3A_519 : i32 to index
        %get3A_572 = arith.constant 48 : index
        %get3A_573 = tpu.vector_load %arg8[%get3A_571, %get3A_572] {strides = array<i32>} : memref<64x128xf32, #tpu.memory_space<vmem>>, vector<1x16xf32>,
        %get3A_574 = vector.shape_cast %get3A_573 : vector<1x16xf32> to vector<16xf32>
        %mul3A_575 = arith.mulf %mul3A_570, %get3A_574 : vector<16xf32>
        %get3A_576 = arith.index_cast %add3A_519 : i32 to index
        %get3A_577 = arith.constant 64 : index
        %get3A_578 = tpu.vector_load %arg6[%get3A_576, %get3A_577] {strides = array<i32>} : memref<64x128xf32, #tpu.memory_space<vmem>>, vector<1x16xf32>,
        %get3A_579 = vector.shape_cast %get3A_578 : vector<1x16xf32> to vector<16xf32>
        %get3A_580 = arith.index_cast %add3A_519 : i32 to index
        %get3A_581 = arith.constant 64 : index
        %get3A_582 = tpu.vector_load %arg7[%get3A_580, %get3A_581] {strides = array<i32>} : memref<64x128xf32, #tpu.memory_space<vmem>>, vector<1x16xf32>,
        %get3A_583 = vector.shape_cast %get3A_582 : vector<1x16xf32> to vector<16xf32>
        %mul3A_584 = arith.mulf %get3A_579, %get3A_583 : vector<16xf32>
        %get3A_585 = arith.index_cast %add3A_519 : i32 to index
        %get3A_586 = arith.constant 64 : index
        %get3A_587 = tpu.vector_load %arg8[%get3A_585, %get3A_586] {strides = array<i32>} : memref<64x128xf32, #tpu.memory_space<vmem>>, vector<1x16xf32>,
        %get3A_588 = vector.shape_cast %get3A_587 : vector<1x16xf32> to vector<16xf32>
        %mul3A_589 = arith.mulf %mul3A_584, %get3A_588 : vector<16xf32>
        %get3A_590 = arith.index_cast %add3A_519 : i32 to index
        %get3A_591 = arith.constant 80 : index
        %get3A_592 = tpu.vector_load %arg6[%get3A_590, %get3A_591] {strides = array<i32>} : memref<64x128xf32, #tpu.memory_space<vmem>>, vector<1x16xf32>,
        %get3A_593 = vector.shape_cast %get3A_592 : vector<1x16xf32> to vector<16xf32>
        %get3A_594 = arith.index_cast %add3A_519 : i32 to index
        %get3A_595 = arith.constant 80 : index
        %get3A_596 = tpu.vector_load %arg7[%get3A_594, %get3A_595] {strides = array<i32>} : memref<64x128xf32, #tpu.memory_space<vmem>>, vector<1x16xf32>,
        %get3A_597 = vector.shape_cast %get3A_596 : vector<1x16xf32> to vector<16xf32>
        %mul3A_598 = arith.mulf %get3A_593, %get3A_597 : vector<16xf32>
        %get3A_599 = arith.index_cast %add3A_519 : i32 to index
        %get3A_600 = arith.constant 80 : index
        %get3A_601 = tpu.vector_load %arg8[%get3A_599, %get3A_600] {strides = array<i32>} : memref<64x128xf32, #tpu.memory_space<vmem>>, vector<1x16xf32>,
        %get3A_602 = vector.shape_cast %get3A_601 : vector<1x16xf32> to vector<16xf32>
        %mul3A_603 = arith.mulf %mul3A_598, %get3A_602 : vector<16xf32>
        %get3A_604 = arith.index_cast %add3A_519 : i32 to index
        %get3A_605 = arith.constant 96 : index
        %get3A_606 = tpu.vector_load %arg6[%get3A_604, %get3A_605] {strides = array<i32>} : memref<64x128xf32, #tpu.memory_space<vmem>>, vector<1x16xf32>,
        %get3A_607 = vector.shape_cast %get3A_606 : vector<1x16xf32> to vector<16xf32>
        %get3A_608 = arith.index_cast %add3A_519 : i32 to index
        %get3A_609 = arith.constant 96 : index
        %get3A_610 = tpu.vector_load %arg7[%get3A_608, %get3A_609] {strides = array<i32>} : memref<64x128xf32, #tpu.memory_space<vmem>>, vector<1x16xf32>,
        %get3A_611 = vector.shape_cast %get3A_610 : vector<1x16xf32> to vector<16xf32>
        %mul3A_612 = arith.mulf %get3A_607, %get3A_611 : vector<16xf32>
        %get3A_613 = arith.index_cast %add3A_519 : i32 to index
        %get3A_614 = arith.constant 96 : index
        %get3A_615 = tpu.vector_load %arg8[%get3A_613, %get3A_614] {strides = array<i32>} : memref<64x128xf32, #tpu.memory_space<vmem>>, vector<1x16xf32>,
        %get3A_616 = vector.shape_cast %get3A_615 : vector<1x16xf32> to vector<16xf32>
        %mul3A_617 = arith.mulf %mul3A_612, %get3A_616 : vector<16xf32>
        %get3A_618 = arith.index_cast %add3A_519 : i32 to index
        %get3A_619 = arith.constant 112 : index
        %get3A_620 = tpu.vector_load %arg6[%get3A_618, %get3A_619] {strides = array<i32>} : memref<64x128xf32, #tpu.memory_space<vmem>>, vector<1x16xf32>,
        %get3A_621 = vector.shape_cast %get3A_620 : vector<1x16xf32> to vector<16xf32>
        %get3A_622 = arith.index_cast %add3A_519 : i32 to index
        %get3A_623 = arith.constant 112 : index
        %get3A_624 = tpu.vector_load %arg7[%get3A_622, %get3A_623] {strides = array<i32>} : memref<64x128xf32, #tpu.memory_space<vmem>>, vector<1x16xf32>,
        %get3A_625 = vector.shape_cast %get3A_624 : vector<1x16xf32> to vector<16xf32>
        %mul3A_626 = arith.mulf %get3A_621, %get3A_625 : vector<16xf32>
        %get3A_627 = arith.index_cast %add3A_519 : i32 to index
        %get3A_628 = arith.constant 112 : index
        %get3A_629 = tpu.vector_load %arg8[%get3A_627, %get3A_628] {strides = array<i32>} : memref<64x128xf32, #tpu.memory_space<vmem>>, vector<1x16xf32>,
        %get3A_630 = vector.shape_cast %get3A_629 : vector<1x16xf32> to vector<16xf32>
        %mul3A_631 = arith.mulf %mul3A_626, %get3A_630 : vector<16xf32>
        %add3A_632 = arith.addf %mul3A_533, %mul3A_547 : vector<16xf32>
        %add3A_633 = arith.addf %mul3A_561, %mul3A_575 : vector<16xf32>
        %add3A_634 = arith.addf %mul3A_589, %mul3A_603 : vector<16xf32>
        %add3A_635 = arith.addf %mul3A_617, %mul3A_631 : vector<16xf32>
        %add3A_636 = arith.addf %add3A_632, %add3A_633 : vector<16xf32>
        %add3A_637 = arith.addf %add3A_634, %add3A_635 : vector<16xf32>
        %add3A_638 = arith.addf %add3A_636, %add3A_637 : vector<16xf32>
        %mul3A_639 = arith.constant 7.812500e-03 : f32
        %mul3A_640 = vector.broadcast %mul3A_639 : f32 to vector<16xf32>
        %mul3A_641 = arith.mulf %add3A_638, %mul3A_640 : vector<16xf32>
        %mul3A_642 = arith.constant 8 : i32
        %mul3A_643 = arith.muli %add3A_59, %mul3A_642 : i32
        %add3A_644 = arith.addi %mul3A_643, %scan3A_382 : i32
        %swap3A_645 = arith.index_cast %add3A_644 : i32 to index
        %swap3A_646 = arith.constant 16 : index
        %swap3A_647 = tpu.vector_load %arg12[%swap3A_645, %swap3A_646] {strides = array<i32>} : memref<64x128xf32, #tpu.memory_space<vmem>>, vector<1x16xf32>,
        %swap3A_648 = vector.shape_cast %swap3A_647 : vector<1x16xf32> to vector<16xf32>
        %swap3A_649 = vector.shape_cast %mul3A_641 : vector<16xf32> to vector<1x16xf32>
        tpu.vector_store %arg12[%swap3A_645, %swap3A_646], %swap3A_649 {strides = array<i32>} : memref<64x128xf32, #tpu.memory_space<vmem>>, vector<1x16xf32>,
        %mul3A_650 = arith.constant 8 : i32
        %mul3A_651 = arith.muli %scan3A_382, %mul3A_650 : i32
        %add3A_652 = arith.constant 2 : i32
        %add3A_653 = arith.addi %mul3A_651, %add3A_652 : i32
        %get3A_654 = arith.index_cast %add3A_653 : i32 to index
        %get3A_655 = arith.constant 0 : index
        %get3A_656 = tpu.vector_load %arg6[%get3A_654, %get3A_655] {strides = array<i32>} : memref<64x128xf32, #tpu.memory_space<vmem>>, vector<1x16xf32>,
        %get3A_657 = vector.shape_cast %get3A_656 : vector<1x16xf32> to vector<16xf32>
        %get3A_658 = arith.index_cast %add3A_653 : i32 to index
        %get3A_659 = arith.constant 0 : index
        %get3A_660 = tpu.vector_load %arg7[%get3A_658, %get3A_659] {strides = array<i32>} : memref<64x128xf32, #tpu.memory_space<vmem>>, vector<1x16xf32>,
        %get3A_661 = vector.shape_cast %get3A_660 : vector<1x16xf32> to vector<16xf32>
        %mul3A_662 = arith.mulf %get3A_657, %get3A_661 : vector<16xf32>
        %get3A_663 = arith.index_cast %add3A_653 : i32 to index
        %get3A_664 = arith.constant 0 : index
        %get3A_665 = tpu.vector_load %arg8[%get3A_663, %get3A_664] {strides = array<i32>} : memref<64x128xf32, #tpu.memory_space<vmem>>, vector<1x16xf32>,
        %get3A_666 = vector.shape_cast %get3A_665 : vector<1x16xf32> to vector<16xf32>
        %mul3A_667 = arith.mulf %mul3A_662, %get3A_666 : vector<16xf32>
        %get3A_668 = arith.index_cast %add3A_653 : i32 to index
        %get3A_669 = arith.constant 16 : index
        %get3A_670 = tpu.vector_load %arg6[%get3A_668, %get3A_669] {strides = array<i32>} : memref<64x128xf32, #tpu.memory_space<vmem>>, vector<1x16xf32>,
        %get3A_671 = vector.shape_cast %get3A_670 : vector<1x16xf32> to vector<16xf32>
        %get3A_672 = arith.index_cast %add3A_653 : i32 to index
        %get3A_673 = arith.constant 16 : index
        %get3A_674 = tpu.vector_load %arg7[%get3A_672, %get3A_673] {strides = array<i32>} : memref<64x128xf32, #tpu.memory_space<vmem>>, vector<1x16xf32>,
        %get3A_675 = vector.shape_cast %get3A_674 : vector<1x16xf32> to vector<16xf32>
        %mul3A_676 = arith.mulf %get3A_671, %get3A_675 : vector<16xf32>
        %get3A_677 = arith.index_cast %add3A_653 : i32 to index
        %get3A_678 = arith.constant 16 : index
        %get3A_679 = tpu.vector_load %arg8[%get3A_677, %get3A_678] {strides = array<i32>} : memref<64x128xf32, #tpu.memory_space<vmem>>, vector<1x16xf32>,
        %get3A_680 = vector.shape_cast %get3A_679 : vector<1x16xf32> to vector<16xf32>
        %mul3A_681 = arith.mulf %mul3A_676, %get3A_680 : vector<16xf32>
        %get3A_682 = arith.index_cast %add3A_653 : i32 to index
        %get3A_683 = arith.constant 32 : index
        %get3A_684 = tpu.vector_load %arg6[%get3A_682, %get3A_683] {strides = array<i32>} : memref<64x128xf32, #tpu.memory_space<vmem>>, vector<1x16xf32>,
        %get3A_685 = vector.shape_cast %get3A_684 : vector<1x16xf32> to vector<16xf32>
        %get3A_686 = arith.index_cast %add3A_653 : i32 to index
        %get3A_687 = arith.constant 32 : index
        %get3A_688 = tpu.vector_load %arg7[%get3A_686, %get3A_687] {strides = array<i32>} : memref<64x128xf32, #tpu.memory_space<vmem>>, vector<1x16xf32>,
        %get3A_689 = vector.shape_cast %get3A_688 : vector<1x16xf32> to vector<16xf32>
        %mul3A_690 = arith.mulf %get3A_685, %get3A_689 : vector<16xf32>
        %get3A_691 = arith.index_cast %add3A_653 : i32 to index
        %get3A_692 = arith.constant 32 : index
        %get3A_693 = tpu.vector_load %arg8[%get3A_691, %get3A_692] {strides = array<i32>} : memref<64x128xf32, #tpu.memory_space<vmem>>, vector<1x16xf32>,
        %get3A_694 = vector.shape_cast %get3A_693 : vector<1x16xf32> to vector<16xf32>
        %mul3A_695 = arith.mulf %mul3A_690, %get3A_694 : vector<16xf32>
        %get3A_696 = arith.index_cast %add3A_653 : i32 to index
        %get3A_697 = arith.constant 48 : index
        %get3A_698 = tpu.vector_load %arg6[%get3A_696, %get3A_697] {strides = array<i32>} : memref<64x128xf32, #tpu.memory_space<vmem>>, vector<1x16xf32>,
        %get3A_699 = vector.shape_cast %get3A_698 : vector<1x16xf32> to vector<16xf32>
        %get3A_700 = arith.index_cast %add3A_653 : i32 to index
        %get3A_701 = arith.constant 48 : index
        %get3A_702 = tpu.vector_load %arg7[%get3A_700, %get3A_701] {strides = array<i32>} : memref<64x128xf32, #tpu.memory_space<vmem>>, vector<1x16xf32>,
        %get3A_703 = vector.shape_cast %get3A_702 : vector<1x16xf32> to vector<16xf32>
        %mul3A_704 = arith.mulf %get3A_699, %get3A_703 : vector<16xf32>
        %get3A_705 = arith.index_cast %add3A_653 : i32 to index
        %get3A_706 = arith.constant 48 : index
        %get3A_707 = tpu.vector_load %arg8[%get3A_705, %get3A_706] {strides = array<i32>} : memref<64x128xf32, #tpu.memory_space<vmem>>, vector<1x16xf32>,
        %get3A_708 = vector.shape_cast %get3A_707 : vector<1x16xf32> to vector<16xf32>
        %mul3A_709 = arith.mulf %mul3A_704, %get3A_708 : vector<16xf32>
        %get3A_710 = arith.index_cast %add3A_653 : i32 to index
        %get3A_711 = arith.constant 64 : index
        %get3A_712 = tpu.vector_load %arg6[%get3A_710, %get3A_711] {strides = array<i32>} : memref<64x128xf32, #tpu.memory_space<vmem>>, vector<1x16xf32>,
        %get3A_713 = vector.shape_cast %get3A_712 : vector<1x16xf32> to vector<16xf32>
        %get3A_714 = arith.index_cast %add3A_653 : i32 to index
        %get3A_715 = arith.constant 64 : index
        %get3A_716 = tpu.vector_load %arg7[%get3A_714, %get3A_715] {strides = array<i32>} : memref<64x128xf32, #tpu.memory_space<vmem>>, vector<1x16xf32>,
        %get3A_717 = vector.shape_cast %get3A_716 : vector<1x16xf32> to vector<16xf32>
        %mul3A_718 = arith.mulf %get3A_713, %get3A_717 : vector<16xf32>
        %get3A_719 = arith.index_cast %add3A_653 : i32 to index
        %get3A_720 = arith.constant 64 : index
        %get3A_721 = tpu.vector_load %arg8[%get3A_719, %get3A_720] {strides = array<i32>} : memref<64x128xf32, #tpu.memory_space<vmem>>, vector<1x16xf32>,
        %get3A_722 = vector.shape_cast %get3A_721 : vector<1x16xf32> to vector<16xf32>
        %mul3A_723 = arith.mulf %mul3A_718, %get3A_722 : vector<16xf32>
        %get3A_724 = arith.index_cast %add3A_653 : i32 to index
        %get3A_725 = arith.constant 80 : index
        %get3A_726 = tpu.vector_load %arg6[%get3A_724, %get3A_725] {strides = array<i32>} : memref<64x128xf32, #tpu.memory_space<vmem>>, vector<1x16xf32>,
        %get3A_727 = vector.shape_cast %get3A_726 : vector<1x16xf32> to vector<16xf32>
        %get3A_728 = arith.index_cast %add3A_653 : i32 to index
        %get3A_729 = arith.constant 80 : index
        %get3A_730 = tpu.vector_load %arg7[%get3A_728, %get3A_729] {strides = array<i32>} : memref<64x128xf32, #tpu.memory_space<vmem>>, vector<1x16xf32>,
        %get3A_731 = vector.shape_cast %get3A_730 : vector<1x16xf32> to vector<16xf32>
        %mul3A_732 = arith.mulf %get3A_727, %get3A_731 : vector<16xf32>
        %get3A_733 = arith.index_cast %add3A_653 : i32 to index
        %get3A_734 = arith.constant 80 : index
        %get3A_735 = tpu.vector_load %arg8[%get3A_733, %get3A_734] {strides = array<i32>} : memref<64x128xf32, #tpu.memory_space<vmem>>, vector<1x16xf32>,
        %get3A_736 = vector.shape_cast %get3A_735 : vector<1x16xf32> to vector<16xf32>
        %mul3A_737 = arith.mulf %mul3A_732, %get3A_736 : vector<16xf32>
        %get3A_738 = arith.index_cast %add3A_653 : i32 to index
        %get3A_739 = arith.constant 96 : index
        %get3A_740 = tpu.vector_load %arg6[%get3A_738, %get3A_739] {strides = array<i32>} : memref<64x128xf32, #tpu.memory_space<vmem>>, vector<1x16xf32>,
        %get3A_741 = vector.shape_cast %get3A_740 : vector<1x16xf32> to vector<16xf32>
        %get3A_742 = arith.index_cast %add3A_653 : i32 to index
        %get3A_743 = arith.constant 96 : index
        %get3A_744 = tpu.vector_load %arg7[%get3A_742, %get3A_743] {strides = array<i32>} : memref<64x128xf32, #tpu.memory_space<vmem>>, vector<1x16xf32>,
        %get3A_745 = vector.shape_cast %get3A_744 : vector<1x16xf32> to vector<16xf32>
        %mul3A_746 = arith.mulf %get3A_741, %get3A_745 : vector<16xf32>
        %get3A_747 = arith.index_cast %add3A_653 : i32 to index
        %get3A_748 = arith.constant 96 : index
        %get3A_749 = tpu.vector_load %arg8[%get3A_747, %get3A_748] {strides = array<i32>} : memref<64x128xf32, #tpu.memory_space<vmem>>, vector<1x16xf32>,
        %get3A_750 = vector.shape_cast %get3A_749 : vector<1x16xf32> to vector<16xf32>
        %mul3A_751 = arith.mulf %mul3A_746, %get3A_750 : vector<16xf32>
        %get3A_752 = arith.index_cast %add3A_653 : i32 to index
        %get3A_753 = arith.constant 112 : index
        %get3A_754 = tpu.vector_load %arg6[%get3A_752, %get3A_753] {strides = array<i32>} : memref<64x128xf32, #tpu.memory_space<vmem>>, vector<1x16xf32>,
        %get3A_755 = vector.shape_cast %get3A_754 : vector<1x16xf32> to vector<16xf32>
        %get3A_756 = arith.index_cast %add3A_653 : i32 to index
        %get3A_757 = arith.constant 112 : index
        %get3A_758 = tpu.vector_load %arg7[%get3A_756, %get3A_757] {strides = array<i32>} : memref<64x128xf32, #tpu.memory_space<vmem>>, vector<1x16xf32>,
        %get3A_759 = vector.shape_cast %get3A_758 : vector<1x16xf32> to vector<16xf32>
        %mul3A_760 = arith.mulf %get3A_755, %get3A_759 : vector<16xf32>
        %get3A_761 = arith.index_cast %add3A_653 : i32 to index
        %get3A_762 = arith.constant 112 : index
        %get3A_763 = tpu.vector_load %arg8[%get3A_761, %get3A_762] {strides = array<i32>} : memref<64x128xf32, #tpu.memory_space<vmem>>, vector<1x16xf32>,
        %get3A_764 = vector.shape_cast %get3A_763 : vector<1x16xf32> to vector<16xf32>
        %mul3A_765 = arith.mulf %mul3A_760, %get3A_764 : vector<16xf32>
        %add3A_766 = arith.addf %mul3A_667, %mul3A_681 : vector<16xf32>
        %add3A_767 = arith.addf %mul3A_695, %mul3A_709 : vector<16xf32>
        %add3A_768 = arith.addf %mul3A_723, %mul3A_737 : vector<16xf32>
        %add3A_769 = arith.addf %mul3A_751, %mul3A_765 : vector<16xf32>
        %add3A_770 = arith.addf %add3A_766, %add3A_767 : vector<16xf32>
        %add3A_771 = arith.addf %add3A_768, %add3A_769 : vector<16xf32>
        %add3A_772 = arith.addf %add3A_770, %add3A_771 : vector<16xf32>
        %mul3A_773 = arith.constant 7.812500e-03 : f32
        %mul3A_774 = vector.broadcast %mul3A_773 : f32 to vector<16xf32>
        %mul3A_775 = arith.mulf %add3A_772, %mul3A_774 : vector<16xf32>
        %mul3A_776 = arith.constant 8 : i32
        %mul3A_777 = arith.muli %add3A_59, %mul3A_776 : i32
        %add3A_778 = arith.addi %mul3A_777, %scan3A_382 : i32
        %swap3A_779 = arith.index_cast %add3A_778 : i32 to index
        %swap3A_780 = arith.constant 32 : index
        %swap3A_781 = tpu.vector_load %arg12[%swap3A_779, %swap3A_780] {strides = array<i32>} : memref<64x128xf32, #tpu.memory_space<vmem>>, vector<1x16xf32>,
        %swap3A_782 = vector.shape_cast %swap3A_781 : vector<1x16xf32> to vector<16xf32>
        %swap3A_783 = vector.shape_cast %mul3A_775 : vector<16xf32> to vector<1x16xf32>
        tpu.vector_store %arg12[%swap3A_779, %swap3A_780], %swap3A_783 {strides = array<i32>} : memref<64x128xf32, #tpu.memory_space<vmem>>, vector<1x16xf32>,
        %mul3A_784 = arith.constant 8 : i32
        %mul3A_785 = arith.muli %scan3A_382, %mul3A_784 : i32
        %add3A_786 = arith.constant 3 : i32
        %add3A_787 = arith.addi %mul3A_785, %add3A_786 : i32
        %get3A_788 = arith.index_cast %add3A_787 : i32 to index
        %get3A_789 = arith.constant 0 : index
        %get3A_790 = tpu.vector_load %arg6[%get3A_788, %get3A_789] {strides = array<i32>} : memref<64x128xf32, #tpu.memory_space<vmem>>, vector<1x16xf32>,
        %get3A_791 = vector.shape_cast %get3A_790 : vector<1x16xf32> to vector<16xf32>
        %get3A_792 = arith.index_cast %add3A_787 : i32 to index
        %get3A_793 = arith.constant 0 : index
        %get3A_794 = tpu.vector_load %arg7[%get3A_792, %get3A_793] {strides = array<i32>} : memref<64x128xf32, #tpu.memory_space<vmem>>, vector<1x16xf32>,
        %get3A_795 = vector.shape_cast %get3A_794 : vector<1x16xf32> to vector<16xf32>
        %mul3A_796 = arith.mulf %get3A_791, %get3A_795 : vector<16xf32>
        %get3A_797 = arith.index_cast %add3A_787 : i32 to index
        %get3A_798 = arith.constant 0 : index
        %get3A_799 = tpu.vector_load %arg8[%get3A_797, %get3A_798] {strides = array<i32>} : memref<64x128xf32, #tpu.memory_space<vmem>>, vector<1x16xf32>,
        %get3A_800 = vector.shape_cast %get3A_799 : vector<1x16xf32> to vector<16xf32>
        %mul3A_801 = arith.mulf %mul3A_796, %get3A_800 : vector<16xf32>
        %get3A_802 = arith.index_cast %add3A_787 : i32 to index
        %get3A_803 = arith.constant 16 : index
        %get3A_804 = tpu.vector_load %arg6[%get3A_802, %get3A_803] {strides = array<i32>} : memref<64x128xf32, #tpu.memory_space<vmem>>, vector<1x16xf32>,
        %get3A_805 = vector.shape_cast %get3A_804 : vector<1x16xf32> to vector<16xf32>
        %get3A_806 = arith.index_cast %add3A_787 : i32 to index
        %get3A_807 = arith.constant 16 : index
        %get3A_808 = tpu.vector_load %arg7[%get3A_806, %get3A_807] {strides = array<i32>} : memref<64x128xf32, #tpu.memory_space<vmem>>, vector<1x16xf32>,
        %get3A_809 = vector.shape_cast %get3A_808 : vector<1x16xf32> to vector<16xf32>
        %mul3A_810 = arith.mulf %get3A_805, %get3A_809 : vector<16xf32>
        %get3A_811 = arith.index_cast %add3A_787 : i32 to index
        %get3A_812 = arith.constant 16 : index
        %get3A_813 = tpu.vector_load %arg8[%get3A_811, %get3A_812] {strides = array<i32>} : memref<64x128xf32, #tpu.memory_space<vmem>>, vector<1x16xf32>,
        %get3A_814 = vector.shape_cast %get3A_813 : vector<1x16xf32> to vector<16xf32>
        %mul3A_815 = arith.mulf %mul3A_810, %get3A_814 : vector<16xf32>
        %get3A_816 = arith.index_cast %add3A_787 : i32 to index
        %get3A_817 = arith.constant 32 : index
        %get3A_818 = tpu.vector_load %arg6[%get3A_816, %get3A_817] {strides = array<i32>} : memref<64x128xf32, #tpu.memory_space<vmem>>, vector<1x16xf32>,
        %get3A_819 = vector.shape_cast %get3A_818 : vector<1x16xf32> to vector<16xf32>
        %get3A_820 = arith.index_cast %add3A_787 : i32 to index
        %get3A_821 = arith.constant 32 : index
        %get3A_822 = tpu.vector_load %arg7[%get3A_820, %get3A_821] {strides = array<i32>} : memref<64x128xf32, #tpu.memory_space<vmem>>, vector<1x16xf32>,
        %get3A_823 = vector.shape_cast %get3A_822 : vector<1x16xf32> to vector<16xf32>
        %mul3A_824 = arith.mulf %get3A_819, %get3A_823 : vector<16xf32>
        %get3A_825 = arith.index_cast %add3A_787 : i32 to index
        %get3A_826 = arith.constant 32 : index
        %get3A_827 = tpu.vector_load %arg8[%get3A_825, %get3A_826] {strides = array<i32>} : memref<64x128xf32, #tpu.memory_space<vmem>>, vector<1x16xf32>,
        %get3A_828 = vector.shape_cast %get3A_827 : vector<1x16xf32> to vector<16xf32>
        %mul3A_829 = arith.mulf %mul3A_824, %get3A_828 : vector<16xf32>
        %get3A_830 = arith.index_cast %add3A_787 : i32 to index
        %get3A_831 = arith.constant 48 : index
        %get3A_832 = tpu.vector_load %arg6[%get3A_830, %get3A_831] {strides = array<i32>} : memref<64x128xf32, #tpu.memory_space<vmem>>, vector<1x16xf32>,
        %get3A_833 = vector.shape_cast %get3A_832 : vector<1x16xf32> to vector<16xf32>
        %get3A_834 = arith.index_cast %add3A_787 : i32 to index
        %get3A_835 = arith.constant 48 : index
        %get3A_836 = tpu.vector_load %arg7[%get3A_834, %get3A_835] {strides = array<i32>} : memref<64x128xf32, #tpu.memory_space<vmem>>, vector<1x16xf32>,
        %get3A_837 = vector.shape_cast %get3A_836 : vector<1x16xf32> to vector<16xf32>
        %mul3A_838 = arith.mulf %get3A_833, %get3A_837 : vector<16xf32>
        %get3A_839 = arith.index_cast %add3A_787 : i32 to index
        %get3A_840 = arith.constant 48 : index
        %get3A_841 = tpu.vector_load %arg8[%get3A_839, %get3A_840] {strides = array<i32>} : memref<64x128xf32, #tpu.memory_space<vmem>>, vector<1x16xf32>,
        %get3A_842 = vector.shape_cast %get3A_841 : vector<1x16xf32> to vector<16xf32>
        %mul3A_843 = arith.mulf %mul3A_838, %get3A_842 : vector<16xf32>
        %get3A_844 = arith.index_cast %add3A_787 : i32 to index
        %get3A_845 = arith.constant 64 : index
        %get3A_846 = tpu.vector_load %arg6[%get3A_844, %get3A_845] {strides = array<i32>} : memref<64x128xf32, #tpu.memory_space<vmem>>, vector<1x16xf32>,
        %get3A_847 = vector.shape_cast %get3A_846 : vector<1x16xf32> to vector<16xf32>
        %get3A_848 = arith.index_cast %add3A_787 : i32 to index
        %get3A_849 = arith.constant 64 : index
        %get3A_850 = tpu.vector_load %arg7[%get3A_848, %get3A_849] {strides = array<i32>} : memref<64x128xf32, #tpu.memory_space<vmem>>, vector<1x16xf32>,
        %get3A_851 = vector.shape_cast %get3A_850 : vector<1x16xf32> to vector<16xf32>
        %mul3A_852 = arith.mulf %get3A_847, %get3A_851 : vector<16xf32>
        %get3A_853 = arith.index_cast %add3A_787 : i32 to index
        %get3A_854 = arith.constant 64 : index
        %get3A_855 = tpu.vector_load %arg8[%get3A_853, %get3A_854] {strides = array<i32>} : memref<64x128xf32, #tpu.memory_space<vmem>>, vector<1x16xf32>,
        %get3A_856 = vector.shape_cast %get3A_855 : vector<1x16xf32> to vector<16xf32>
        %mul3A_857 = arith.mulf %mul3A_852, %get3A_856 : vector<16xf32>
        %get3A_858 = arith.index_cast %add3A_787 : i32 to index
        %get3A_859 = arith.constant 80 : index
        %get3A_860 = tpu.vector_load %arg6[%get3A_858, %get3A_859] {strides = array<i32>} : memref<64x128xf32, #tpu.memory_space<vmem>>, vector<1x16xf32>,
        %get3A_861 = vector.shape_cast %get3A_860 : vector<1x16xf32> to vector<16xf32>
        %get3A_862 = arith.index_cast %add3A_787 : i32 to index
        %get3A_863 = arith.constant 80 : index
        %get3A_864 = tpu.vector_load %arg7[%get3A_862, %get3A_863] {strides = array<i32>} : memref<64x128xf32, #tpu.memory_space<vmem>>, vector<1x16xf32>,
        %get3A_865 = vector.shape_cast %get3A_864 : vector<1x16xf32> to vector<16xf32>
        %mul3A_866 = arith.mulf %get3A_861, %get3A_865 : vector<16xf32>
        %get3A_867 = arith.index_cast %add3A_787 : i32 to index
        %get3A_868 = arith.constant 80 : index
        %get3A_869 = tpu.vector_load %arg8[%get3A_867, %get3A_868] {strides = array<i32>} : memref<64x128xf32, #tpu.memory_space<vmem>>, vector<1x16xf32>,
        %get3A_870 = vector.shape_cast %get3A_869 : vector<1x16xf32> to vector<16xf32>
        %mul3A_871 = arith.mulf %mul3A_866, %get3A_870 : vector<16xf32>
        %get3A_872 = arith.index_cast %add3A_787 : i32 to index
        %get3A_873 = arith.constant 96 : index
        %get3A_874 = tpu.vector_load %arg6[%get3A_872, %get3A_873] {strides = array<i32>} : memref<64x128xf32, #tpu.memory_space<vmem>>, vector<1x16xf32>,
        %get3A_875 = vector.shape_cast %get3A_874 : vector<1x16xf32> to vector<16xf32>
        %get3A_876 = arith.index_cast %add3A_787 : i32 to index
        %get3A_877 = arith.constant 96 : index
        %get3A_878 = tpu.vector_load %arg7[%get3A_876, %get3A_877] {strides = array<i32>} : memref<64x128xf32, #tpu.memory_space<vmem>>, vector<1x16xf32>,
        %get3A_879 = vector.shape_cast %get3A_878 : vector<1x16xf32> to vector<16xf32>
        %mul3A_880 = arith.mulf %get3A_875, %get3A_879 : vector<16xf32>
        %get3A_881 = arith.index_cast %add3A_787 : i32 to index
        %get3A_882 = arith.constant 96 : index
        %get3A_883 = tpu.vector_load %arg8[%get3A_881, %get3A_882] {strides = array<i32>} : memref<64x128xf32, #tpu.memory_space<vmem>>, vector<1x16xf32>,
        %get3A_884 = vector.shape_cast %get3A_883 : vector<1x16xf32> to vector<16xf32>
        %mul3A_885 = arith.mulf %mul3A_880, %get3A_884 : vector<16xf32>
        %get3A_886 = arith.index_cast %add3A_787 : i32 to index
        %get3A_887 = arith.constant 112 : index
        %get3A_888 = tpu.vector_load %arg6[%get3A_886, %get3A_887] {strides = array<i32>} : memref<64x128xf32, #tpu.memory_space<vmem>>, vector<1x16xf32>,
        %get3A_889 = vector.shape_cast %get3A_888 : vector<1x16xf32> to vector<16xf32>
        %get3A_890 = arith.index_cast %add3A_787 : i32 to index
        %get3A_891 = arith.constant 112 : index
        %get3A_892 = tpu.vector_load %arg7[%get3A_890, %get3A_891] {strides = array<i32>} : memref<64x128xf32, #tpu.memory_space<vmem>>, vector<1x16xf32>,
        %get3A_893 = vector.shape_cast %get3A_892 : vector<1x16xf32> to vector<16xf32>
        %mul3A_894 = arith.mulf %get3A_889, %get3A_893 : vector<16xf32>
        %get3A_895 = arith.index_cast %add3A_787 : i32 to index
        %get3A_896 = arith.constant 112 : index
        %get3A_897 = tpu.vector_load %arg8[%get3A_895, %get3A_896] {strides = array<i32>} : memref<64x128xf32, #tpu.memory_space<vmem>>, vector<1x16xf32>,
        %get3A_898 = vector.shape_cast %get3A_897 : vector<1x16xf32> to vector<16xf32>
        %mul3A_899 = arith.mulf %mul3A_894, %get3A_898 : vector<16xf32>
        %add3A_900 = arith.addf %mul3A_801, %mul3A_815 : vector<16xf32>
        %add3A_901 = arith.addf %mul3A_829, %mul3A_843 : vector<16xf32>
        %add3A_902 = arith.addf %mul3A_857, %mul3A_871 : vector<16xf32>
        %add3A_903 = arith.addf %mul3A_885, %mul3A_899 : vector<16xf32>
        %add3A_904 = arith.addf %add3A_900, %add3A_901 : vector<16xf32>
        %add3A_905 = arith.addf %add3A_902, %add3A_903 : vector<16xf32>
        %add3A_906 = arith.addf %add3A_904, %add3A_905 : vector<16xf32>
        %mul3A_907 = arith.constant 7.812500e-03 : f32
        %mul3A_908 = vector.broadcast %mul3A_907 : f32 to vector<16xf32>
        %mul3A_909 = arith.mulf %add3A_906, %mul3A_908 : vector<16xf32>
        %mul3A_910 = arith.constant 8 : i32
        %mul3A_911 = arith.muli %add3A_59, %mul3A_910 : i32
        %add3A_912 = arith.addi %mul3A_911, %scan3A_382 : i32
        %swap3A_913 = arith.index_cast %add3A_912 : i32 to index
        %swap3A_914 = arith.constant 48 : index
        %swap3A_915 = tpu.vector_load %arg12[%swap3A_913, %swap3A_914] {strides = array<i32>} : memref<64x128xf32, #tpu.memory_space<vmem>>, vector<1x16xf32>,
        %swap3A_916 = vector.shape_cast %swap3A_915 : vector<1x16xf32> to vector<16xf32>
        %swap3A_917 = vector.shape_cast %mul3A_909 : vector<16xf32> to vector<1x16xf32>
        tpu.vector_store %arg12[%swap3A_913, %swap3A_914], %swap3A_917 {strides = array<i32>} : memref<64x128xf32, #tpu.memory_space<vmem>>, vector<1x16xf32>,
        %mul3A_918 = arith.constant 8 : i32
        %mul3A_919 = arith.muli %scan3A_382, %mul3A_918 : i32
        %add3A_920 = arith.constant 4 : i32
        %add3A_921 = arith.addi %mul3A_919, %add3A_920 : i32
        %get3A_922 = arith.index_cast %add3A_921 : i32 to index
        %get3A_923 = arith.constant 0 : index
        %get3A_924 = tpu.vector_load %arg6[%get3A_922, %get3A_923] {strides = array<i32>} : memref<64x128xf32, #tpu.memory_space<vmem>>, vector<1x16xf32>,
        %get3A_925 = vector.shape_cast %get3A_924 : vector<1x16xf32> to vector<16xf32>
        %get3A_926 = arith.index_cast %add3A_921 : i32 to index
        %get3A_927 = arith.constant 0 : index
        %get3A_928 = tpu.vector_load %arg7[%get3A_926, %get3A_927] {strides = array<i32>} : memref<64x128xf32, #tpu.memory_space<vmem>>, vector<1x16xf32>,
        %get3A_929 = vector.shape_cast %get3A_928 : vector<1x16xf32> to vector<16xf32>
        %mul3A_930 = arith.mulf %get3A_925, %get3A_929 : vector<16xf32>
        %get3A_931 = arith.index_cast %add3A_921 : i32 to index
        %get3A_932 = arith.constant 0 : index
        %get3A_933 = tpu.vector_load %arg8[%get3A_931, %get3A_932] {strides = array<i32>} : memref<64x128xf32, #tpu.memory_space<vmem>>, vector<1x16xf32>,
        %get3A_934 = vector.shape_cast %get3A_933 : vector<1x16xf32> to vector<16xf32>
        %mul3A_935 = arith.mulf %mul3A_930, %get3A_934 : vector<16xf32>
        %get3A_936 = arith.index_cast %add3A_921 : i32 to index
        %get3A_937 = arith.constant 16 : index
        %get3A_938 = tpu.vector_load %arg6[%get3A_936, %get3A_937] {strides = array<i32>} : memref<64x128xf32, #tpu.memory_space<vmem>>, vector<1x16xf32>,
        %get3A_939 = vector.shape_cast %get3A_938 : vector<1x16xf32> to vector<16xf32>
        %get3A_940 = arith.index_cast %add3A_921 : i32 to index
        %get3A_941 = arith.constant 16 : index
        %get3A_942 = tpu.vector_load %arg7[%get3A_940, %get3A_941] {strides = array<i32>} : memref<64x128xf32, #tpu.memory_space<vmem>>, vector<1x16xf32>,
        %get3A_943 = vector.shape_cast %get3A_942 : vector<1x16xf32> to vector<16xf32>
        %mul3A_944 = arith.mulf %get3A_939, %get3A_943 : vector<16xf32>
        %get3A_945 = arith.index_cast %add3A_921 : i32 to index
        %get3A_946 = arith.constant 16 : index
        %get3A_947 = tpu.vector_load %arg8[%get3A_945, %get3A_946] {strides = array<i32>} : memref<64x128xf32, #tpu.memory_space<vmem>>, vector<1x16xf32>,
        %get3A_948 = vector.shape_cast %get3A_947 : vector<1x16xf32> to vector<16xf32>
        %mul3A_949 = arith.mulf %mul3A_944, %get3A_948 : vector<16xf32>
        %get3A_950 = arith.index_cast %add3A_921 : i32 to index
        %get3A_951 = arith.constant 32 : index
        %get3A_952 = tpu.vector_load %arg6[%get3A_950, %get3A_951] {strides = array<i32>} : memref<64x128xf32, #tpu.memory_space<vmem>>, vector<1x16xf32>,
        %get3A_953 = vector.shape_cast %get3A_952 : vector<1x16xf32> to vector<16xf32>
        %get3A_954 = arith.index_cast %add3A_921 : i32 to index
        %get3A_955 = arith.constant 32 : index
        %get3A_956 = tpu.vector_load %arg7[%get3A_954, %get3A_955] {strides = array<i32>} : memref<64x128xf32, #tpu.memory_space<vmem>>, vector<1x16xf32>,
        %get3A_957 = vector.shape_cast %get3A_956 : vector<1x16xf32> to vector<16xf32>
        %mul3A_958 = arith.mulf %get3A_953, %get3A_957 : vector<16xf32>
        %get3A_959 = arith.index_cast %add3A_921 : i32 to index
        %get3A_960 = arith.constant 32 : index
        %get3A_961 = tpu.vector_load %arg8[%get3A_959, %get3A_960] {strides = array<i32>} : memref<64x128xf32, #tpu.memory_space<vmem>>, vector<1x16xf32>,
        %get3A_962 = vector.shape_cast %get3A_961 : vector<1x16xf32> to vector<16xf32>
        %mul3A_963 = arith.mulf %mul3A_958, %get3A_962 : vector<16xf32>
        %get3A_964 = arith.index_cast %add3A_921 : i32 to index
        %get3A_965 = arith.constant 48 : index
        %get3A_966 = tpu.vector_load %arg6[%get3A_964, %get3A_965] {strides = array<i32>} : memref<64x128xf32, #tpu.memory_space<vmem>>, vector<1x16xf32>,
        %get3A_967 = vector.shape_cast %get3A_966 : vector<1x16xf32> to vector<16xf32>
        %get3A_968 = arith.index_cast %add3A_921 : i32 to index
        %get3A_969 = arith.constant 48 : index
        %get3A_970 = tpu.vector_load %arg7[%get3A_968, %get3A_969] {strides = array<i32>} : memref<64x128xf32, #tpu.memory_space<vmem>>, vector<1x16xf32>,
        %get3A_971 = vector.shape_cast %get3A_970 : vector<1x16xf32> to vector<16xf32>
        %mul3A_972 = arith.mulf %get3A_967, %get3A_971 : vector<16xf32>
        %get3A_973 = arith.index_cast %add3A_921 : i32 to index
        %get3A_974 = arith.constant 48 : index
        %get3A_975 = tpu.vector_load %arg8[%get3A_973, %get3A_974] {strides = array<i32>} : memref<64x128xf32, #tpu.memory_space<vmem>>, vector<1x16xf32>,
        %get3A_976 = vector.shape_cast %get3A_975 : vector<1x16xf32> to vector<16xf32>
        %mul3A_977 = arith.mulf %mul3A_972, %get3A_976 : vector<16xf32>
        %get3A_978 = arith.index_cast %add3A_921 : i32 to index
        %get3A_979 = arith.constant 64 : index
        %get3A_980 = tpu.vector_load %arg6[%get3A_978, %get3A_979] {strides = array<i32>} : memref<64x128xf32, #tpu.memory_space<vmem>>, vector<1x16xf32>,
        %get3A_981 = vector.shape_cast %get3A_980 : vector<1x16xf32> to vector<16xf32>
        %get3A_982 = arith.index_cast %add3A_921 : i32 to index
        %get3A_983 = arith.constant 64 : index
        %get3A_984 = tpu.vector_load %arg7[%get3A_982, %get3A_983] {strides = array<i32>} : memref<64x128xf32, #tpu.memory_space<vmem>>, vector<1x16xf32>,
        %get3A_985 = vector.shape_cast %get3A_984 : vector<1x16xf32> to vector<16xf32>
        %mul3A_986 = arith.mulf %get3A_981, %get3A_985 : vector<16xf32>
        %get3A_987 = arith.index_cast %add3A_921 : i32 to index
        %get3A_988 = arith.constant 64 : index
        %get3A_989 = tpu.vector_load %arg8[%get3A_987, %get3A_988] {strides = array<i32>} : memref<64x128xf32, #tpu.memory_space<vmem>>, vector<1x16xf32>,
        %get3A_990 = vector.shape_cast %get3A_989 : vector<1x16xf32> to vector<16xf32>
        %mul3A_991 = arith.mulf %mul3A_986, %get3A_990 : vector<16xf32>
        %get3A_992 = arith.index_cast %add3A_921 : i32 to index
        %get3A_993 = arith.constant 80 : index
        %get3A_994 = tpu.vector_load %arg6[%get3A_992, %get3A_993] {strides = array<i32>} : memref<64x128xf32, #tpu.memory_space<vmem>>, vector<1x16xf32>,
        %get3A_995 = vector.shape_cast %get3A_994 : vector<1x16xf32> to vector<16xf32>
        %get3A_996 = arith.index_cast %add3A_921 : i32 to index
        %get3A_997 = arith.constant 80 : index
        %get3A_998 = tpu.vector_load %arg7[%get3A_996, %get3A_997] {strides = array<i32>} : memref<64x128xf32, #tpu.memory_space<vmem>>, vector<1x16xf32>,
        %get3A_999 = vector.shape_cast %get3A_998 : vector<1x16xf32> to vector<16xf32>
        %mul3A_1000 = arith.mulf %get3A_995, %get3A_999 : vector<16xf32>
        %get3A_1001 = arith.index_cast %add3A_921 : i32 to index
        %get3A_1002 = arith.constant 80 : index
        %get3A_1003 = tpu.vector_load %arg8[%get3A_1001, %get3A_1002] {strides = array<i32>} : memref<64x128xf32, #tpu.memory_space<vmem>>, vector<1x16xf32>,
        %get3A_1004 = vector.shape_cast %get3A_1003 : vector<1x16xf32> to vector<16xf32>
        %mul3A_1005 = arith.mulf %mul3A_1000, %get3A_1004 : vector<16xf32>
        %get3A_1006 = arith.index_cast %add3A_921 : i32 to index
        %get3A_1007 = arith.constant 96 : index
        %get3A_1008 = tpu.vector_load %arg6[%get3A_1006, %get3A_1007] {strides = array<i32>} : memref<64x128xf32, #tpu.memory_space<vmem>>, vector<1x16xf32>,
        %get3A_1009 = vector.shape_cast %get3A_1008 : vector<1x16xf32> to vector<16xf32>
        %get3A_1010 = arith.index_cast %add3A_921 : i32 to index
        %get3A_1011 = arith.constant 96 : index
        %get3A_1012 = tpu.vector_load %arg7[%get3A_1010, %get3A_1011] {strides = array<i32>} : memref<64x128xf32, #tpu.memory_space<vmem>>, vector<1x16xf32>,
        %get3A_1013 = vector.shape_cast %get3A_1012 : vector<1x16xf32> to vector<16xf32>
        %mul3A_1014 = arith.mulf %get3A_1009, %get3A_1013 : vector<16xf32>
        %get3A_1015 = arith.index_cast %add3A_921 : i32 to index
        %get3A_1016 = arith.constant 96 : index
        %get3A_1017 = tpu.vector_load %arg8[%get3A_1015, %get3A_1016] {strides = array<i32>} : memref<64x128xf32, #tpu.memory_space<vmem>>, vector<1x16xf32>,
        %get3A_1018 = vector.shape_cast %get3A_1017 : vector<1x16xf32> to vector<16xf32>
        %mul3A_1019 = arith.mulf %mul3A_1014, %get3A_1018 : vector<16xf32>
        %get3A_1020 = arith.index_cast %add3A_921 : i32 to index
        %get3A_1021 = arith.constant 112 : index
        %get3A_1022 = tpu.vector_load %arg6[%get3A_1020, %get3A_1021] {strides = array<i32>} : memref<64x128xf32, #tpu.memory_space<vmem>>, vector<1x16xf32>,
        %get3A_1023 = vector.shape_cast %get3A_1022 : vector<1x16xf32> to vector<16xf32>
        %get3A_1024 = arith.index_cast %add3A_921 : i32 to index
        %get3A_1025 = arith.constant 112 : index
        %get3A_1026 = tpu.vector_load %arg7[%get3A_1024, %get3A_1025] {strides = array<i32>} : memref<64x128xf32, #tpu.memory_space<vmem>>, vector<1x16xf32>,
        %get3A_1027 = vector.shape_cast %get3A_1026 : vector<1x16xf32> to vector<16xf32>
        %mul3A_1028 = arith.mulf %get3A_1023, %get3A_1027 : vector<16xf32>
        %get3A_1029 = arith.index_cast %add3A_921 : i32 to index
        %get3A_1030 = arith.constant 112 : index
        %get3A_1031 = tpu.vector_load %arg8[%get3A_1029, %get3A_1030] {strides = array<i32>} : memref<64x128xf32, #tpu.memory_space<vmem>>, vector<1x16xf32>,
        %get3A_1032 = vector.shape_cast %get3A_1031 : vector<1x16xf32> to vector<16xf32>
        %mul3A_1033 = arith.mulf %mul3A_1028, %get3A_1032 : vector<16xf32>
        %add3A_1034 = arith.addf %mul3A_935, %mul3A_949 : vector<16xf32>
        %add3A_1035 = arith.addf %mul3A_963, %mul3A_977 : vector<16xf32>
        %add3A_1036 = arith.addf %mul3A_991, %mul3A_1005 : vector<16xf32>
        %add3A_1037 = arith.addf %mul3A_1019, %mul3A_1033 : vector<16xf32>
        %add3A_1038 = arith.addf %add3A_1034, %add3A_1035 : vector<16xf32>
        %add3A_1039 = arith.addf %add3A_1036, %add3A_1037 : vector<16xf32>
        %add3A_1040 = arith.addf %add3A_1038, %add3A_1039 : vector<16xf32>
        %mul3A_1041 = arith.constant 7.812500e-03 : f32
        %mul3A_1042 = vector.broadcast %mul3A_1041 : f32 to vector<16xf32>
        %mul3A_1043 = arith.mulf %add3A_1040, %mul3A_1042 : vector<16xf32>
        %mul3A_1044 = arith.constant 8 : i32
        %mul3A_1045 = arith.muli %add3A_59, %mul3A_1044 : i32
        %add3A_1046 = arith.addi %mul3A_1045, %scan3A_382 : i32
        %swap3A_1047 = arith.index_cast %add3A_1046 : i32 to index
        %swap3A_1048 = arith.constant 64 : index
        %swap3A_1049 = tpu.vector_load %arg12[%swap3A_1047, %swap3A_1048] {strides = array<i32>} : memref<64x128xf32, #tpu.memory_space<vmem>>, vector<1x16xf32>,
        %swap3A_1050 = vector.shape_cast %swap3A_1049 : vector<1x16xf32> to vector<16xf32>
        %swap3A_1051 = vector.shape_cast %mul3A_1043 : vector<16xf32> to vector<1x16xf32>
        tpu.vector_store %arg12[%swap3A_1047, %swap3A_1048], %swap3A_1051 {strides = array<i32>} : memref<64x128xf32, #tpu.memory_space<vmem>>, vector<1x16xf32>,
        %mul3A_1052 = arith.constant 8 : i32
        %mul3A_1053 = arith.muli %scan3A_382, %mul3A_1052 : i32
        %add3A_1054 = arith.constant 5 : i32
        %add3A_1055 = arith.addi %mul3A_1053, %add3A_1054 : i32
        %get3A_1056 = arith.index_cast %add3A_1055 : i32 to index
        %get3A_1057 = arith.constant 0 : index
        %get3A_1058 = tpu.vector_load %arg6[%get3A_1056, %get3A_1057] {strides = array<i32>} : memref<64x128xf32, #tpu.memory_space<vmem>>, vector<1x16xf32>,
        %get3A_1059 = vector.shape_cast %get3A_1058 : vector<1x16xf32> to vector<16xf32>
        %get3A_1060 = arith.index_cast %add3A_1055 : i32 to index
        %get3A_1061 = arith.constant 0 : index
        %get3A_1062 = tpu.vector_load %arg7[%get3A_1060, %get3A_1061] {strides = array<i32>} : memref<64x128xf32, #tpu.memory_space<vmem>>, vector<1x16xf32>,
        %get3A_1063 = vector.shape_cast %get3A_1062 : vector<1x16xf32> to vector<16xf32>
        %mul3A_1064 = arith.mulf %get3A_1059, %get3A_1063 : vector<16xf32>
        %get3A_1065 = arith.index_cast %add3A_1055 : i32 to index
        %get3A_1066 = arith.constant 0 : index
        %get3A_1067 = tpu.vector_load %arg8[%get3A_1065, %get3A_1066] {strides = array<i32>} : memref<64x128xf32, #tpu.memory_space<vmem>>, vector<1x16xf32>,
        %get3A_1068 = vector.shape_cast %get3A_1067 : vector<1x16xf32> to vector<16xf32>
        %mul3A_1069 = arith.mulf %mul3A_1064, %get3A_1068 : vector<16xf32>
        %get3A_1070 = arith.index_cast %add3A_1055 : i32 to index
        %get3A_1071 = arith.constant 16 : index
        %get3A_1072 = tpu.vector_load %arg6[%get3A_1070, %get3A_1071] {strides = array<i32>} : memref<64x128xf32, #tpu.memory_space<vmem>>, vector<1x16xf32>,
        %get3A_1073 = vector.shape_cast %get3A_1072 : vector<1x16xf32> to vector<16xf32>
        %get3A_1074 = arith.index_cast %add3A_1055 : i32 to index
        %get3A_1075 = arith.constant 16 : index
        %get3A_1076 = tpu.vector_load %arg7[%get3A_1074, %get3A_1075] {strides = array<i32>} : memref<64x128xf32, #tpu.memory_space<vmem>>, vector<1x16xf32>,
        %get3A_1077 = vector.shape_cast %get3A_1076 : vector<1x16xf32> to vector<16xf32>
        %mul3A_1078 = arith.mulf %get3A_1073, %get3A_1077 : vector<16xf32>
        %get3A_1079 = arith.index_cast %add3A_1055 : i32 to index
        %get3A_1080 = arith.constant 16 : index
        %get3A_1081 = tpu.vector_load %arg8[%get3A_1079, %get3A_1080] {strides = array<i32>} : memref<64x128xf32, #tpu.memory_space<vmem>>, vector<1x16xf32>,
        %get3A_1082 = vector.shape_cast %get3A_1081 : vector<1x16xf32> to vector<16xf32>
        %mul3A_1083 = arith.mulf %mul3A_1078, %get3A_1082 : vector<16xf32>
        %get3A_1084 = arith.index_cast %add3A_1055 : i32 to index
        %get3A_1085 = arith.constant 32 : index
        %get3A_1086 = tpu.vector_load %arg6[%get3A_1084, %get3A_1085] {strides = array<i32>} : memref<64x128xf32, #tpu.memory_space<vmem>>, vector<1x16xf32>,
        %get3A_1087 = vector.shape_cast %get3A_1086 : vector<1x16xf32> to vector<16xf32>
        %get3A_1088 = arith.index_cast %add3A_1055 : i32 to index
        %get3A_1089 = arith.constant 32 : index
        %get3A_1090 = tpu.vector_load %arg7[%get3A_1088, %get3A_1089] {strides = array<i32>} : memref<64x128xf32, #tpu.memory_space<vmem>>, vector<1x16xf32>,
        %get3A_1091 = vector.shape_cast %get3A_1090 : vector<1x16xf32> to vector<16xf32>
        %mul3A_1092 = arith.mulf %get3A_1087, %get3A_1091 : vector<16xf32>
        %get3A_1093 = arith.index_cast %add3A_1055 : i32 to index
        %get3A_1094 = arith.constant 32 : index
        %get3A_1095 = tpu.vector_load %arg8[%get3A_1093, %get3A_1094] {strides = array<i32>} : memref<64x128xf32, #tpu.memory_space<vmem>>, vector<1x16xf32>,
        %get3A_1096 = vector.shape_cast %get3A_1095 : vector<1x16xf32> to vector<16xf32>
        %mul3A_1097 = arith.mulf %mul3A_1092, %get3A_1096 : vector<16xf32>
        %get3A_1098 = arith.index_cast %add3A_1055 : i32 to index
        %get3A_1099 = arith.constant 48 : index
        %get3A_1100 = tpu.vector_load %arg6[%get3A_1098, %get3A_1099] {strides = array<i32>} : memref<64x128xf32, #tpu.memory_space<vmem>>, vector<1x16xf32>,
        %get3A_1101 = vector.shape_cast %get3A_1100 : vector<1x16xf32> to vector<16xf32>
        %get3A_1102 = arith.index_cast %add3A_1055 : i32 to index
        %get3A_1103 = arith.constant 48 : index
        %get3A_1104 = tpu.vector_load %arg7[%get3A_1102, %get3A_1103] {strides = array<i32>} : memref<64x128xf32, #tpu.memory_space<vmem>>, vector<1x16xf32>,
        %get3A_1105 = vector.shape_cast %get3A_1104 : vector<1x16xf32> to vector<16xf32>
        %mul3A_1106 = arith.mulf %get3A_1101, %get3A_1105 : vector<16xf32>
        %get3A_1107 = arith.index_cast %add3A_1055 : i32 to index
        %get3A_1108 = arith.constant 48 : index
        %get3A_1109 = tpu.vector_load %arg8[%get3A_1107, %get3A_1108] {strides = array<i32>} : memref<64x128xf32, #tpu.memory_space<vmem>>, vector<1x16xf32>,
        %get3A_1110 = vector.shape_cast %get3A_1109 : vector<1x16xf32> to vector<16xf32>
        %mul3A_1111 = arith.mulf %mul3A_1106, %get3A_1110 : vector<16xf32>
        %get3A_1112 = arith.index_cast %add3A_1055 : i32 to index
        %get3A_1113 = arith.constant 64 : index
        %get3A_1114 = tpu.vector_load %arg6[%get3A_1112, %get3A_1113] {strides = array<i32>} : memref<64x128xf32, #tpu.memory_space<vmem>>, vector<1x16xf32>,
        %get3A_1115 = vector.shape_cast %get3A_1114 : vector<1x16xf32> to vector<16xf32>
        %get3A_1116 = arith.index_cast %add3A_1055 : i32 to index
        %get3A_1117 = arith.constant 64 : index
        %get3A_1118 = tpu.vector_load %arg7[%get3A_1116, %get3A_1117] {strides = array<i32>} : memref<64x128xf32, #tpu.memory_space<vmem>>, vector<1x16xf32>,
        %get3A_1119 = vector.shape_cast %get3A_1118 : vector<1x16xf32> to vector<16xf32>
        %mul3A_1120 = arith.mulf %get3A_1115, %get3A_1119 : vector<16xf32>
        %get3A_1121 = arith.index_cast %add3A_1055 : i32 to index
        %get3A_1122 = arith.constant 64 : index
        %get3A_1123 = tpu.vector_load %arg8[%get3A_1121, %get3A_1122] {strides = array<i32>} : memref<64x128xf32, #tpu.memory_space<vmem>>, vector<1x16xf32>,
        %get3A_1124 = vector.shape_cast %get3A_1123 : vector<1x16xf32> to vector<16xf32>
        %mul3A_1125 = arith.mulf %mul3A_1120, %get3A_1124 : vector<16xf32>
        %get3A_1126 = arith.index_cast %add3A_1055 : i32 to index
        %get3A_1127 = arith.constant 80 : index
        %get3A_1128 = tpu.vector_load %arg6[%get3A_1126, %get3A_1127] {strides = array<i32>} : memref<64x128xf32, #tpu.memory_space<vmem>>, vector<1x16xf32>,
        %get3A_1129 = vector.shape_cast %get3A_1128 : vector<1x16xf32> to vector<16xf32>
        %get3A_1130 = arith.index_cast %add3A_1055 : i32 to index
        %get3A_1131 = arith.constant 80 : index
        %get3A_1132 = tpu.vector_load %arg7[%get3A_1130, %get3A_1131] {strides = array<i32>} : memref<64x128xf32, #tpu.memory_space<vmem>>, vector<1x16xf32>,
        %get3A_1133 = vector.shape_cast %get3A_1132 : vector<1x16xf32> to vector<16xf32>
        %mul3A_1134 = arith.mulf %get3A_1129, %get3A_1133 : vector<16xf32>
        %get3A_1135 = arith.index_cast %add3A_1055 : i32 to index
        %get3A_1136 = arith.constant 80 : index
        %get3A_1137 = tpu.vector_load %arg8[%get3A_1135, %get3A_1136] {strides = array<i32>} : memref<64x128xf32, #tpu.memory_space<vmem>>, vector<1x16xf32>,
        %get3A_1138 = vector.shape_cast %get3A_1137 : vector<1x16xf32> to vector<16xf32>
        %mul3A_1139 = arith.mulf %mul3A_1134, %get3A_1138 : vector<16xf32>
        %get3A_1140 = arith.index_cast %add3A_1055 : i32 to index
        %get3A_1141 = arith.constant 96 : index
        %get3A_1142 = tpu.vector_load %arg6[%get3A_1140, %get3A_1141] {strides = array<i32>} : memref<64x128xf32, #tpu.memory_space<vmem>>, vector<1x16xf32>,
        %get3A_1143 = vector.shape_cast %get3A_1142 : vector<1x16xf32> to vector<16xf32>
        %get3A_1144 = arith.index_cast %add3A_1055 : i32 to index
        %get3A_1145 = arith.constant 96 : index
        %get3A_1146 = tpu.vector_load %arg7[%get3A_1144, %get3A_1145] {strides = array<i32>} : memref<64x128xf32, #tpu.memory_space<vmem>>, vector<1x16xf32>,
        %get3A_1147 = vector.shape_cast %get3A_1146 : vector<1x16xf32> to vector<16xf32>
        %mul3A_1148 = arith.mulf %get3A_1143, %get3A_1147 : vector<16xf32>
        %get3A_1149 = arith.index_cast %add3A_1055 : i32 to index
        %get3A_1150 = arith.constant 96 : index
        %get3A_1151 = tpu.vector_load %arg8[%get3A_1149, %get3A_1150] {strides = array<i32>} : memref<64x128xf32, #tpu.memory_space<vmem>>, vector<1x16xf32>,
        %get3A_1152 = vector.shape_cast %get3A_1151 : vector<1x16xf32> to vector<16xf32>
        %mul3A_1153 = arith.mulf %mul3A_1148, %get3A_1152 : vector<16xf32>
        %get3A_1154 = arith.index_cast %add3A_1055 : i32 to index
        %get3A_1155 = arith.constant 112 : index
        %get3A_1156 = tpu.vector_load %arg6[%get3A_1154, %get3A_1155] {strides = array<i32>} : memref<64x128xf32, #tpu.memory_space<vmem>>, vector<1x16xf32>,
        %get3A_1157 = vector.shape_cast %get3A_1156 : vector<1x16xf32> to vector<16xf32>
        %get3A_1158 = arith.index_cast %add3A_1055 : i32 to index
        %get3A_1159 = arith.constant 112 : index
        %get3A_1160 = tpu.vector_load %arg7[%get3A_1158, %get3A_1159] {strides = array<i32>} : memref<64x128xf32, #tpu.memory_space<vmem>>, vector<1x16xf32>,
        %get3A_1161 = vector.shape_cast %get3A_1160 : vector<1x16xf32> to vector<16xf32>
        %mul3A_1162 = arith.mulf %get3A_1157, %get3A_1161 : vector<16xf32>
        %get3A_1163 = arith.index_cast %add3A_1055 : i32 to index
        %get3A_1164 = arith.constant 112 : index
        %get3A_1165 = tpu.vector_load %arg8[%get3A_1163, %get3A_1164] {strides = array<i32>} : memref<64x128xf32, #tpu.memory_space<vmem>>, vector<1x16xf32>,
        %get3A_1166 = vector.shape_cast %get3A_1165 : vector<1x16xf32> to vector<16xf32>
        %mul3A_1167 = arith.mulf %mul3A_1162, %get3A_1166 : vector<16xf32>
        %add3A_1168 = arith.addf %mul3A_1069, %mul3A_1083 : vector<16xf32>
        %add3A_1169 = arith.addf %mul3A_1097, %mul3A_1111 : vector<16xf32>
        %add3A_1170 = arith.addf %mul3A_1125, %mul3A_1139 : vector<16xf32>
        %add3A_1171 = arith.addf %mul3A_1153, %mul3A_1167 : vector<16xf32>
        %add3A_1172 = arith.addf %add3A_1168, %add3A_1169 : vector<16xf32>
        %add3A_1173 = arith.addf %add3A_1170, %add3A_1171 : vector<16xf32>
        %add3A_1174 = arith.addf %add3A_1172, %add3A_1173 : vector<16xf32>
        %mul3A_1175 = arith.constant 7.812500e-03 : f32
        %mul3A_1176 = vector.broadcast %mul3A_1175 : f32 to vector<16xf32>
        %mul3A_1177 = arith.mulf %add3A_1174, %mul3A_1176 : vector<16xf32>
        %mul3A_1178 = arith.constant 8 : i32
        %mul3A_1179 = arith.muli %add3A_59, %mul3A_1178 : i32
        %add3A_1180 = arith.addi %mul3A_1179, %scan3A_382 : i32
        %swap3A_1181 = arith.index_cast %add3A_1180 : i32 to index
        %swap3A_1182 = arith.constant 80 : index
        %swap3A_1183 = tpu.vector_load %arg12[%swap3A_1181, %swap3A_1182] {strides = array<i32>} : memref<64x128xf32, #tpu.memory_space<vmem>>, vector<1x16xf32>,
        %swap3A_1184 = vector.shape_cast %swap3A_1183 : vector<1x16xf32> to vector<16xf32>
        %swap3A_1185 = vector.shape_cast %mul3A_1177 : vector<16xf32> to vector<1x16xf32>
        tpu.vector_store %arg12[%swap3A_1181, %swap3A_1182], %swap3A_1185 {strides = array<i32>} : memref<64x128xf32, #tpu.memory_space<vmem>>, vector<1x16xf32>,
        %mul3A_1186 = arith.constant 8 : i32
        %mul3A_1187 = arith.muli %scan3A_382, %mul3A_1186 : i32
        %add3A_1188 = arith.constant 6 : i32
        %add3A_1189 = arith.addi %mul3A_1187, %add3A_1188 : i32
        %get3A_1190 = arith.index_cast %add3A_1189 : i32 to index
        %get3A_1191 = arith.constant 0 : index
        %get3A_1192 = tpu.vector_load %arg6[%get3A_1190, %get3A_1191] {strides = array<i32>} : memref<64x128xf32, #tpu.memory_space<vmem>>, vector<1x16xf32>,
        %get3A_1193 = vector.shape_cast %get3A_1192 : vector<1x16xf32> to vector<16xf32>
        %get3A_1194 = arith.index_cast %add3A_1189 : i32 to index
        %get3A_1195 = arith.constant 0 : index
        %get3A_1196 = tpu.vector_load %arg7[%get3A_1194, %get3A_1195] {strides = array<i32>} : memref<64x128xf32, #tpu.memory_space<vmem>>, vector<1x16xf32>,
        %get3A_1197 = vector.shape_cast %get3A_1196 : vector<1x16xf32> to vector<16xf32>
        %mul3A_1198 = arith.mulf %get3A_1193, %get3A_1197 : vector<16xf32>
        %get3A_1199 = arith.index_cast %add3A_1189 : i32 to index
        %get3A_1200 = arith.constant 0 : index
        %get3A_1201 = tpu.vector_load %arg8[%get3A_1199, %get3A_1200] {strides = array<i32>} : memref<64x128xf32, #tpu.memory_space<vmem>>, vector<1x16xf32>,
        %get3A_1202 = vector.shape_cast %get3A_1201 : vector<1x16xf32> to vector<16xf32>
        %mul3A_1203 = arith.mulf %mul3A_1198, %get3A_1202 : vector<16xf32>
        %get3A_1204 = arith.index_cast %add3A_1189 : i32 to index
        %get3A_1205 = arith.constant 16 : index
        %get3A_1206 = tpu.vector_load %arg6[%get3A_1204, %get3A_1205] {strides = array<i32>} : memref<64x128xf32, #tpu.memory_space<vmem>>, vector<1x16xf32>,
        %get3A_1207 = vector.shape_cast %get3A_1206 : vector<1x16xf32> to vector<16xf32>
        %get3A_1208 = arith.index_cast %add3A_1189 : i32 to index
        %get3A_1209 = arith.constant 16 : index
        %get3A_1210 = tpu.vector_load %arg7[%get3A_1208, %get3A_1209] {strides = array<i32>} : memref<64x128xf32, #tpu.memory_space<vmem>>, vector<1x16xf32>,
        %get3A_1211 = vector.shape_cast %get3A_1210 : vector<1x16xf32> to vector<16xf32>
        %mul3A_1212 = arith.mulf %get3A_1207, %get3A_1211 : vector<16xf32>
        %get3A_1213 = arith.index_cast %add3A_1189 : i32 to index
        %get3A_1214 = arith.constant 16 : index
        %get3A_1215 = tpu.vector_load %arg8[%get3A_1213, %get3A_1214] {strides = array<i32>} : memref<64x128xf32, #tpu.memory_space<vmem>>, vector<1x16xf32>,
        %get3A_1216 = vector.shape_cast %get3A_1215 : vector<1x16xf32> to vector<16xf32>
        %mul3A_1217 = arith.mulf %mul3A_1212, %get3A_1216 : vector<16xf32>
        %get3A_1218 = arith.index_cast %add3A_1189 : i32 to index
        %get3A_1219 = arith.constant 32 : index
        %get3A_1220 = tpu.vector_load %arg6[%get3A_1218, %get3A_1219] {strides = array<i32>} : memref<64x128xf32, #tpu.memory_space<vmem>>, vector<1x16xf32>,
        %get3A_1221 = vector.shape_cast %get3A_1220 : vector<1x16xf32> to vector<16xf32>
        %get3A_1222 = arith.index_cast %add3A_1189 : i32 to index
        %get3A_1223 = arith.constant 32 : index
        %get3A_1224 = tpu.vector_load %arg7[%get3A_1222, %get3A_1223] {strides = array<i32>} : memref<64x128xf32, #tpu.memory_space<vmem>>, vector<1x16xf32>,
        %get3A_1225 = vector.shape_cast %get3A_1224 : vector<1x16xf32> to vector<16xf32>
        %mul3A_1226 = arith.mulf %get3A_1221, %get3A_1225 : vector<16xf32>
        %get3A_1227 = arith.index_cast %add3A_1189 : i32 to index
        %get3A_1228 = arith.constant 32 : index
        %get3A_1229 = tpu.vector_load %arg8[%get3A_1227, %get3A_1228] {strides = array<i32>} : memref<64x128xf32, #tpu.memory_space<vmem>>, vector<1x16xf32>,
        %get3A_1230 = vector.shape_cast %get3A_1229 : vector<1x16xf32> to vector<16xf32>
        %mul3A_1231 = arith.mulf %mul3A_1226, %get3A_1230 : vector<16xf32>
        %get3A_1232 = arith.index_cast %add3A_1189 : i32 to index
        %get3A_1233 = arith.constant 48 : index
        %get3A_1234 = tpu.vector_load %arg6[%get3A_1232, %get3A_1233] {strides = array<i32>} : memref<64x128xf32, #tpu.memory_space<vmem>>, vector<1x16xf32>,
        %get3A_1235 = vector.shape_cast %get3A_1234 : vector<1x16xf32> to vector<16xf32>
        %get3A_1236 = arith.index_cast %add3A_1189 : i32 to index
        %get3A_1237 = arith.constant 48 : index
        %get3A_1238 = tpu.vector_load %arg7[%get3A_1236, %get3A_1237] {strides = array<i32>} : memref<64x128xf32, #tpu.memory_space<vmem>>, vector<1x16xf32>,
        %get3A_1239 = vector.shape_cast %get3A_1238 : vector<1x16xf32> to vector<16xf32>
        %mul3A_1240 = arith.mulf %get3A_1235, %get3A_1239 : vector<16xf32>
        %get3A_1241 = arith.index_cast %add3A_1189 : i32 to index
        %get3A_1242 = arith.constant 48 : index
        %get3A_1243 = tpu.vector_load %arg8[%get3A_1241, %get3A_1242] {strides = array<i32>} : memref<64x128xf32, #tpu.memory_space<vmem>>, vector<1x16xf32>,
        %get3A_1244 = vector.shape_cast %get3A_1243 : vector<1x16xf32> to vector<16xf32>
        %mul3A_1245 = arith.mulf %mul3A_1240, %get3A_1244 : vector<16xf32>
        %get3A_1246 = arith.index_cast %add3A_1189 : i32 to index
        %get3A_1247 = arith.constant 64 : index
        %get3A_1248 = tpu.vector_load %arg6[%get3A_1246, %get3A_1247] {strides = array<i32>} : memref<64x128xf32, #tpu.memory_space<vmem>>, vector<1x16xf32>,
        %get3A_1249 = vector.shape_cast %get3A_1248 : vector<1x16xf32> to vector<16xf32>
        %get3A_1250 = arith.index_cast %add3A_1189 : i32 to index
        %get3A_1251 = arith.constant 64 : index
        %get3A_1252 = tpu.vector_load %arg7[%get3A_1250, %get3A_1251] {strides = array<i32>} : memref<64x128xf32, #tpu.memory_space<vmem>>, vector<1x16xf32>,
        %get3A_1253 = vector.shape_cast %get3A_1252 : vector<1x16xf32> to vector<16xf32>
        %mul3A_1254 = arith.mulf %get3A_1249, %get3A_1253 : vector<16xf32>
        %get3A_1255 = arith.index_cast %add3A_1189 : i32 to index
        %get3A_1256 = arith.constant 64 : index
        %get3A_1257 = tpu.vector_load %arg8[%get3A_1255, %get3A_1256] {strides = array<i32>} : memref<64x128xf32, #tpu.memory_space<vmem>>, vector<1x16xf32>,
        %get3A_1258 = vector.shape_cast %get3A_1257 : vector<1x16xf32> to vector<16xf32>
        %mul3A_1259 = arith.mulf %mul3A_1254, %get3A_1258 : vector<16xf32>
        %get3A_1260 = arith.index_cast %add3A_1189 : i32 to index
        %get3A_1261 = arith.constant 80 : index
        %get3A_1262 = tpu.vector_load %arg6[%get3A_1260, %get3A_1261] {strides = array<i32>} : memref<64x128xf32, #tpu.memory_space<vmem>>, vector<1x16xf32>,
        %get3A_1263 = vector.shape_cast %get3A_1262 : vector<1x16xf32> to vector<16xf32>
        %get3A_1264 = arith.index_cast %add3A_1189 : i32 to index
        %get3A_1265 = arith.constant 80 : index
        %get3A_1266 = tpu.vector_load %arg7[%get3A_1264, %get3A_1265] {strides = array<i32>} : memref<64x128xf32, #tpu.memory_space<vmem>>, vector<1x16xf32>,
        %get3A_1267 = vector.shape_cast %get3A_1266 : vector<1x16xf32> to vector<16xf32>
        %mul3A_1268 = arith.mulf %get3A_1263, %get3A_1267 : vector<16xf32>
        %get3A_1269 = arith.index_cast %add3A_1189 : i32 to index
        %get3A_1270 = arith.constant 80 : index
        %get3A_1271 = tpu.vector_load %arg8[%get3A_1269, %get3A_1270] {strides = array<i32>} : memref<64x128xf32, #tpu.memory_space<vmem>>, vector<1x16xf32>,
        %get3A_1272 = vector.shape_cast %get3A_1271 : vector<1x16xf32> to vector<16xf32>
        %mul3A_1273 = arith.mulf %mul3A_1268, %get3A_1272 : vector<16xf32>
        %get3A_1274 = arith.index_cast %add3A_1189 : i32 to index
        %get3A_1275 = arith.constant 96 : index
        %get3A_1276 = tpu.vector_load %arg6[%get3A_1274, %get3A_1275] {strides = array<i32>} : memref<64x128xf32, #tpu.memory_space<vmem>>, vector<1x16xf32>,
        %get3A_1277 = vector.shape_cast %get3A_1276 : vector<1x16xf32> to vector<16xf32>
        %get3A_1278 = arith.index_cast %add3A_1189 : i32 to index
        %get3A_1279 = arith.constant 96 : index
        %get3A_1280 = tpu.vector_load %arg7[%get3A_1278, %get3A_1279] {strides = array<i32>} : memref<64x128xf32, #tpu.memory_space<vmem>>, vector<1x16xf32>,
        %get3A_1281 = vector.shape_cast %get3A_1280 : vector<1x16xf32> to vector<16xf32>
        %mul3A_1282 = arith.mulf %get3A_1277, %get3A_1281 : vector<16xf32>
        %get3A_1283 = arith.index_cast %add3A_1189 : i32 to index
        %get3A_1284 = arith.constant 96 : index
        %get3A_1285 = tpu.vector_load %arg8[%get3A_1283, %get3A_1284] {strides = array<i32>} : memref<64x128xf32, #tpu.memory_space<vmem>>, vector<1x16xf32>,
        %get3A_1286 = vector.shape_cast %get3A_1285 : vector<1x16xf32> to vector<16xf32>
        %mul3A_1287 = arith.mulf %mul3A_1282, %get3A_1286 : vector<16xf32>
        %get3A_1288 = arith.index_cast %add3A_1189 : i32 to index
        %get3A_1289 = arith.constant 112 : index
        %get3A_1290 = tpu.vector_load %arg6[%get3A_1288, %get3A_1289] {strides = array<i32>} : memref<64x128xf32, #tpu.memory_space<vmem>>, vector<1x16xf32>,
        %get3A_1291 = vector.shape_cast %get3A_1290 : vector<1x16xf32> to vector<16xf32>
        %get3A_1292 = arith.index_cast %add3A_1189 : i32 to index
        %get3A_1293 = arith.constant 112 : index
        %get3A_1294 = tpu.vector_load %arg7[%get3A_1292, %get3A_1293] {strides = array<i32>} : memref<64x128xf32, #tpu.memory_space<vmem>>, vector<1x16xf32>,
        %get3A_1295 = vector.shape_cast %get3A_1294 : vector<1x16xf32> to vector<16xf32>
        %mul3A_1296 = arith.mulf %get3A_1291, %get3A_1295 : vector<16xf32>
        %get3A_1297 = arith.index_cast %add3A_1189 : i32 to index
        %get3A_1298 = arith.constant 112 : index
        %get3A_1299 = tpu.vector_load %arg8[%get3A_1297, %get3A_1298] {strides = array<i32>} : memref<64x128xf32, #tpu.memory_space<vmem>>, vector<1x16xf32>,
        %get3A_1300 = vector.shape_cast %get3A_1299 : vector<1x16xf32> to vector<16xf32>
        %mul3A_1301 = arith.mulf %mul3A_1296, %get3A_1300 : vector<16xf32>
        %add3A_1302 = arith.addf %mul3A_1203, %mul3A_1217 : vector<16xf32>
        %add3A_1303 = arith.addf %mul3A_1231, %mul3A_1245 : vector<16xf32>
        %add3A_1304 = arith.addf %mul3A_1259, %mul3A_1273 : vector<16xf32>
        %add3A_1305 = arith.addf %mul3A_1287, %mul3A_1301 : vector<16xf32>
        %add3A_1306 = arith.addf %add3A_1302, %add3A_1303 : vector<16xf32>
        %add3A_1307 = arith.addf %add3A_1304, %add3A_1305 : vector<16xf32>
        %add3A_1308 = arith.addf %add3A_1306, %add3A_1307 : vector<16xf32>
        %mul3A_1309 = arith.constant 7.812500e-03 : f32
        %mul3A_1310 = vector.broadcast %mul3A_1309 : f32 to vector<16xf32>
        %mul3A_1311 = arith.mulf %add3A_1308, %mul3A_1310 : vector<16xf32>
        %mul3A_1312 = arith.constant 8 : i32
        %mul3A_1313 = arith.muli %add3A_59, %mul3A_1312 : i32
        %add3A_1314 = arith.addi %mul3A_1313, %scan3A_382 : i32
        %swap3A_1315 = arith.index_cast %add3A_1314 : i32 to index
        %swap3A_1316 = arith.constant 96 : index
        %swap3A_1317 = tpu.vector_load %arg12[%swap3A_1315, %swap3A_1316] {strides = array<i32>} : memref<64x128xf32, #tpu.memory_space<vmem>>, vector<1x16xf32>,
        %swap3A_1318 = vector.shape_cast %swap3A_1317 : vector<1x16xf32> to vector<16xf32>
        %swap3A_1319 = vector.shape_cast %mul3A_1311 : vector<16xf32> to vector<1x16xf32>
        tpu.vector_store %arg12[%swap3A_1315, %swap3A_1316], %swap3A_1319 {strides = array<i32>} : memref<64x128xf32, #tpu.memory_space<vmem>>, vector<1x16xf32>,
        %mul3A_1320 = arith.constant 8 : i32
        %mul3A_1321 = arith.muli %scan3A_382, %mul3A_1320 : i32
        %add3A_1322 = arith.constant 7 : i32
        %add3A_1323 = arith.addi %mul3A_1321, %add3A_1322 : i32
        %get3A_1324 = arith.index_cast %add3A_1323 : i32 to index
        %get3A_1325 = arith.constant 0 : index
        %get3A_1326 = tpu.vector_load %arg6[%get3A_1324, %get3A_1325] {strides = array<i32>} : memref<64x128xf32, #tpu.memory_space<vmem>>, vector<1x16xf32>,
        %get3A_1327 = vector.shape_cast %get3A_1326 : vector<1x16xf32> to vector<16xf32>
        %get3A_1328 = arith.index_cast %add3A_1323 : i32 to index
        %get3A_1329 = arith.constant 0 : index
        %get3A_1330 = tpu.vector_load %arg7[%get3A_1328, %get3A_1329] {strides = array<i32>} : memref<64x128xf32, #tpu.memory_space<vmem>>, vector<1x16xf32>,
        %get3A_1331 = vector.shape_cast %get3A_1330 : vector<1x16xf32> to vector<16xf32>
        %mul3A_1332 = arith.mulf %get3A_1327, %get3A_1331 : vector<16xf32>
        %get3A_1333 = arith.index_cast %add3A_1323 : i32 to index
        %get3A_1334 = arith.constant 0 : index
        %get3A_1335 = tpu.vector_load %arg8[%get3A_1333, %get3A_1334] {strides = array<i32>} : memref<64x128xf32, #tpu.memory_space<vmem>>, vector<1x16xf32>,
        %get3A_1336 = vector.shape_cast %get3A_1335 : vector<1x16xf32> to vector<16xf32>
        %mul3A_1337 = arith.mulf %mul3A_1332, %get3A_1336 : vector<16xf32>
        %get3A_1338 = arith.index_cast %add3A_1323 : i32 to index
        %get3A_1339 = arith.constant 16 : index
        %get3A_1340 = tpu.vector_load %arg6[%get3A_1338, %get3A_1339] {strides = array<i32>} : memref<64x128xf32, #tpu.memory_space<vmem>>, vector<1x16xf32>,
        %get3A_1341 = vector.shape_cast %get3A_1340 : vector<1x16xf32> to vector<16xf32>
        %get3A_1342 = arith.index_cast %add3A_1323 : i32 to index
        %get3A_1343 = arith.constant 16 : index
        %get3A_1344 = tpu.vector_load %arg7[%get3A_1342, %get3A_1343] {strides = array<i32>} : memref<64x128xf32, #tpu.memory_space<vmem>>, vector<1x16xf32>,
        %get3A_1345 = vector.shape_cast %get3A_1344 : vector<1x16xf32> to vector<16xf32>
        %mul3A_1346 = arith.mulf %get3A_1341, %get3A_1345 : vector<16xf32>
        %get3A_1347 = arith.index_cast %add3A_1323 : i32 to index
        %get3A_1348 = arith.constant 16 : index
        %get3A_1349 = tpu.vector_load %arg8[%get3A_1347, %get3A_1348] {strides = array<i32>} : memref<64x128xf32, #tpu.memory_space<vmem>>, vector<1x16xf32>,
        %get3A_1350 = vector.shape_cast %get3A_1349 : vector<1x16xf32> to vector<16xf32>
        %mul3A_1351 = arith.mulf %mul3A_1346, %get3A_1350 : vector<16xf32>
        %get3A_1352 = arith.index_cast %add3A_1323 : i32 to index
        %get3A_1353 = arith.constant 32 : index
        %get3A_1354 = tpu.vector_load %arg6[%get3A_1352, %get3A_1353] {strides = array<i32>} : memref<64x128xf32, #tpu.memory_space<vmem>>, vector<1x16xf32>,
        %get3A_1355 = vector.shape_cast %get3A_1354 : vector<1x16xf32> to vector<16xf32>
        %get3A_1356 = arith.index_cast %add3A_1323 : i32 to index
        %get3A_1357 = arith.constant 32 : index
        %get3A_1358 = tpu.vector_load %arg7[%get3A_1356, %get3A_1357] {strides = array<i32>} : memref<64x128xf32, #tpu.memory_space<vmem>>, vector<1x16xf32>,
        %get3A_1359 = vector.shape_cast %get3A_1358 : vector<1x16xf32> to vector<16xf32>
        %mul3A_1360 = arith.mulf %get3A_1355, %get3A_1359 : vector<16xf32>
        %get3A_1361 = arith.index_cast %add3A_1323 : i32 to index
        %get3A_1362 = arith.constant 32 : index
        %get3A_1363 = tpu.vector_load %arg8[%get3A_1361, %get3A_1362] {strides = array<i32>} : memref<64x128xf32, #tpu.memory_space<vmem>>, vector<1x16xf32>,
        %get3A_1364 = vector.shape_cast %get3A_1363 : vector<1x16xf32> to vector<16xf32>
        %mul3A_1365 = arith.mulf %mul3A_1360, %get3A_1364 : vector<16xf32>
        %get3A_1366 = arith.index_cast %add3A_1323 : i32 to index
        %get3A_1367 = arith.constant 48 : index
        %get3A_1368 = tpu.vector_load %arg6[%get3A_1366, %get3A_1367] {strides = array<i32>} : memref<64x128xf32, #tpu.memory_space<vmem>>, vector<1x16xf32>,
        %get3A_1369 = vector.shape_cast %get3A_1368 : vector<1x16xf32> to vector<16xf32>
        %get3A_1370 = arith.index_cast %add3A_1323 : i32 to index
        %get3A_1371 = arith.constant 48 : index
        %get3A_1372 = tpu.vector_load %arg7[%get3A_1370, %get3A_1371] {strides = array<i32>} : memref<64x128xf32, #tpu.memory_space<vmem>>, vector<1x16xf32>,
        %get3A_1373 = vector.shape_cast %get3A_1372 : vector<1x16xf32> to vector<16xf32>
        %mul3A_1374 = arith.mulf %get3A_1369, %get3A_1373 : vector<16xf32>
        %get3A_1375 = arith.index_cast %add3A_1323 : i32 to index
        %get3A_1376 = arith.constant 48 : index
        %get3A_1377 = tpu.vector_load %arg8[%get3A_1375, %get3A_1376] {strides = array<i32>} : memref<64x128xf32, #tpu.memory_space<vmem>>, vector<1x16xf32>,
        %get3A_1378 = vector.shape_cast %get3A_1377 : vector<1x16xf32> to vector<16xf32>
        %mul3A_1379 = arith.mulf %mul3A_1374, %get3A_1378 : vector<16xf32>
        %get3A_1380 = arith.index_cast %add3A_1323 : i32 to index
        %get3A_1381 = arith.constant 64 : index
        %get3A_1382 = tpu.vector_load %arg6[%get3A_1380, %get3A_1381] {strides = array<i32>} : memref<64x128xf32, #tpu.memory_space<vmem>>, vector<1x16xf32>,
        %get3A_1383 = vector.shape_cast %get3A_1382 : vector<1x16xf32> to vector<16xf32>
        %get3A_1384 = arith.index_cast %add3A_1323 : i32 to index
        %get3A_1385 = arith.constant 64 : index
        %get3A_1386 = tpu.vector_load %arg7[%get3A_1384, %get3A_1385] {strides = array<i32>} : memref<64x128xf32, #tpu.memory_space<vmem>>, vector<1x16xf32>,
        %get3A_1387 = vector.shape_cast %get3A_1386 : vector<1x16xf32> to vector<16xf32>
        %mul3A_1388 = arith.mulf %get3A_1383, %get3A_1387 : vector<16xf32>
        %get3A_1389 = arith.index_cast %add3A_1323 : i32 to index
        %get3A_1390 = arith.constant 64 : index
        %get3A_1391 = tpu.vector_load %arg8[%get3A_1389, %get3A_1390] {strides = array<i32>} : memref<64x128xf32, #tpu.memory_space<vmem>>, vector<1x16xf32>,
        %get3A_1392 = vector.shape_cast %get3A_1391 : vector<1x16xf32> to vector<16xf32>
        %mul3A_1393 = arith.mulf %mul3A_1388, %get3A_1392 : vector<16xf32>
        %get3A_1394 = arith.index_cast %add3A_1323 : i32 to index
        %get3A_1395 = arith.constant 80 : index
        %get3A_1396 = tpu.vector_load %arg6[%get3A_1394, %get3A_1395] {strides = array<i32>} : memref<64x128xf32, #tpu.memory_space<vmem>>, vector<1x16xf32>,
        %get3A_1397 = vector.shape_cast %get3A_1396 : vector<1x16xf32> to vector<16xf32>
        %get3A_1398 = arith.index_cast %add3A_1323 : i32 to index
        %get3A_1399 = arith.constant 80 : index
        %get3A_1400 = tpu.vector_load %arg7[%get3A_1398, %get3A_1399] {strides = array<i32>} : memref<64x128xf32, #tpu.memory_space<vmem>>, vector<1x16xf32>,
        %get3A_1401 = vector.shape_cast %get3A_1400 : vector<1x16xf32> to vector<16xf32>
        %mul3A_1402 = arith.mulf %get3A_1397, %get3A_1401 : vector<16xf32>
        %get3A_1403 = arith.index_cast %add3A_1323 : i32 to index
        %get3A_1404 = arith.constant 80 : index
        %get3A_1405 = tpu.vector_load %arg8[%get3A_1403, %get3A_1404] {strides = array<i32>} : memref<64x128xf32, #tpu.memory_space<vmem>>, vector<1x16xf32>,
        %get3A_1406 = vector.shape_cast %get3A_1405 : vector<1x16xf32> to vector<16xf32>
        %mul3A_1407 = arith.mulf %mul3A_1402, %get3A_1406 : vector<16xf32>
        %get3A_1408 = arith.index_cast %add3A_1323 : i32 to index
        %get3A_1409 = arith.constant 96 : index
        %get3A_1410 = tpu.vector_load %arg6[%get3A_1408, %get3A_1409] {strides = array<i32>} : memref<64x128xf32, #tpu.memory_space<vmem>>, vector<1x16xf32>,
        %get3A_1411 = vector.shape_cast %get3A_1410 : vector<1x16xf32> to vector<16xf32>
        %get3A_1412 = arith.index_cast %add3A_1323 : i32 to index
        %get3A_1413 = arith.constant 96 : index
        %get3A_1414 = tpu.vector_load %arg7[%get3A_1412, %get3A_1413] {strides = array<i32>} : memref<64x128xf32, #tpu.memory_space<vmem>>, vector<1x16xf32>,
        %get3A_1415 = vector.shape_cast %get3A_1414 : vector<1x16xf32> to vector<16xf32>
        %mul3A_1416 = arith.mulf %get3A_1411, %get3A_1415 : vector<16xf32>
        %get3A_1417 = arith.index_cast %add3A_1323 : i32 to index
        %get3A_1418 = arith.constant 96 : index
        %get3A_1419 = tpu.vector_load %arg8[%get3A_1417, %get3A_1418] {strides = array<i32>} : memref<64x128xf32, #tpu.memory_space<vmem>>, vector<1x16xf32>,
        %get3A_1420 = vector.shape_cast %get3A_1419 : vector<1x16xf32> to vector<16xf32>
        %mul3A_1421 = arith.mulf %mul3A_1416, %get3A_1420 : vector<16xf32>
        %get3A_1422 = arith.index_cast %add3A_1323 : i32 to index
        %get3A_1423 = arith.constant 112 : index
        %get3A_1424 = tpu.vector_load %arg6[%get3A_1422, %get3A_1423] {strides = array<i32>} : memref<64x128xf32, #tpu.memory_space<vmem>>, vector<1x16xf32>,
        %get3A_1425 = vector.shape_cast %get3A_1424 : vector<1x16xf32> to vector<16xf32>
        %get3A_1426 = arith.index_cast %add3A_1323 : i32 to index
        %get3A_1427 = arith.constant 112 : index
        %get3A_1428 = tpu.vector_load %arg7[%get3A_1426, %get3A_1427] {strides = array<i32>} : memref<64x128xf32, #tpu.memory_space<vmem>>, vector<1x16xf32>,
        %get3A_1429 = vector.shape_cast %get3A_1428 : vector<1x16xf32> to vector<16xf32>
        %mul3A_1430 = arith.mulf %get3A_1425, %get3A_1429 : vector<16xf32>
        %get3A_1431 = arith.index_cast %add3A_1323 : i32 to index
        %get3A_1432 = arith.constant 112 : index
        %get3A_1433 = tpu.vector_load %arg8[%get3A_1431, %get3A_1432] {strides = array<i32>} : memref<64x128xf32, #tpu.memory_space<vmem>>, vector<1x16xf32>,
        %get3A_1434 = vector.shape_cast %get3A_1433 : vector<1x16xf32> to vector<16xf32>
        %mul3A_1435 = arith.mulf %mul3A_1430, %get3A_1434 : vector<16xf32>
        %add3A_1436 = arith.addf %mul3A_1337, %mul3A_1351 : vector<16xf32>
        %add3A_1437 = arith.addf %mul3A_1365, %mul3A_1379 : vector<16xf32>
        %add3A_1438 = arith.addf %mul3A_1393, %mul3A_1407 : vector<16xf32>
        %add3A_1439 = arith.addf %mul3A_1421, %mul3A_1435 : vector<16xf32>
        %add3A_1440 = arith.addf %add3A_1436, %add3A_1437 : vector<16xf32>
        %add3A_1441 = arith.addf %add3A_1438, %add3A_1439 : vector<16xf32>
        %add3A_1442 = arith.addf %add3A_1440, %add3A_1441 : vector<16xf32>
        %mul3A_1443 = arith.constant 7.812500e-03 : f32
        %mul3A_1444 = vector.broadcast %mul3A_1443 : f32 to vector<16xf32>
        %mul3A_1445 = arith.mulf %add3A_1442, %mul3A_1444 : vector<16xf32>
        %mul3A_1446 = arith.constant 8 : i32
        %mul3A_1447 = arith.muli %add3A_59, %mul3A_1446 : i32
        %add3A_1448 = arith.addi %mul3A_1447, %scan3A_382 : i32
        %swap3A_1449 = arith.index_cast %add3A_1448 : i32 to index
        %swap3A_1450 = arith.constant 112 : index
        %swap3A_1451 = tpu.vector_load %arg12[%swap3A_1449, %swap3A_1450] {strides = array<i32>} : memref<64x128xf32, #tpu.memory_space<vmem>>, vector<1x16xf32>,
        %swap3A_1452 = vector.shape_cast %swap3A_1451 : vector<1x16xf32> to vector<16xf32>
        %swap3A_1453 = vector.shape_cast %mul3A_1445 : vector<16xf32> to vector<1x16xf32>
        tpu.vector_store %arg12[%swap3A_1449, %swap3A_1450], %swap3A_1453 {strides = array<i32>} : memref<64x128xf32, #tpu.memory_space<vmem>>, vector<1x16xf32>,
        %scan3A_1454 = arith.constant 0 : i32
        scf.yield %scan3A_1454 : i32
      }
      %scan3A_88 = arith.constant 8 : i32
      %mul3A_89 = arith.constant 8 : i32
      %mul3A_90 = arith.muli %add3A_59, %mul3A_89 : i32
      %add3A_91 = arith.constant 0 : i32
      %add3A_92 = arith.addi %mul3A_90, %add3A_91 : i32
      %mul3A_93 = arith.constant 8 : i32
      %mul3A_94 = arith.muli %add3A_59, %mul3A_93 : i32
      %add3A_95 = arith.constant 0 : i32
      %add3A_96 = arith.addi %mul3A_94, %add3A_95 : i32
      %dma_start3A_97 = arith.constant 0 : i32
      %dma_start3A_98 = tpu.memref_slice %arg12[%add3A_92, %dma_start3A_97] : memref<64x128xf32, #tpu.memory_space<vmem>> -> memref<1x128xf32, #tpu.memory_space<vmem>>
      %dma_start3A_99 = tpu.memref_squeeze %dma_start3A_98 : memref<1x128xf32, #tpu.memory_space<vmem>> -> memref<128xf32, #tpu.memory_space<vmem>>
      %dma_start3A_100 = arith.constant 0 : i32
      %dma_start3A_101 = tpu.memref_slice %arg13[%add3A_96, %dma_start3A_100] : memref<64x128xi32, #tpu.memory_space<vmem>> -> memref<1x128xi32, #tpu.memory_space<vmem>>
      %dma_start3A_102 = tpu.memref_squeeze %dma_start3A_101 : memref<1x128xi32, #tpu.memory_space<vmem>> -> memref<128xi32, #tpu.memory_space<vmem>>
      %dma_start3A_103 = arith.constant 0 : i32
      %dma_start3A_104 = tpu.memref_slice %arg15[%dma_start3A_103] : memref<8192xf32, #tpu.memory_space<vmem_shared>> -> memref<8192xf32, #tpu.memory_space<vmem_shared>>
      tpu.enqueue_indirect_dma source(%dma_start3A_99 : memref<128xf32, #tpu.memory_space<vmem>>) target(%dma_start3A_104 : memref<8192xf32, #tpu.memory_space<vmem_shared>>) offsets(%dma_start3A_102 : memref<128xi32, #tpu.memory_space<vmem>>) semaphore(%arg18 : memref<!tpu.dma_semaphore, #tpu.memory_space<semaphore_mem>>) {add = true}
      %mul3A_105 = arith.constant 8 : i32
      %mul3A_106 = arith.muli %add3A_59, %mul3A_105 : i32
      %add3A_107 = arith.constant 1 : i32
      %add3A_108 = arith.addi %mul3A_106, %add3A_107 : i32
      %mul3A_109 = arith.constant 8 : i32
      %mul3A_110 = arith.muli %add3A_59, %mul3A_109 : i32
      %add3A_111 = arith.constant 1 : i32
      %add3A_112 = arith.addi %mul3A_110, %add3A_111 : i32
      %dma_start3A_113 = arith.constant 0 : i32
      %dma_start3A_114 = tpu.memref_slice %arg12[%add3A_108, %dma_start3A_113] : memref<64x128xf32, #tpu.memory_space<vmem>> -> memref<1x128xf32, #tpu.memory_space<vmem>>
      %dma_start3A_115 = tpu.memref_squeeze %dma_start3A_114 : memref<1x128xf32, #tpu.memory_space<vmem>> -> memref<128xf32, #tpu.memory_space<vmem>>
      %dma_start3A_116 = arith.constant 0 : i32
      %dma_start3A_117 = tpu.memref_slice %arg13[%add3A_112, %dma_start3A_116] : memref<64x128xi32, #tpu.memory_space<vmem>> -> memref<1x128xi32, #tpu.memory_space<vmem>>
      %dma_start3A_118 = tpu.memref_squeeze %dma_start3A_117 : memref<1x128xi32, #tpu.memory_space<vmem>> -> memref<128xi32, #tpu.memory_space<vmem>>
      %dma_start3A_119 = arith.constant 0 : i32
      %dma_start3A_120 = tpu.memref_slice %arg15[%dma_start3A_119] : memref<8192xf32, #tpu.memory_space<vmem_shared>> -> memref<8192xf32, #tpu.memory_space<vmem_shared>>
      tpu.enqueue_indirect_dma source(%dma_start3A_115 : memref<128xf32, #tpu.memory_space<vmem>>) target(%dma_start3A_120 : memref<8192xf32, #tpu.memory_space<vmem_shared>>) offsets(%dma_start3A_118 : memref<128xi32, #tpu.memory_space<vmem>>) semaphore(%arg18 : memref<!tpu.dma_semaphore, #tpu.memory_space<semaphore_mem>>) {add = true}
      %mul3A_121 = arith.constant 8 : i32
      %mul3A_122 = arith.muli %add3A_59, %mul3A_121 : i32
      %add3A_123 = arith.constant 2 : i32
      %add3A_124 = arith.addi %mul3A_122, %add3A_123 : i32
      %mul3A_125 = arith.constant 8 : i32
      %mul3A_126 = arith.muli %add3A_59, %mul3A_125 : i32
      %add3A_127 = arith.constant 2 : i32
      %add3A_128 = arith.addi %mul3A_126, %add3A_127 : i32
      %dma_start3A_129 = arith.constant 0 : i32
      %dma_start3A_130 = tpu.memref_slice %arg12[%add3A_124, %dma_start3A_129] : memref<64x128xf32, #tpu.memory_space<vmem>> -> memref<1x128xf32, #tpu.memory_space<vmem>>
      %dma_start3A_131 = tpu.memref_squeeze %dma_start3A_130 : memref<1x128xf32, #tpu.memory_space<vmem>> -> memref<128xf32, #tpu.memory_space<vmem>>
      %dma_start3A_132 = arith.constant 0 : i32
      %dma_start3A_133 = tpu.memref_slice %arg13[%add3A_128, %dma_start3A_132] : memref<64x128xi32, #tpu.memory_space<vmem>> -> memref<1x128xi32, #tpu.memory_space<vmem>>
      %dma_start3A_134 = tpu.memref_squeeze %dma_start3A_133 : memref<1x128xi32, #tpu.memory_space<vmem>> -> memref<128xi32, #tpu.memory_space<vmem>>
      %dma_start3A_135 = arith.constant 0 : i32
      %dma_start3A_136 = tpu.memref_slice %arg15[%dma_start3A_135] : memref<8192xf32, #tpu.memory_space<vmem_shared>> -> memref<8192xf32, #tpu.memory_space<vmem_shared>>
      tpu.enqueue_indirect_dma source(%dma_start3A_131 : memref<128xf32, #tpu.memory_space<vmem>>) target(%dma_start3A_136 : memref<8192xf32, #tpu.memory_space<vmem_shared>>) offsets(%dma_start3A_134 : memref<128xi32, #tpu.memory_space<vmem>>) semaphore(%arg18 : memref<!tpu.dma_semaphore, #tpu.memory_space<semaphore_mem>>) {add = true}
      %mul3A_137 = arith.constant 8 : i32
      %mul3A_138 = arith.muli %add3A_59, %mul3A_137 : i32
      %add3A_139 = arith.constant 3 : i32
      %add3A_140 = arith.addi %mul3A_138, %add3A_139 : i32
      %mul3A_141 = arith.constant 8 : i32
      %mul3A_142 = arith.muli %add3A_59, %mul3A_141 : i32
      %add3A_143 = arith.constant 3 : i32
      %add3A_144 = arith.addi %mul3A_142, %add3A_143 : i32
      %dma_start3A_145 = arith.constant 0 : i32
      %dma_start3A_146 = tpu.memref_slice %arg12[%add3A_140, %dma_start3A_145] : memref<64x128xf32, #tpu.memory_space<vmem>> -> memref<1x128xf32, #tpu.memory_space<vmem>>
      %dma_start3A_147 = tpu.memref_squeeze %dma_start3A_146 : memref<1x128xf32, #tpu.memory_space<vmem>> -> memref<128xf32, #tpu.memory_space<vmem>>
      %dma_start3A_148 = arith.constant 0 : i32
      %dma_start3A_149 = tpu.memref_slice %arg13[%add3A_144, %dma_start3A_148] : memref<64x128xi32, #tpu.memory_space<vmem>> -> memref<1x128xi32, #tpu.memory_space<vmem>>
      %dma_start3A_150 = tpu.memref_squeeze %dma_start3A_149 : memref<1x128xi32, #tpu.memory_space<vmem>> -> memref<128xi32, #tpu.memory_space<vmem>>
      %dma_start3A_151 = arith.constant 0 : i32
      %dma_start3A_152 = tpu.memref_slice %arg15[%dma_start3A_151] : memref<8192xf32, #tpu.memory_space<vmem_shared>> -> memref<8192xf32, #tpu.memory_space<vmem_shared>>
      tpu.enqueue_indirect_dma source(%dma_start3A_147 : memref<128xf32, #tpu.memory_space<vmem>>) target(%dma_start3A_152 : memref<8192xf32, #tpu.memory_space<vmem_shared>>) offsets(%dma_start3A_150 : memref<128xi32, #tpu.memory_space<vmem>>) semaphore(%arg18 : memref<!tpu.dma_semaphore, #tpu.memory_space<semaphore_mem>>) {add = true}
      %mul3A_153 = arith.constant 8 : i32
      %mul3A_154 = arith.muli %add3A_59, %mul3A_153 : i32
      %add3A_155 = arith.constant 4 : i32
      %add3A_156 = arith.addi %mul3A_154, %add3A_155 : i32
      %mul3A_157 = arith.constant 8 : i32
      %mul3A_158 = arith.muli %add3A_59, %mul3A_157 : i32
      %add3A_159 = arith.constant 4 : i32
      %add3A_160 = arith.addi %mul3A_158, %add3A_159 : i32
      %dma_start3A_161 = arith.constant 0 : i32
      %dma_start3A_162 = tpu.memref_slice %arg12[%add3A_156, %dma_start3A_161] : memref<64x128xf32, #tpu.memory_space<vmem>> -> memref<1x128xf32, #tpu.memory_space<vmem>>
      %dma_start3A_163 = tpu.memref_squeeze %dma_start3A_162 : memref<1x128xf32, #tpu.memory_space<vmem>> -> memref<128xf32, #tpu.memory_space<vmem>>
      %dma_start3A_164 = arith.constant 0 : i32
      %dma_start3A_165 = tpu.memref_slice %arg13[%add3A_160, %dma_start3A_164] : memref<64x128xi32, #tpu.memory_space<vmem>> -> memref<1x128xi32, #tpu.memory_space<vmem>>
      %dma_start3A_166 = tpu.memref_squeeze %dma_start3A_165 : memref<1x128xi32, #tpu.memory_space<vmem>> -> memref<128xi32, #tpu.memory_space<vmem>>
      %dma_start3A_167 = arith.constant 0 : i32
      %dma_start3A_168 = tpu.memref_slice %arg15[%dma_start3A_167] : memref<8192xf32, #tpu.memory_space<vmem_shared>> -> memref<8192xf32, #tpu.memory_space<vmem_shared>>
      tpu.enqueue_indirect_dma source(%dma_start3A_163 : memref<128xf32, #tpu.memory_space<vmem>>) target(%dma_start3A_168 : memref<8192xf32, #tpu.memory_space<vmem_shared>>) offsets(%dma_start3A_166 : memref<128xi32, #tpu.memory_space<vmem>>) semaphore(%arg18 : memref<!tpu.dma_semaphore, #tpu.memory_space<semaphore_mem>>) {add = true}
      %mul3A_169 = arith.constant 8 : i32
      %mul3A_170 = arith.muli %add3A_59, %mul3A_169 : i32
      %add3A_171 = arith.constant 5 : i32
      %add3A_172 = arith.addi %mul3A_170, %add3A_171 : i32
      %mul3A_173 = arith.constant 8 : i32
      %mul3A_174 = arith.muli %add3A_59, %mul3A_173 : i32
      %add3A_175 = arith.constant 5 : i32
      %add3A_176 = arith.addi %mul3A_174, %add3A_175 : i32
      %dma_start3A_177 = arith.constant 0 : i32
      %dma_start3A_178 = tpu.memref_slice %arg12[%add3A_172, %dma_start3A_177] : memref<64x128xf32, #tpu.memory_space<vmem>> -> memref<1x128xf32, #tpu.memory_space<vmem>>
      %dma_start3A_179 = tpu.memref_squeeze %dma_start3A_178 : memref<1x128xf32, #tpu.memory_space<vmem>> -> memref<128xf32, #tpu.memory_space<vmem>>
      %dma_start3A_180 = arith.constant 0 : i32
      %dma_start3A_181 = tpu.memref_slice %arg13[%add3A_176, %dma_start3A_180] : memref<64x128xi32, #tpu.memory_space<vmem>> -> memref<1x128xi32, #tpu.memory_space<vmem>>
      %dma_start3A_182 = tpu.memref_squeeze %dma_start3A_181 : memref<1x128xi32, #tpu.memory_space<vmem>> -> memref<128xi32, #tpu.memory_space<vmem>>
      %dma_start3A_183 = arith.constant 0 : i32
      %dma_start3A_184 = tpu.memref_slice %arg15[%dma_start3A_183] : memref<8192xf32, #tpu.memory_space<vmem_shared>> -> memref<8192xf32, #tpu.memory_space<vmem_shared>>
      tpu.enqueue_indirect_dma source(%dma_start3A_179 : memref<128xf32, #tpu.memory_space<vmem>>) target(%dma_start3A_184 : memref<8192xf32, #tpu.memory_space<vmem_shared>>) offsets(%dma_start3A_182 : memref<128xi32, #tpu.memory_space<vmem>>) semaphore(%arg18 : memref<!tpu.dma_semaphore, #tpu.memory_space<semaphore_mem>>) {add = true}
      %mul3A_185 = arith.constant 8 : i32
      %mul3A_186 = arith.muli %add3A_59, %mul3A_185 : i32
      %add3A_187 = arith.constant 6 : i32
      %add3A_188 = arith.addi %mul3A_186, %add3A_187 : i32
      %mul3A_189 = arith.constant 8 : i32
      %mul3A_190 = arith.muli %add3A_59, %mul3A_189 : i32
      %add3A_191 = arith.constant 6 : i32
      %add3A_192 = arith.addi %mul3A_190, %add3A_191 : i32
      %dma_start3A_193 = arith.constant 0 : i32
      %dma_start3A_194 = tpu.memref_slice %arg12[%add3A_188, %dma_start3A_193] : memref<64x128xf32, #tpu.memory_space<vmem>> -> memref<1x128xf32, #tpu.memory_space<vmem>>
      %dma_start3A_195 = tpu.memref_squeeze %dma_start3A_194 : memref<1x128xf32, #tpu.memory_space<vmem>> -> memref<128xf32, #tpu.memory_space<vmem>>
      %dma_start3A_196 = arith.constant 0 : i32
      %dma_start3A_197 = tpu.memref_slice %arg13[%add3A_192, %dma_start3A_196] : memref<64x128xi32, #tpu.memory_space<vmem>> -> memref<1x128xi32, #tpu.memory_space<vmem>>
      %dma_start3A_198 = tpu.memref_squeeze %dma_start3A_197 : memref<1x128xi32, #tpu.memory_space<vmem>> -> memref<128xi32, #tpu.memory_space<vmem>>
      %dma_start3A_199 = arith.constant 0 : i32
      %dma_start3A_200 = tpu.memref_slice %arg15[%dma_start3A_199] : memref<8192xf32, #tpu.memory_space<vmem_shared>> -> memref<8192xf32, #tpu.memory_space<vmem_shared>>
      tpu.enqueue_indirect_dma source(%dma_start3A_195 : memref<128xf32, #tpu.memory_space<vmem>>) target(%dma_start3A_200 : memref<8192xf32, #tpu.memory_space<vmem_shared>>) offsets(%dma_start3A_198 : memref<128xi32, #tpu.memory_space<vmem>>) semaphore(%arg18 : memref<!tpu.dma_semaphore, #tpu.memory_space<semaphore_mem>>) {add = true}
      %mul3A_201 = arith.constant 8 : i32
      %mul3A_202 = arith.muli %add3A_59, %mul3A_201 : i32
      %add3A_203 = arith.constant 7 : i32
      %add3A_204 = arith.addi %mul3A_202, %add3A_203 : i32
      %mul3A_205 = arith.constant 8 : i32
      %mul3A_206 = arith.muli %add3A_59, %mul3A_205 : i32
      %add3A_207 = arith.constant 7 : i32
      %add3A_208 = arith.addi %mul3A_206, %add3A_207 : i32
      %dma_start3A_209 = arith.constant 0 : i32
      %dma_start3A_210 = tpu.memref_slice %arg12[%add3A_204, %dma_start3A_209] : memref<64x128xf32, #tpu.memory_space<vmem>> -> memref<1x128xf32, #tpu.memory_space<vmem>>
      %dma_start3A_211 = tpu.memref_squeeze %dma_start3A_210 : memref<1x128xf32, #tpu.memory_space<vmem>> -> memref<128xf32, #tpu.memory_space<vmem>>
      %dma_start3A_212 = arith.constant 0 : i32
      %dma_start3A_213 = tpu.memref_slice %arg13[%add3A_208, %dma_start3A_212] : memref<64x128xi32, #tpu.memory_space<vmem>> -> memref<1x128xi32, #tpu.memory_space<vmem>>
      %dma_start3A_214 = tpu.memref_squeeze %dma_start3A_213 : memref<1x128xi32, #tpu.memory_space<vmem>> -> memref<128xi32, #tpu.memory_space<vmem>>
      %dma_start3A_215 = arith.constant 0 : i32
      %dma_start3A_216 = tpu.memref_slice %arg15[%dma_start3A_215] : memref<8192xf32, #tpu.memory_space<vmem_shared>> -> memref<8192xf32, #tpu.memory_space<vmem_shared>>
      tpu.enqueue_indirect_dma source(%dma_start3A_211 : memref<128xf32, #tpu.memory_space<vmem>>) target(%dma_start3A_216 : memref<8192xf32, #tpu.memory_space<vmem_shared>>) offsets(%dma_start3A_214 : memref<128xi32, #tpu.memory_space<vmem>>) semaphore(%arg18 : memref<!tpu.dma_semaphore, #tpu.memory_space<semaphore_mem>>) {add = true}
      %mul3A_217 = arith.constant 2 : i32
      %mul3A_218 = arith.muli %scan3A_54, %mul3A_217 : i32
      %add3A_219 = arith.constant 1 : i32
      %add3A_220 = arith.addi %mul3A_218, %add3A_219 : i32
      %add3A_221 = arith.constant 1 : i32
      %add3A_222 = arith.addi %add3A_220, %add3A_221 : i32
      %lt3A_223 = arith.constant 8 : i32
      %lt3A_224 = arith.cmpi slt, %add3A_222, %lt3A_223 : i32
      %convert_element_type3A_225 = arith.extui %lt3A_224 : i1 to i32
      %cond3A_226 = arith.constant 0 : i32
      %cond3A_227 = arith.cmpi ne, %convert_element_type3A_225, %cond3A_226 : i32
      scf.if %cond3A_227 {
        %add3A_382 = arith.constant 1 : i32
        %add3A_383 = arith.addi %add3A_220, %add3A_382 : i32
        %dma_start3A_384 = arith.constant 0 : i32
        %dma_start3A_385 = arith.constant 0 : i32
        %dma_start3A_386 = tpu.memref_slice %arg5[%dma_start3A_384, %add3A_383, %dma_start3A_385] : memref<3x8x64xi32, #tpu.memory_space<vmem>> -> memref<1x1x64xi32, #tpu.memory_space<vmem>>
        %dma_start3A_387 = tpu.memref_squeeze %dma_start3A_386 : memref<1x1x64xi32, #tpu.memory_space<vmem>> -> memref<64xi32, #tpu.memory_space<vmem>>
        %dma_start3A_388 = arith.constant 0 : i32
        %dma_start3A_389 = arith.constant 0 : i32
        %dma_start3A_390 = tpu.memref_slice %arg3[%dma_start3A_388, %dma_start3A_389] : memref<100000x128xf32, #tpu.memory_space<hbm>> -> memref<100000x128xf32, #tpu.memory_space<hbm>>
        tpu.enqueue_indirect_dma source(%dma_start3A_390 : memref<100000x128xf32, #tpu.memory_space<hbm>>) target(%arg6 : memref<64x128xf32, #tpu.memory_space<vmem>>) offsets(%dma_start3A_387 : memref<64xi32, #tpu.memory_space<vmem>>) semaphore(%arg16 : memref<!tpu.dma_semaphore, #tpu.memory_space<semaphore_mem>>)
        %dma_start3A_391 = arith.constant 1 : i32
        %dma_start3A_392 = arith.constant 0 : i32
        %dma_start3A_393 = tpu.memref_slice %arg5[%dma_start3A_391, %add3A_383, %dma_start3A_392] : memref<3x8x64xi32, #tpu.memory_space<vmem>> -> memref<1x1x64xi32, #tpu.memory_space<vmem>>
        %dma_start3A_394 = tpu.memref_squeeze %dma_start3A_393 : memref<1x1x64xi32, #tpu.memory_space<vmem>> -> memref<64xi32, #tpu.memory_space<vmem>>
        %dma_start3A_395 = arith.constant 0 : i32
        %dma_start3A_396 = arith.constant 0 : i32
        %dma_start3A_397 = tpu.memref_slice %arg3[%dma_start3A_395, %dma_start3A_396] : memref<100000x128xf32, #tpu.memory_space<hbm>> -> memref<100000x128xf32, #tpu.memory_space<hbm>>
        tpu.enqueue_indirect_dma source(%dma_start3A_397 : memref<100000x128xf32, #tpu.memory_space<hbm>>) target(%arg7 : memref<64x128xf32, #tpu.memory_space<vmem>>) offsets(%dma_start3A_394 : memref<64xi32, #tpu.memory_space<vmem>>) semaphore(%arg16 : memref<!tpu.dma_semaphore, #tpu.memory_space<semaphore_mem>>)
        %dma_start3A_398 = arith.constant 2 : i32
        %dma_start3A_399 = arith.constant 0 : i32
        %dma_start3A_400 = tpu.memref_slice %arg5[%dma_start3A_398, %add3A_383, %dma_start3A_399] : memref<3x8x64xi32, #tpu.memory_space<vmem>> -> memref<1x1x64xi32, #tpu.memory_space<vmem>>
        %dma_start3A_401 = tpu.memref_squeeze %dma_start3A_400 : memref<1x1x64xi32, #tpu.memory_space<vmem>> -> memref<64xi32, #tpu.memory_space<vmem>>
        %dma_start3A_402 = arith.constant 0 : i32
        %dma_start3A_403 = arith.constant 0 : i32
        %dma_start3A_404 = tpu.memref_slice %arg3[%dma_start3A_402, %dma_start3A_403] : memref<100000x128xf32, #tpu.memory_space<hbm>> -> memref<100000x128xf32, #tpu.memory_space<hbm>>
        tpu.enqueue_indirect_dma source(%dma_start3A_404 : memref<100000x128xf32, #tpu.memory_space<hbm>>) target(%arg8 : memref<64x128xf32, #tpu.memory_space<vmem>>) offsets(%dma_start3A_401 : memref<64xi32, #tpu.memory_space<vmem>>) semaphore(%arg16 : memref<!tpu.dma_semaphore, #tpu.memory_space<semaphore_mem>>)
      } else {
      }
      %dma_wait3A_228 = arith.constant 0 : i32
      %dma_wait3A_229 = arith.constant 0 : i32
      %dma_wait3A_230 = tpu.memref_slice %arg3[%dma_wait3A_228, %dma_wait3A_229] : memref<100000x128xf32, #tpu.memory_space<hbm>> -> memref<64x128xf32, #tpu.memory_space<hbm>>
      %dma_wait3A_231 = arith.constant 0 : i32
      %dma_wait3A_232 = arith.constant 0 : i32
      %dma_wait3A_233 = tpu.memref_slice %arg3[%dma_wait3A_231, %dma_wait3A_232] : memref<100000x128xf32, #tpu.memory_space<hbm>> -> memref<64x128xf32, #tpu.memory_space<hbm>>
      tpu.wait_dma2 semaphore(%arg17 : memref<!tpu.dma_semaphore, #tpu.memory_space<semaphore_mem>>) src(%dma_wait3A_233 : memref<64x128xf32, #tpu.memory_space<hbm>>) dst(%arg9 : memref<64x128xf32, #tpu.memory_space<vmem>>)
      %dma_wait3A_234 = arith.constant 0 : i32
      %dma_wait3A_235 = arith.constant 0 : i32
      %dma_wait3A_236 = tpu.memref_slice %arg3[%dma_wait3A_234, %dma_wait3A_235] : memref<100000x128xf32, #tpu.memory_space<hbm>> -> memref<64x128xf32, #tpu.memory_space<hbm>>
      %dma_wait3A_237 = arith.constant 0 : i32
      %dma_wait3A_238 = arith.constant 0 : i32
      %dma_wait3A_239 = tpu.memref_slice %arg3[%dma_wait3A_237, %dma_wait3A_238] : memref<100000x128xf32, #tpu.memory_space<hbm>> -> memref<64x128xf32, #tpu.memory_space<hbm>>
      tpu.wait_dma2 semaphore(%arg17 : memref<!tpu.dma_semaphore, #tpu.memory_space<semaphore_mem>>) src(%dma_wait3A_239 : memref<64x128xf32, #tpu.memory_space<hbm>>) dst(%arg10 : memref<64x128xf32, #tpu.memory_space<vmem>>)
      %dma_wait3A_240 = arith.constant 0 : i32
      %dma_wait3A_241 = arith.constant 0 : i32
      %dma_wait3A_242 = tpu.memref_slice %arg3[%dma_wait3A_240, %dma_wait3A_241] : memref<100000x128xf32, #tpu.memory_space<hbm>> -> memref<64x128xf32, #tpu.memory_space<hbm>>
      %dma_wait3A_243 = arith.constant 0 : i32
      %dma_wait3A_244 = arith.constant 0 : i32
      %dma_wait3A_245 = tpu.memref_slice %arg3[%dma_wait3A_243, %dma_wait3A_244] : memref<100000x128xf32, #tpu.memory_space<hbm>> -> memref<64x128xf32, #tpu.memory_space<hbm>>
      tpu.wait_dma2 semaphore(%arg17 : memref<!tpu.dma_semaphore, #tpu.memory_space<semaphore_mem>>) src(%dma_wait3A_245 : memref<64x128xf32, #tpu.memory_space<hbm>>) dst(%arg11 : memref<64x128xf32, #tpu.memory_space<vmem>>)
      %scan3A_246 = arith.constant 0 : i32
      %scan3A_247 = arith.constant 0 : i32
      %scan3A_248 = arith.constant 8 : i32
      %scan3A_249 = arith.addi %scan3A_247, %scan3A_248 : i32
      %scan3A_250 = arith.constant 1 : i32
      %scan3A_251 = scf.for %scan3A_382 = %scan3A_247 to %scan3A_249 step %scan3A_250 iter_args(%scan3A_383 = %scan3A_246) -> (i32)  : i32 {
        %mul3A_384 = arith.constant 8 : i32
        %mul3A_385 = arith.muli %scan3A_382, %mul3A_384 : i32
        %add3A_386 = arith.constant 0 : i32
        %add3A_387 = arith.addi %mul3A_385, %add3A_386 : i32
        %get3A = arith.index_cast %add3A_387 : i32 to index
        %get3A_388 = arith.constant 0 : index
        %get3A_389 = tpu.vector_load %arg9[%get3A, %get3A_388] {strides = array<i32>} : memref<64x128xf32, #tpu.memory_space<vmem>>, vector<1x16xf32>,
        %get3A_390 = vector.shape_cast %get3A_389 : vector<1x16xf32> to vector<16xf32>
        %get3A_391 = arith.index_cast %add3A_387 : i32 to index
        %get3A_392 = arith.constant 0 : index
        %get3A_393 = tpu.vector_load %arg10[%get3A_391, %get3A_392] {strides = array<i32>} : memref<64x128xf32, #tpu.memory_space<vmem>>, vector<1x16xf32>,
        %get3A_394 = vector.shape_cast %get3A_393 : vector<1x16xf32> to vector<16xf32>
        %mul3A_395 = arith.mulf %get3A_390, %get3A_394 : vector<16xf32>
        %get3A_396 = arith.index_cast %add3A_387 : i32 to index
        %get3A_397 = arith.constant 0 : index
        %get3A_398 = tpu.vector_load %arg11[%get3A_396, %get3A_397] {strides = array<i32>} : memref<64x128xf32, #tpu.memory_space<vmem>>, vector<1x16xf32>,
        %get3A_399 = vector.shape_cast %get3A_398 : vector<1x16xf32> to vector<16xf32>
        %mul3A_400 = arith.mulf %mul3A_395, %get3A_399 : vector<16xf32>
        %get3A_401 = arith.index_cast %add3A_387 : i32 to index
        %get3A_402 = arith.constant 16 : index
        %get3A_403 = tpu.vector_load %arg9[%get3A_401, %get3A_402] {strides = array<i32>} : memref<64x128xf32, #tpu.memory_space<vmem>>, vector<1x16xf32>,
        %get3A_404 = vector.shape_cast %get3A_403 : vector<1x16xf32> to vector<16xf32>
        %get3A_405 = arith.index_cast %add3A_387 : i32 to index
        %get3A_406 = arith.constant 16 : index
        %get3A_407 = tpu.vector_load %arg10[%get3A_405, %get3A_406] {strides = array<i32>} : memref<64x128xf32, #tpu.memory_space<vmem>>, vector<1x16xf32>,
        %get3A_408 = vector.shape_cast %get3A_407 : vector<1x16xf32> to vector<16xf32>
        %mul3A_409 = arith.mulf %get3A_404, %get3A_408 : vector<16xf32>
        %get3A_410 = arith.index_cast %add3A_387 : i32 to index
        %get3A_411 = arith.constant 16 : index
        %get3A_412 = tpu.vector_load %arg11[%get3A_410, %get3A_411] {strides = array<i32>} : memref<64x128xf32, #tpu.memory_space<vmem>>, vector<1x16xf32>,
        %get3A_413 = vector.shape_cast %get3A_412 : vector<1x16xf32> to vector<16xf32>
        %mul3A_414 = arith.mulf %mul3A_409, %get3A_413 : vector<16xf32>
        %get3A_415 = arith.index_cast %add3A_387 : i32 to index
        %get3A_416 = arith.constant 32 : index
        %get3A_417 = tpu.vector_load %arg9[%get3A_415, %get3A_416] {strides = array<i32>} : memref<64x128xf32, #tpu.memory_space<vmem>>, vector<1x16xf32>,
        %get3A_418 = vector.shape_cast %get3A_417 : vector<1x16xf32> to vector<16xf32>
        %get3A_419 = arith.index_cast %add3A_387 : i32 to index
        %get3A_420 = arith.constant 32 : index
        %get3A_421 = tpu.vector_load %arg10[%get3A_419, %get3A_420] {strides = array<i32>} : memref<64x128xf32, #tpu.memory_space<vmem>>, vector<1x16xf32>,
        %get3A_422 = vector.shape_cast %get3A_421 : vector<1x16xf32> to vector<16xf32>
        %mul3A_423 = arith.mulf %get3A_418, %get3A_422 : vector<16xf32>
        %get3A_424 = arith.index_cast %add3A_387 : i32 to index
        %get3A_425 = arith.constant 32 : index
        %get3A_426 = tpu.vector_load %arg11[%get3A_424, %get3A_425] {strides = array<i32>} : memref<64x128xf32, #tpu.memory_space<vmem>>, vector<1x16xf32>,
        %get3A_427 = vector.shape_cast %get3A_426 : vector<1x16xf32> to vector<16xf32>
        %mul3A_428 = arith.mulf %mul3A_423, %get3A_427 : vector<16xf32>
        %get3A_429 = arith.index_cast %add3A_387 : i32 to index
        %get3A_430 = arith.constant 48 : index
        %get3A_431 = tpu.vector_load %arg9[%get3A_429, %get3A_430] {strides = array<i32>} : memref<64x128xf32, #tpu.memory_space<vmem>>, vector<1x16xf32>,
        %get3A_432 = vector.shape_cast %get3A_431 : vector<1x16xf32> to vector<16xf32>
        %get3A_433 = arith.index_cast %add3A_387 : i32 to index
        %get3A_434 = arith.constant 48 : index
        %get3A_435 = tpu.vector_load %arg10[%get3A_433, %get3A_434] {strides = array<i32>} : memref<64x128xf32, #tpu.memory_space<vmem>>, vector<1x16xf32>,
        %get3A_436 = vector.shape_cast %get3A_435 : vector<1x16xf32> to vector<16xf32>
        %mul3A_437 = arith.mulf %get3A_432, %get3A_436 : vector<16xf32>
        %get3A_438 = arith.index_cast %add3A_387 : i32 to index
        %get3A_439 = arith.constant 48 : index
        %get3A_440 = tpu.vector_load %arg11[%get3A_438, %get3A_439] {strides = array<i32>} : memref<64x128xf32, #tpu.memory_space<vmem>>, vector<1x16xf32>,
        %get3A_441 = vector.shape_cast %get3A_440 : vector<1x16xf32> to vector<16xf32>
        %mul3A_442 = arith.mulf %mul3A_437, %get3A_441 : vector<16xf32>
        %get3A_443 = arith.index_cast %add3A_387 : i32 to index
        %get3A_444 = arith.constant 64 : index
        %get3A_445 = tpu.vector_load %arg9[%get3A_443, %get3A_444] {strides = array<i32>} : memref<64x128xf32, #tpu.memory_space<vmem>>, vector<1x16xf32>,
        %get3A_446 = vector.shape_cast %get3A_445 : vector<1x16xf32> to vector<16xf32>
        %get3A_447 = arith.index_cast %add3A_387 : i32 to index
        %get3A_448 = arith.constant 64 : index
        %get3A_449 = tpu.vector_load %arg10[%get3A_447, %get3A_448] {strides = array<i32>} : memref<64x128xf32, #tpu.memory_space<vmem>>, vector<1x16xf32>,
        %get3A_450 = vector.shape_cast %get3A_449 : vector<1x16xf32> to vector<16xf32>
        %mul3A_451 = arith.mulf %get3A_446, %get3A_450 : vector<16xf32>
        %get3A_452 = arith.index_cast %add3A_387 : i32 to index
        %get3A_453 = arith.constant 64 : index
        %get3A_454 = tpu.vector_load %arg11[%get3A_452, %get3A_453] {strides = array<i32>} : memref<64x128xf32, #tpu.memory_space<vmem>>, vector<1x16xf32>,
        %get3A_455 = vector.shape_cast %get3A_454 : vector<1x16xf32> to vector<16xf32>
        %mul3A_456 = arith.mulf %mul3A_451, %get3A_455 : vector<16xf32>
        %get3A_457 = arith.index_cast %add3A_387 : i32 to index
        %get3A_458 = arith.constant 80 : index
        %get3A_459 = tpu.vector_load %arg9[%get3A_457, %get3A_458] {strides = array<i32>} : memref<64x128xf32, #tpu.memory_space<vmem>>, vector<1x16xf32>,
        %get3A_460 = vector.shape_cast %get3A_459 : vector<1x16xf32> to vector<16xf32>
        %get3A_461 = arith.index_cast %add3A_387 : i32 to index
        %get3A_462 = arith.constant 80 : index
        %get3A_463 = tpu.vector_load %arg10[%get3A_461, %get3A_462] {strides = array<i32>} : memref<64x128xf32, #tpu.memory_space<vmem>>, vector<1x16xf32>,
        %get3A_464 = vector.shape_cast %get3A_463 : vector<1x16xf32> to vector<16xf32>
        %mul3A_465 = arith.mulf %get3A_460, %get3A_464 : vector<16xf32>
        %get3A_466 = arith.index_cast %add3A_387 : i32 to index
        %get3A_467 = arith.constant 80 : index
        %get3A_468 = tpu.vector_load %arg11[%get3A_466, %get3A_467] {strides = array<i32>} : memref<64x128xf32, #tpu.memory_space<vmem>>, vector<1x16xf32>,
        %get3A_469 = vector.shape_cast %get3A_468 : vector<1x16xf32> to vector<16xf32>
        %mul3A_470 = arith.mulf %mul3A_465, %get3A_469 : vector<16xf32>
        %get3A_471 = arith.index_cast %add3A_387 : i32 to index
        %get3A_472 = arith.constant 96 : index
        %get3A_473 = tpu.vector_load %arg9[%get3A_471, %get3A_472] {strides = array<i32>} : memref<64x128xf32, #tpu.memory_space<vmem>>, vector<1x16xf32>,
        %get3A_474 = vector.shape_cast %get3A_473 : vector<1x16xf32> to vector<16xf32>
        %get3A_475 = arith.index_cast %add3A_387 : i32 to index
        %get3A_476 = arith.constant 96 : index
        %get3A_477 = tpu.vector_load %arg10[%get3A_475, %get3A_476] {strides = array<i32>} : memref<64x128xf32, #tpu.memory_space<vmem>>, vector<1x16xf32>,
        %get3A_478 = vector.shape_cast %get3A_477 : vector<1x16xf32> to vector<16xf32>
        %mul3A_479 = arith.mulf %get3A_474, %get3A_478 : vector<16xf32>
        %get3A_480 = arith.index_cast %add3A_387 : i32 to index
        %get3A_481 = arith.constant 96 : index
        %get3A_482 = tpu.vector_load %arg11[%get3A_480, %get3A_481] {strides = array<i32>} : memref<64x128xf32, #tpu.memory_space<vmem>>, vector<1x16xf32>,
        %get3A_483 = vector.shape_cast %get3A_482 : vector<1x16xf32> to vector<16xf32>
        %mul3A_484 = arith.mulf %mul3A_479, %get3A_483 : vector<16xf32>
        %get3A_485 = arith.index_cast %add3A_387 : i32 to index
        %get3A_486 = arith.constant 112 : index
        %get3A_487 = tpu.vector_load %arg9[%get3A_485, %get3A_486] {strides = array<i32>} : memref<64x128xf32, #tpu.memory_space<vmem>>, vector<1x16xf32>,
        %get3A_488 = vector.shape_cast %get3A_487 : vector<1x16xf32> to vector<16xf32>
        %get3A_489 = arith.index_cast %add3A_387 : i32 to index
        %get3A_490 = arith.constant 112 : index
        %get3A_491 = tpu.vector_load %arg10[%get3A_489, %get3A_490] {strides = array<i32>} : memref<64x128xf32, #tpu.memory_space<vmem>>, vector<1x16xf32>,
        %get3A_492 = vector.shape_cast %get3A_491 : vector<1x16xf32> to vector<16xf32>
        %mul3A_493 = arith.mulf %get3A_488, %get3A_492 : vector<16xf32>
        %get3A_494 = arith.index_cast %add3A_387 : i32 to index
        %get3A_495 = arith.constant 112 : index
        %get3A_496 = tpu.vector_load %arg11[%get3A_494, %get3A_495] {strides = array<i32>} : memref<64x128xf32, #tpu.memory_space<vmem>>, vector<1x16xf32>,
        %get3A_497 = vector.shape_cast %get3A_496 : vector<1x16xf32> to vector<16xf32>
        %mul3A_498 = arith.mulf %mul3A_493, %get3A_497 : vector<16xf32>
        %add3A_499 = arith.addf %mul3A_400, %mul3A_414 : vector<16xf32>
        %add3A_500 = arith.addf %mul3A_428, %mul3A_442 : vector<16xf32>
        %add3A_501 = arith.addf %mul3A_456, %mul3A_470 : vector<16xf32>
        %add3A_502 = arith.addf %mul3A_484, %mul3A_498 : vector<16xf32>
        %add3A_503 = arith.addf %add3A_499, %add3A_500 : vector<16xf32>
        %add3A_504 = arith.addf %add3A_501, %add3A_502 : vector<16xf32>
        %add3A_505 = arith.addf %add3A_503, %add3A_504 : vector<16xf32>
        %mul3A_506 = arith.constant 7.812500e-03 : f32
        %mul3A_507 = vector.broadcast %mul3A_506 : f32 to vector<16xf32>
        %mul3A_508 = arith.mulf %add3A_505, %mul3A_507 : vector<16xf32>
        %mul3A_509 = arith.constant 8 : i32
        %mul3A_510 = arith.muli %add3A_220, %mul3A_509 : i32
        %add3A_511 = arith.addi %mul3A_510, %scan3A_382 : i32
        %swap3A = arith.index_cast %add3A_511 : i32 to index
        %swap3A_512 = arith.constant 0 : index
        %swap3A_513 = tpu.vector_load %arg12[%swap3A, %swap3A_512] {strides = array<i32>} : memref<64x128xf32, #tpu.memory_space<vmem>>, vector<1x16xf32>,
        %swap3A_514 = vector.shape_cast %swap3A_513 : vector<1x16xf32> to vector<16xf32>
        %swap3A_515 = vector.shape_cast %mul3A_508 : vector<16xf32> to vector<1x16xf32>
        tpu.vector_store %arg12[%swap3A, %swap3A_512], %swap3A_515 {strides = array<i32>} : memref<64x128xf32, #tpu.memory_space<vmem>>, vector<1x16xf32>,
        %mul3A_516 = arith.constant 8 : i32
        %mul3A_517 = arith.muli %scan3A_382, %mul3A_516 : i32
        %add3A_518 = arith.constant 1 : i32
        %add3A_519 = arith.addi %mul3A_517, %add3A_518 : i32
        %get3A_520 = arith.index_cast %add3A_519 : i32 to index
        %get3A_521 = arith.constant 0 : index
        %get3A_522 = tpu.vector_load %arg9[%get3A_520, %get3A_521] {strides = array<i32>} : memref<64x128xf32, #tpu.memory_space<vmem>>, vector<1x16xf32>,
        %get3A_523 = vector.shape_cast %get3A_522 : vector<1x16xf32> to vector<16xf32>
        %get3A_524 = arith.index_cast %add3A_519 : i32 to index
        %get3A_525 = arith.constant 0 : index
        %get3A_526 = tpu.vector_load %arg10[%get3A_524, %get3A_525] {strides = array<i32>} : memref<64x128xf32, #tpu.memory_space<vmem>>, vector<1x16xf32>,
        %get3A_527 = vector.shape_cast %get3A_526 : vector<1x16xf32> to vector<16xf32>
        %mul3A_528 = arith.mulf %get3A_523, %get3A_527 : vector<16xf32>
        %get3A_529 = arith.index_cast %add3A_519 : i32 to index
        %get3A_530 = arith.constant 0 : index
        %get3A_531 = tpu.vector_load %arg11[%get3A_529, %get3A_530] {strides = array<i32>} : memref<64x128xf32, #tpu.memory_space<vmem>>, vector<1x16xf32>,
        %get3A_532 = vector.shape_cast %get3A_531 : vector<1x16xf32> to vector<16xf32>
        %mul3A_533 = arith.mulf %mul3A_528, %get3A_532 : vector<16xf32>
        %get3A_534 = arith.index_cast %add3A_519 : i32 to index
        %get3A_535 = arith.constant 16 : index
        %get3A_536 = tpu.vector_load %arg9[%get3A_534, %get3A_535] {strides = array<i32>} : memref<64x128xf32, #tpu.memory_space<vmem>>, vector<1x16xf32>,
        %get3A_537 = vector.shape_cast %get3A_536 : vector<1x16xf32> to vector<16xf32>
        %get3A_538 = arith.index_cast %add3A_519 : i32 to index
        %get3A_539 = arith.constant 16 : index
        %get3A_540 = tpu.vector_load %arg10[%get3A_538, %get3A_539] {strides = array<i32>} : memref<64x128xf32, #tpu.memory_space<vmem>>, vector<1x16xf32>,
        %get3A_541 = vector.shape_cast %get3A_540 : vector<1x16xf32> to vector<16xf32>
        %mul3A_542 = arith.mulf %get3A_537, %get3A_541 : vector<16xf32>
        %get3A_543 = arith.index_cast %add3A_519 : i32 to index
        %get3A_544 = arith.constant 16 : index
        %get3A_545 = tpu.vector_load %arg11[%get3A_543, %get3A_544] {strides = array<i32>} : memref<64x128xf32, #tpu.memory_space<vmem>>, vector<1x16xf32>,
        %get3A_546 = vector.shape_cast %get3A_545 : vector<1x16xf32> to vector<16xf32>
        %mul3A_547 = arith.mulf %mul3A_542, %get3A_546 : vector<16xf32>
        %get3A_548 = arith.index_cast %add3A_519 : i32 to index
        %get3A_549 = arith.constant 32 : index
        %get3A_550 = tpu.vector_load %arg9[%get3A_548, %get3A_549] {strides = array<i32>} : memref<64x128xf32, #tpu.memory_space<vmem>>, vector<1x16xf32>,
        %get3A_551 = vector.shape_cast %get3A_550 : vector<1x16xf32> to vector<16xf32>
        %get3A_552 = arith.index_cast %add3A_519 : i32 to index
        %get3A_553 = arith.constant 32 : index
        %get3A_554 = tpu.vector_load %arg10[%get3A_552, %get3A_553] {strides = array<i32>} : memref<64x128xf32, #tpu.memory_space<vmem>>, vector<1x16xf32>,
        %get3A_555 = vector.shape_cast %get3A_554 : vector<1x16xf32> to vector<16xf32>
        %mul3A_556 = arith.mulf %get3A_551, %get3A_555 : vector<16xf32>
        %get3A_557 = arith.index_cast %add3A_519 : i32 to index
        %get3A_558 = arith.constant 32 : index
        %get3A_559 = tpu.vector_load %arg11[%get3A_557, %get3A_558] {strides = array<i32>} : memref<64x128xf32, #tpu.memory_space<vmem>>, vector<1x16xf32>,
        %get3A_560 = vector.shape_cast %get3A_559 : vector<1x16xf32> to vector<16xf32>
        %mul3A_561 = arith.mulf %mul3A_556, %get3A_560 : vector<16xf32>
        %get3A_562 = arith.index_cast %add3A_519 : i32 to index
        %get3A_563 = arith.constant 48 : index
        %get3A_564 = tpu.vector_load %arg9[%get3A_562, %get3A_563] {strides = array<i32>} : memref<64x128xf32, #tpu.memory_space<vmem>>, vector<1x16xf32>,
        %get3A_565 = vector.shape_cast %get3A_564 : vector<1x16xf32> to vector<16xf32>
        %get3A_566 = arith.index_cast %add3A_519 : i32 to index
        %get3A_567 = arith.constant 48 : index
        %get3A_568 = tpu.vector_load %arg10[%get3A_566, %get3A_567] {strides = array<i32>} : memref<64x128xf32, #tpu.memory_space<vmem>>, vector<1x16xf32>,
        %get3A_569 = vector.shape_cast %get3A_568 : vector<1x16xf32> to vector<16xf32>
        %mul3A_570 = arith.mulf %get3A_565, %get3A_569 : vector<16xf32>
        %get3A_571 = arith.index_cast %add3A_519 : i32 to index
        %get3A_572 = arith.constant 48 : index
        %get3A_573 = tpu.vector_load %arg11[%get3A_571, %get3A_572] {strides = array<i32>} : memref<64x128xf32, #tpu.memory_space<vmem>>, vector<1x16xf32>,
        %get3A_574 = vector.shape_cast %get3A_573 : vector<1x16xf32> to vector<16xf32>
        %mul3A_575 = arith.mulf %mul3A_570, %get3A_574 : vector<16xf32>
        %get3A_576 = arith.index_cast %add3A_519 : i32 to index
        %get3A_577 = arith.constant 64 : index
        %get3A_578 = tpu.vector_load %arg9[%get3A_576, %get3A_577] {strides = array<i32>} : memref<64x128xf32, #tpu.memory_space<vmem>>, vector<1x16xf32>,
        %get3A_579 = vector.shape_cast %get3A_578 : vector<1x16xf32> to vector<16xf32>
        %get3A_580 = arith.index_cast %add3A_519 : i32 to index
        %get3A_581 = arith.constant 64 : index
        %get3A_582 = tpu.vector_load %arg10[%get3A_580, %get3A_581] {strides = array<i32>} : memref<64x128xf32, #tpu.memory_space<vmem>>, vector<1x16xf32>,
        %get3A_583 = vector.shape_cast %get3A_582 : vector<1x16xf32> to vector<16xf32>
        %mul3A_584 = arith.mulf %get3A_579, %get3A_583 : vector<16xf32>
        %get3A_585 = arith.index_cast %add3A_519 : i32 to index
        %get3A_586 = arith.constant 64 : index
        %get3A_587 = tpu.vector_load %arg11[%get3A_585, %get3A_586] {strides = array<i32>} : memref<64x128xf32, #tpu.memory_space<vmem>>, vector<1x16xf32>,
        %get3A_588 = vector.shape_cast %get3A_587 : vector<1x16xf32> to vector<16xf32>
        %mul3A_589 = arith.mulf %mul3A_584, %get3A_588 : vector<16xf32>
        %get3A_590 = arith.index_cast %add3A_519 : i32 to index
        %get3A_591 = arith.constant 80 : index
        %get3A_592 = tpu.vector_load %arg9[%get3A_590, %get3A_591] {strides = array<i32>} : memref<64x128xf32, #tpu.memory_space<vmem>>, vector<1x16xf32>,
        %get3A_593 = vector.shape_cast %get3A_592 : vector<1x16xf32> to vector<16xf32>
        %get3A_594 = arith.index_cast %add3A_519 : i32 to index
        %get3A_595 = arith.constant 80 : index
        %get3A_596 = tpu.vector_load %arg10[%get3A_594, %get3A_595] {strides = array<i32>} : memref<64x128xf32, #tpu.memory_space<vmem>>, vector<1x16xf32>,
        %get3A_597 = vector.shape_cast %get3A_596 : vector<1x16xf32> to vector<16xf32>
        %mul3A_598 = arith.mulf %get3A_593, %get3A_597 : vector<16xf32>
        %get3A_599 = arith.index_cast %add3A_519 : i32 to index
        %get3A_600 = arith.constant 80 : index
        %get3A_601 = tpu.vector_load %arg11[%get3A_599, %get3A_600] {strides = array<i32>} : memref<64x128xf32, #tpu.memory_space<vmem>>, vector<1x16xf32>,
        %get3A_602 = vector.shape_cast %get3A_601 : vector<1x16xf32> to vector<16xf32>
        %mul3A_603 = arith.mulf %mul3A_598, %get3A_602 : vector<16xf32>
        %get3A_604 = arith.index_cast %add3A_519 : i32 to index
        %get3A_605 = arith.constant 96 : index
        %get3A_606 = tpu.vector_load %arg9[%get3A_604, %get3A_605] {strides = array<i32>} : memref<64x128xf32, #tpu.memory_space<vmem>>, vector<1x16xf32>,
        %get3A_607 = vector.shape_cast %get3A_606 : vector<1x16xf32> to vector<16xf32>
        %get3A_608 = arith.index_cast %add3A_519 : i32 to index
        %get3A_609 = arith.constant 96 : index
        %get3A_610 = tpu.vector_load %arg10[%get3A_608, %get3A_609] {strides = array<i32>} : memref<64x128xf32, #tpu.memory_space<vmem>>, vector<1x16xf32>,
        %get3A_611 = vector.shape_cast %get3A_610 : vector<1x16xf32> to vector<16xf32>
        %mul3A_612 = arith.mulf %get3A_607, %get3A_611 : vector<16xf32>
        %get3A_613 = arith.index_cast %add3A_519 : i32 to index
        %get3A_614 = arith.constant 96 : index
        %get3A_615 = tpu.vector_load %arg11[%get3A_613, %get3A_614] {strides = array<i32>} : memref<64x128xf32, #tpu.memory_space<vmem>>, vector<1x16xf32>,
        %get3A_616 = vector.shape_cast %get3A_615 : vector<1x16xf32> to vector<16xf32>
        %mul3A_617 = arith.mulf %mul3A_612, %get3A_616 : vector<16xf32>
        %get3A_618 = arith.index_cast %add3A_519 : i32 to index
        %get3A_619 = arith.constant 112 : index
        %get3A_620 = tpu.vector_load %arg9[%get3A_618, %get3A_619] {strides = array<i32>} : memref<64x128xf32, #tpu.memory_space<vmem>>, vector<1x16xf32>,
        %get3A_621 = vector.shape_cast %get3A_620 : vector<1x16xf32> to vector<16xf32>
        %get3A_622 = arith.index_cast %add3A_519 : i32 to index
        %get3A_623 = arith.constant 112 : index
        %get3A_624 = tpu.vector_load %arg10[%get3A_622, %get3A_623] {strides = array<i32>} : memref<64x128xf32, #tpu.memory_space<vmem>>, vector<1x16xf32>,
        %get3A_625 = vector.shape_cast %get3A_624 : vector<1x16xf32> to vector<16xf32>
        %mul3A_626 = arith.mulf %get3A_621, %get3A_625 : vector<16xf32>
        %get3A_627 = arith.index_cast %add3A_519 : i32 to index
        %get3A_628 = arith.constant 112 : index
        %get3A_629 = tpu.vector_load %arg11[%get3A_627, %get3A_628] {strides = array<i32>} : memref<64x128xf32, #tpu.memory_space<vmem>>, vector<1x16xf32>,
        %get3A_630 = vector.shape_cast %get3A_629 : vector<1x16xf32> to vector<16xf32>
        %mul3A_631 = arith.mulf %mul3A_626, %get3A_630 : vector<16xf32>
        %add3A_632 = arith.addf %mul3A_533, %mul3A_547 : vector<16xf32>
        %add3A_633 = arith.addf %mul3A_561, %mul3A_575 : vector<16xf32>
        %add3A_634 = arith.addf %mul3A_589, %mul3A_603 : vector<16xf32>
        %add3A_635 = arith.addf %mul3A_617, %mul3A_631 : vector<16xf32>
        %add3A_636 = arith.addf %add3A_632, %add3A_633 : vector<16xf32>
        %add3A_637 = arith.addf %add3A_634, %add3A_635 : vector<16xf32>
        %add3A_638 = arith.addf %add3A_636, %add3A_637 : vector<16xf32>
        %mul3A_639 = arith.constant 7.812500e-03 : f32
        %mul3A_640 = vector.broadcast %mul3A_639 : f32 to vector<16xf32>
        %mul3A_641 = arith.mulf %add3A_638, %mul3A_640 : vector<16xf32>
        %mul3A_642 = arith.constant 8 : i32
        %mul3A_643 = arith.muli %add3A_220, %mul3A_642 : i32
        %add3A_644 = arith.addi %mul3A_643, %scan3A_382 : i32
        %swap3A_645 = arith.index_cast %add3A_644 : i32 to index
        %swap3A_646 = arith.constant 16 : index
        %swap3A_647 = tpu.vector_load %arg12[%swap3A_645, %swap3A_646] {strides = array<i32>} : memref<64x128xf32, #tpu.memory_space<vmem>>, vector<1x16xf32>,
        %swap3A_648 = vector.shape_cast %swap3A_647 : vector<1x16xf32> to vector<16xf32>
        %swap3A_649 = vector.shape_cast %mul3A_641 : vector<16xf32> to vector<1x16xf32>
        tpu.vector_store %arg12[%swap3A_645, %swap3A_646], %swap3A_649 {strides = array<i32>} : memref<64x128xf32, #tpu.memory_space<vmem>>, vector<1x16xf32>,
        %mul3A_650 = arith.constant 8 : i32
        %mul3A_651 = arith.muli %scan3A_382, %mul3A_650 : i32
        %add3A_652 = arith.constant 2 : i32
        %add3A_653 = arith.addi %mul3A_651, %add3A_652 : i32
        %get3A_654 = arith.index_cast %add3A_653 : i32 to index
        %get3A_655 = arith.constant 0 : index
        %get3A_656 = tpu.vector_load %arg9[%get3A_654, %get3A_655] {strides = array<i32>} : memref<64x128xf32, #tpu.memory_space<vmem>>, vector<1x16xf32>,
        %get3A_657 = vector.shape_cast %get3A_656 : vector<1x16xf32> to vector<16xf32>
        %get3A_658 = arith.index_cast %add3A_653 : i32 to index
        %get3A_659 = arith.constant 0 : index
        %get3A_660 = tpu.vector_load %arg10[%get3A_658, %get3A_659] {strides = array<i32>} : memref<64x128xf32, #tpu.memory_space<vmem>>, vector<1x16xf32>,
        %get3A_661 = vector.shape_cast %get3A_660 : vector<1x16xf32> to vector<16xf32>
        %mul3A_662 = arith.mulf %get3A_657, %get3A_661 : vector<16xf32>
        %get3A_663 = arith.index_cast %add3A_653 : i32 to index
        %get3A_664 = arith.constant 0 : index
        %get3A_665 = tpu.vector_load %arg11[%get3A_663, %get3A_664] {strides = array<i32>} : memref<64x128xf32, #tpu.memory_space<vmem>>, vector<1x16xf32>,
        %get3A_666 = vector.shape_cast %get3A_665 : vector<1x16xf32> to vector<16xf32>
        %mul3A_667 = arith.mulf %mul3A_662, %get3A_666 : vector<16xf32>
        %get3A_668 = arith.index_cast %add3A_653 : i32 to index
        %get3A_669 = arith.constant 16 : index
        %get3A_670 = tpu.vector_load %arg9[%get3A_668, %get3A_669] {strides = array<i32>} : memref<64x128xf32, #tpu.memory_space<vmem>>, vector<1x16xf32>,
        %get3A_671 = vector.shape_cast %get3A_670 : vector<1x16xf32> to vector<16xf32>
        %get3A_672 = arith.index_cast %add3A_653 : i32 to index
        %get3A_673 = arith.constant 16 : index
        %get3A_674 = tpu.vector_load %arg10[%get3A_672, %get3A_673] {strides = array<i32>} : memref<64x128xf32, #tpu.memory_space<vmem>>, vector<1x16xf32>,
        %get3A_675 = vector.shape_cast %get3A_674 : vector<1x16xf32> to vector<16xf32>
        %mul3A_676 = arith.mulf %get3A_671, %get3A_675 : vector<16xf32>
        %get3A_677 = arith.index_cast %add3A_653 : i32 to index
        %get3A_678 = arith.constant 16 : index
        %get3A_679 = tpu.vector_load %arg11[%get3A_677, %get3A_678] {strides = array<i32>} : memref<64x128xf32, #tpu.memory_space<vmem>>, vector<1x16xf32>,
        %get3A_680 = vector.shape_cast %get3A_679 : vector<1x16xf32> to vector<16xf32>
        %mul3A_681 = arith.mulf %mul3A_676, %get3A_680 : vector<16xf32>
        %get3A_682 = arith.index_cast %add3A_653 : i32 to index
        %get3A_683 = arith.constant 32 : index
        %get3A_684 = tpu.vector_load %arg9[%get3A_682, %get3A_683] {strides = array<i32>} : memref<64x128xf32, #tpu.memory_space<vmem>>, vector<1x16xf32>,
        %get3A_685 = vector.shape_cast %get3A_684 : vector<1x16xf32> to vector<16xf32>
        %get3A_686 = arith.index_cast %add3A_653 : i32 to index
        %get3A_687 = arith.constant 32 : index
        %get3A_688 = tpu.vector_load %arg10[%get3A_686, %get3A_687] {strides = array<i32>} : memref<64x128xf32, #tpu.memory_space<vmem>>, vector<1x16xf32>,
        %get3A_689 = vector.shape_cast %get3A_688 : vector<1x16xf32> to vector<16xf32>
        %mul3A_690 = arith.mulf %get3A_685, %get3A_689 : vector<16xf32>
        %get3A_691 = arith.index_cast %add3A_653 : i32 to index
        %get3A_692 = arith.constant 32 : index
        %get3A_693 = tpu.vector_load %arg11[%get3A_691, %get3A_692] {strides = array<i32>} : memref<64x128xf32, #tpu.memory_space<vmem>>, vector<1x16xf32>,
        %get3A_694 = vector.shape_cast %get3A_693 : vector<1x16xf32> to vector<16xf32>
        %mul3A_695 = arith.mulf %mul3A_690, %get3A_694 : vector<16xf32>
        %get3A_696 = arith.index_cast %add3A_653 : i32 to index
        %get3A_697 = arith.constant 48 : index
        %get3A_698 = tpu.vector_load %arg9[%get3A_696, %get3A_697] {strides = array<i32>} : memref<64x128xf32, #tpu.memory_space<vmem>>, vector<1x16xf32>,
        %get3A_699 = vector.shape_cast %get3A_698 : vector<1x16xf32> to vector<16xf32>
        %get3A_700 = arith.index_cast %add3A_653 : i32 to index
        %get3A_701 = arith.constant 48 : index
        %get3A_702 = tpu.vector_load %arg10[%get3A_700, %get3A_701] {strides = array<i32>} : memref<64x128xf32, #tpu.memory_space<vmem>>, vector<1x16xf32>,
        %get3A_703 = vector.shape_cast %get3A_702 : vector<1x16xf32> to vector<16xf32>
        %mul3A_704 = arith.mulf %get3A_699, %get3A_703 : vector<16xf32>
        %get3A_705 = arith.index_cast %add3A_653 : i32 to index
        %get3A_706 = arith.constant 48 : index
        %get3A_707 = tpu.vector_load %arg11[%get3A_705, %get3A_706] {strides = array<i32>} : memref<64x128xf32, #tpu.memory_space<vmem>>, vector<1x16xf32>,
        %get3A_708 = vector.shape_cast %get3A_707 : vector<1x16xf32> to vector<16xf32>
        %mul3A_709 = arith.mulf %mul3A_704, %get3A_708 : vector<16xf32>
        %get3A_710 = arith.index_cast %add3A_653 : i32 to index
        %get3A_711 = arith.constant 64 : index
        %get3A_712 = tpu.vector_load %arg9[%get3A_710, %get3A_711] {strides = array<i32>} : memref<64x128xf32, #tpu.memory_space<vmem>>, vector<1x16xf32>,
        %get3A_713 = vector.shape_cast %get3A_712 : vector<1x16xf32> to vector<16xf32>
        %get3A_714 = arith.index_cast %add3A_653 : i32 to index
        %get3A_715 = arith.constant 64 : index
        %get3A_716 = tpu.vector_load %arg10[%get3A_714, %get3A_715] {strides = array<i32>} : memref<64x128xf32, #tpu.memory_space<vmem>>, vector<1x16xf32>,
        %get3A_717 = vector.shape_cast %get3A_716 : vector<1x16xf32> to vector<16xf32>
        %mul3A_718 = arith.mulf %get3A_713, %get3A_717 : vector<16xf32>
        %get3A_719 = arith.index_cast %add3A_653 : i32 to index
        %get3A_720 = arith.constant 64 : index
        %get3A_721 = tpu.vector_load %arg11[%get3A_719, %get3A_720] {strides = array<i32>} : memref<64x128xf32, #tpu.memory_space<vmem>>, vector<1x16xf32>,
        %get3A_722 = vector.shape_cast %get3A_721 : vector<1x16xf32> to vector<16xf32>
        %mul3A_723 = arith.mulf %mul3A_718, %get3A_722 : vector<16xf32>
        %get3A_724 = arith.index_cast %add3A_653 : i32 to index
        %get3A_725 = arith.constant 80 : index
        %get3A_726 = tpu.vector_load %arg9[%get3A_724, %get3A_725] {strides = array<i32>} : memref<64x128xf32, #tpu.memory_space<vmem>>, vector<1x16xf32>,
        %get3A_727 = vector.shape_cast %get3A_726 : vector<1x16xf32> to vector<16xf32>
        %get3A_728 = arith.index_cast %add3A_653 : i32 to index
        %get3A_729 = arith.constant 80 : index
        %get3A_730 = tpu.vector_load %arg10[%get3A_728, %get3A_729] {strides = array<i32>} : memref<64x128xf32, #tpu.memory_space<vmem>>, vector<1x16xf32>,
        %get3A_731 = vector.shape_cast %get3A_730 : vector<1x16xf32> to vector<16xf32>
        %mul3A_732 = arith.mulf %get3A_727, %get3A_731 : vector<16xf32>
        %get3A_733 = arith.index_cast %add3A_653 : i32 to index
        %get3A_734 = arith.constant 80 : index
        %get3A_735 = tpu.vector_load %arg11[%get3A_733, %get3A_734] {strides = array<i32>} : memref<64x128xf32, #tpu.memory_space<vmem>>, vector<1x16xf32>,
        %get3A_736 = vector.shape_cast %get3A_735 : vector<1x16xf32> to vector<16xf32>
        %mul3A_737 = arith.mulf %mul3A_732, %get3A_736 : vector<16xf32>
        %get3A_738 = arith.index_cast %add3A_653 : i32 to index
        %get3A_739 = arith.constant 96 : index
        %get3A_740 = tpu.vector_load %arg9[%get3A_738, %get3A_739] {strides = array<i32>} : memref<64x128xf32, #tpu.memory_space<vmem>>, vector<1x16xf32>,
        %get3A_741 = vector.shape_cast %get3A_740 : vector<1x16xf32> to vector<16xf32>
        %get3A_742 = arith.index_cast %add3A_653 : i32 to index
        %get3A_743 = arith.constant 96 : index
        %get3A_744 = tpu.vector_load %arg10[%get3A_742, %get3A_743] {strides = array<i32>} : memref<64x128xf32, #tpu.memory_space<vmem>>, vector<1x16xf32>,
        %get3A_745 = vector.shape_cast %get3A_744 : vector<1x16xf32> to vector<16xf32>
        %mul3A_746 = arith.mulf %get3A_741, %get3A_745 : vector<16xf32>
        %get3A_747 = arith.index_cast %add3A_653 : i32 to index
        %get3A_748 = arith.constant 96 : index
        %get3A_749 = tpu.vector_load %arg11[%get3A_747, %get3A_748] {strides = array<i32>} : memref<64x128xf32, #tpu.memory_space<vmem>>, vector<1x16xf32>,
        %get3A_750 = vector.shape_cast %get3A_749 : vector<1x16xf32> to vector<16xf32>
        %mul3A_751 = arith.mulf %mul3A_746, %get3A_750 : vector<16xf32>
        %get3A_752 = arith.index_cast %add3A_653 : i32 to index
        %get3A_753 = arith.constant 112 : index
        %get3A_754 = tpu.vector_load %arg9[%get3A_752, %get3A_753] {strides = array<i32>} : memref<64x128xf32, #tpu.memory_space<vmem>>, vector<1x16xf32>,
        %get3A_755 = vector.shape_cast %get3A_754 : vector<1x16xf32> to vector<16xf32>
        %get3A_756 = arith.index_cast %add3A_653 : i32 to index
        %get3A_757 = arith.constant 112 : index
        %get3A_758 = tpu.vector_load %arg10[%get3A_756, %get3A_757] {strides = array<i32>} : memref<64x128xf32, #tpu.memory_space<vmem>>, vector<1x16xf32>,
        %get3A_759 = vector.shape_cast %get3A_758 : vector<1x16xf32> to vector<16xf32>
        %mul3A_760 = arith.mulf %get3A_755, %get3A_759 : vector<16xf32>
        %get3A_761 = arith.index_cast %add3A_653 : i32 to index
        %get3A_762 = arith.constant 112 : index
        %get3A_763 = tpu.vector_load %arg11[%get3A_761, %get3A_762] {strides = array<i32>} : memref<64x128xf32, #tpu.memory_space<vmem>>, vector<1x16xf32>,
        %get3A_764 = vector.shape_cast %get3A_763 : vector<1x16xf32> to vector<16xf32>
        %mul3A_765 = arith.mulf %mul3A_760, %get3A_764 : vector<16xf32>
        %add3A_766 = arith.addf %mul3A_667, %mul3A_681 : vector<16xf32>
        %add3A_767 = arith.addf %mul3A_695, %mul3A_709 : vector<16xf32>
        %add3A_768 = arith.addf %mul3A_723, %mul3A_737 : vector<16xf32>
        %add3A_769 = arith.addf %mul3A_751, %mul3A_765 : vector<16xf32>
        %add3A_770 = arith.addf %add3A_766, %add3A_767 : vector<16xf32>
        %add3A_771 = arith.addf %add3A_768, %add3A_769 : vector<16xf32>
        %add3A_772 = arith.addf %add3A_770, %add3A_771 : vector<16xf32>
        %mul3A_773 = arith.constant 7.812500e-03 : f32
        %mul3A_774 = vector.broadcast %mul3A_773 : f32 to vector<16xf32>
        %mul3A_775 = arith.mulf %add3A_772, %mul3A_774 : vector<16xf32>
        %mul3A_776 = arith.constant 8 : i32
        %mul3A_777 = arith.muli %add3A_220, %mul3A_776 : i32
        %add3A_778 = arith.addi %mul3A_777, %scan3A_382 : i32
        %swap3A_779 = arith.index_cast %add3A_778 : i32 to index
        %swap3A_780 = arith.constant 32 : index
        %swap3A_781 = tpu.vector_load %arg12[%swap3A_779, %swap3A_780] {strides = array<i32>} : memref<64x128xf32, #tpu.memory_space<vmem>>, vector<1x16xf32>,
        %swap3A_782 = vector.shape_cast %swap3A_781 : vector<1x16xf32> to vector<16xf32>
        %swap3A_783 = vector.shape_cast %mul3A_775 : vector<16xf32> to vector<1x16xf32>
        tpu.vector_store %arg12[%swap3A_779, %swap3A_780], %swap3A_783 {strides = array<i32>} : memref<64x128xf32, #tpu.memory_space<vmem>>, vector<1x16xf32>,
        %mul3A_784 = arith.constant 8 : i32
        %mul3A_785 = arith.muli %scan3A_382, %mul3A_784 : i32
        %add3A_786 = arith.constant 3 : i32
        %add3A_787 = arith.addi %mul3A_785, %add3A_786 : i32
        %get3A_788 = arith.index_cast %add3A_787 : i32 to index
        %get3A_789 = arith.constant 0 : index
        %get3A_790 = tpu.vector_load %arg9[%get3A_788, %get3A_789] {strides = array<i32>} : memref<64x128xf32, #tpu.memory_space<vmem>>, vector<1x16xf32>,
        %get3A_791 = vector.shape_cast %get3A_790 : vector<1x16xf32> to vector<16xf32>
        %get3A_792 = arith.index_cast %add3A_787 : i32 to index
        %get3A_793 = arith.constant 0 : index
        %get3A_794 = tpu.vector_load %arg10[%get3A_792, %get3A_793] {strides = array<i32>} : memref<64x128xf32, #tpu.memory_space<vmem>>, vector<1x16xf32>,
        %get3A_795 = vector.shape_cast %get3A_794 : vector<1x16xf32> to vector<16xf32>
        %mul3A_796 = arith.mulf %get3A_791, %get3A_795 : vector<16xf32>
        %get3A_797 = arith.index_cast %add3A_787 : i32 to index
        %get3A_798 = arith.constant 0 : index
        %get3A_799 = tpu.vector_load %arg11[%get3A_797, %get3A_798] {strides = array<i32>} : memref<64x128xf32, #tpu.memory_space<vmem>>, vector<1x16xf32>,
        %get3A_800 = vector.shape_cast %get3A_799 : vector<1x16xf32> to vector<16xf32>
        %mul3A_801 = arith.mulf %mul3A_796, %get3A_800 : vector<16xf32>
        %get3A_802 = arith.index_cast %add3A_787 : i32 to index
        %get3A_803 = arith.constant 16 : index
        %get3A_804 = tpu.vector_load %arg9[%get3A_802, %get3A_803] {strides = array<i32>} : memref<64x128xf32, #tpu.memory_space<vmem>>, vector<1x16xf32>,
        %get3A_805 = vector.shape_cast %get3A_804 : vector<1x16xf32> to vector<16xf32>
        %get3A_806 = arith.index_cast %add3A_787 : i32 to index
        %get3A_807 = arith.constant 16 : index
        %get3A_808 = tpu.vector_load %arg10[%get3A_806, %get3A_807] {strides = array<i32>} : memref<64x128xf32, #tpu.memory_space<vmem>>, vector<1x16xf32>,
        %get3A_809 = vector.shape_cast %get3A_808 : vector<1x16xf32> to vector<16xf32>
        %mul3A_810 = arith.mulf %get3A_805, %get3A_809 : vector<16xf32>
        %get3A_811 = arith.index_cast %add3A_787 : i32 to index
        %get3A_812 = arith.constant 16 : index
        %get3A_813 = tpu.vector_load %arg11[%get3A_811, %get3A_812] {strides = array<i32>} : memref<64x128xf32, #tpu.memory_space<vmem>>, vector<1x16xf32>,
        %get3A_814 = vector.shape_cast %get3A_813 : vector<1x16xf32> to vector<16xf32>
        %mul3A_815 = arith.mulf %mul3A_810, %get3A_814 : vector<16xf32>
        %get3A_816 = arith.index_cast %add3A_787 : i32 to index
        %get3A_817 = arith.constant 32 : index
        %get3A_818 = tpu.vector_load %arg9[%get3A_816, %get3A_817] {strides = array<i32>} : memref<64x128xf32, #tpu.memory_space<vmem>>, vector<1x16xf32>,
        %get3A_819 = vector.shape_cast %get3A_818 : vector<1x16xf32> to vector<16xf32>
        %get3A_820 = arith.index_cast %add3A_787 : i32 to index
        %get3A_821 = arith.constant 32 : index
        %get3A_822 = tpu.vector_load %arg10[%get3A_820, %get3A_821] {strides = array<i32>} : memref<64x128xf32, #tpu.memory_space<vmem>>, vector<1x16xf32>,
        %get3A_823 = vector.shape_cast %get3A_822 : vector<1x16xf32> to vector<16xf32>
        %mul3A_824 = arith.mulf %get3A_819, %get3A_823 : vector<16xf32>
        %get3A_825 = arith.index_cast %add3A_787 : i32 to index
        %get3A_826 = arith.constant 32 : index
        %get3A_827 = tpu.vector_load %arg11[%get3A_825, %get3A_826] {strides = array<i32>} : memref<64x128xf32, #tpu.memory_space<vmem>>, vector<1x16xf32>,
        %get3A_828 = vector.shape_cast %get3A_827 : vector<1x16xf32> to vector<16xf32>
        %mul3A_829 = arith.mulf %mul3A_824, %get3A_828 : vector<16xf32>
        %get3A_830 = arith.index_cast %add3A_787 : i32 to index
        %get3A_831 = arith.constant 48 : index
        %get3A_832 = tpu.vector_load %arg9[%get3A_830, %get3A_831] {strides = array<i32>} : memref<64x128xf32, #tpu.memory_space<vmem>>, vector<1x16xf32>,
        %get3A_833 = vector.shape_cast %get3A_832 : vector<1x16xf32> to vector<16xf32>
        %get3A_834 = arith.index_cast %add3A_787 : i32 to index
        %get3A_835 = arith.constant 48 : index
        %get3A_836 = tpu.vector_load %arg10[%get3A_834, %get3A_835] {strides = array<i32>} : memref<64x128xf32, #tpu.memory_space<vmem>>, vector<1x16xf32>,
        %get3A_837 = vector.shape_cast %get3A_836 : vector<1x16xf32> to vector<16xf32>
        %mul3A_838 = arith.mulf %get3A_833, %get3A_837 : vector<16xf32>
        %get3A_839 = arith.index_cast %add3A_787 : i32 to index
        %get3A_840 = arith.constant 48 : index
        %get3A_841 = tpu.vector_load %arg11[%get3A_839, %get3A_840] {strides = array<i32>} : memref<64x128xf32, #tpu.memory_space<vmem>>, vector<1x16xf32>,
        %get3A_842 = vector.shape_cast %get3A_841 : vector<1x16xf32> to vector<16xf32>
        %mul3A_843 = arith.mulf %mul3A_838, %get3A_842 : vector<16xf32>
        %get3A_844 = arith.index_cast %add3A_787 : i32 to index
        %get3A_845 = arith.constant 64 : index
        %get3A_846 = tpu.vector_load %arg9[%get3A_844, %get3A_845] {strides = array<i32>} : memref<64x128xf32, #tpu.memory_space<vmem>>, vector<1x16xf32>,
        %get3A_847 = vector.shape_cast %get3A_846 : vector<1x16xf32> to vector<16xf32>
        %get3A_848 = arith.index_cast %add3A_787 : i32 to index
        %get3A_849 = arith.constant 64 : index
        %get3A_850 = tpu.vector_load %arg10[%get3A_848, %get3A_849] {strides = array<i32>} : memref<64x128xf32, #tpu.memory_space<vmem>>, vector<1x16xf32>,
        %get3A_851 = vector.shape_cast %get3A_850 : vector<1x16xf32> to vector<16xf32>
        %mul3A_852 = arith.mulf %get3A_847, %get3A_851 : vector<16xf32>
        %get3A_853 = arith.index_cast %add3A_787 : i32 to index
        %get3A_854 = arith.constant 64 : index
        %get3A_855 = tpu.vector_load %arg11[%get3A_853, %get3A_854] {strides = array<i32>} : memref<64x128xf32, #tpu.memory_space<vmem>>, vector<1x16xf32>,
        %get3A_856 = vector.shape_cast %get3A_855 : vector<1x16xf32> to vector<16xf32>
        %mul3A_857 = arith.mulf %mul3A_852, %get3A_856 : vector<16xf32>
        %get3A_858 = arith.index_cast %add3A_787 : i32 to index
        %get3A_859 = arith.constant 80 : index
        %get3A_860 = tpu.vector_load %arg9[%get3A_858, %get3A_859] {strides = array<i32>} : memref<64x128xf32, #tpu.memory_space<vmem>>, vector<1x16xf32>,
        %get3A_861 = vector.shape_cast %get3A_860 : vector<1x16xf32> to vector<16xf32>
        %get3A_862 = arith.index_cast %add3A_787 : i32 to index
        %get3A_863 = arith.constant 80 : index
        %get3A_864 = tpu.vector_load %arg10[%get3A_862, %get3A_863] {strides = array<i32>} : memref<64x128xf32, #tpu.memory_space<vmem>>, vector<1x16xf32>,
        %get3A_865 = vector.shape_cast %get3A_864 : vector<1x16xf32> to vector<16xf32>
        %mul3A_866 = arith.mulf %get3A_861, %get3A_865 : vector<16xf32>
        %get3A_867 = arith.index_cast %add3A_787 : i32 to index
        %get3A_868 = arith.constant 80 : index
        %get3A_869 = tpu.vector_load %arg11[%get3A_867, %get3A_868] {strides = array<i32>} : memref<64x128xf32, #tpu.memory_space<vmem>>, vector<1x16xf32>,
        %get3A_870 = vector.shape_cast %get3A_869 : vector<1x16xf32> to vector<16xf32>
        %mul3A_871 = arith.mulf %mul3A_866, %get3A_870 : vector<16xf32>
        %get3A_872 = arith.index_cast %add3A_787 : i32 to index
        %get3A_873 = arith.constant 96 : index
        %get3A_874 = tpu.vector_load %arg9[%get3A_872, %get3A_873] {strides = array<i32>} : memref<64x128xf32, #tpu.memory_space<vmem>>, vector<1x16xf32>,
        %get3A_875 = vector.shape_cast %get3A_874 : vector<1x16xf32> to vector<16xf32>
        %get3A_876 = arith.index_cast %add3A_787 : i32 to index
        %get3A_877 = arith.constant 96 : index
        %get3A_878 = tpu.vector_load %arg10[%get3A_876, %get3A_877] {strides = array<i32>} : memref<64x128xf32, #tpu.memory_space<vmem>>, vector<1x16xf32>,
        %get3A_879 = vector.shape_cast %get3A_878 : vector<1x16xf32> to vector<16xf32>
        %mul3A_880 = arith.mulf %get3A_875, %get3A_879 : vector<16xf32>
        %get3A_881 = arith.index_cast %add3A_787 : i32 to index
        %get3A_882 = arith.constant 96 : index
        %get3A_883 = tpu.vector_load %arg11[%get3A_881, %get3A_882] {strides = array<i32>} : memref<64x128xf32, #tpu.memory_space<vmem>>, vector<1x16xf32>,
        %get3A_884 = vector.shape_cast %get3A_883 : vector<1x16xf32> to vector<16xf32>
        %mul3A_885 = arith.mulf %mul3A_880, %get3A_884 : vector<16xf32>
        %get3A_886 = arith.index_cast %add3A_787 : i32 to index
        %get3A_887 = arith.constant 112 : index
        %get3A_888 = tpu.vector_load %arg9[%get3A_886, %get3A_887] {strides = array<i32>} : memref<64x128xf32, #tpu.memory_space<vmem>>, vector<1x16xf32>,
        %get3A_889 = vector.shape_cast %get3A_888 : vector<1x16xf32> to vector<16xf32>
        %get3A_890 = arith.index_cast %add3A_787 : i32 to index
        %get3A_891 = arith.constant 112 : index
        %get3A_892 = tpu.vector_load %arg10[%get3A_890, %get3A_891] {strides = array<i32>} : memref<64x128xf32, #tpu.memory_space<vmem>>, vector<1x16xf32>,
        %get3A_893 = vector.shape_cast %get3A_892 : vector<1x16xf32> to vector<16xf32>
        %mul3A_894 = arith.mulf %get3A_889, %get3A_893 : vector<16xf32>
        %get3A_895 = arith.index_cast %add3A_787 : i32 to index
        %get3A_896 = arith.constant 112 : index
        %get3A_897 = tpu.vector_load %arg11[%get3A_895, %get3A_896] {strides = array<i32>} : memref<64x128xf32, #tpu.memory_space<vmem>>, vector<1x16xf32>,
        %get3A_898 = vector.shape_cast %get3A_897 : vector<1x16xf32> to vector<16xf32>
        %mul3A_899 = arith.mulf %mul3A_894, %get3A_898 : vector<16xf32>
        %add3A_900 = arith.addf %mul3A_801, %mul3A_815 : vector<16xf32>
        %add3A_901 = arith.addf %mul3A_829, %mul3A_843 : vector<16xf32>
        %add3A_902 = arith.addf %mul3A_857, %mul3A_871 : vector<16xf32>
        %add3A_903 = arith.addf %mul3A_885, %mul3A_899 : vector<16xf32>
        %add3A_904 = arith.addf %add3A_900, %add3A_901 : vector<16xf32>
        %add3A_905 = arith.addf %add3A_902, %add3A_903 : vector<16xf32>
        %add3A_906 = arith.addf %add3A_904, %add3A_905 : vector<16xf32>
        %mul3A_907 = arith.constant 7.812500e-03 : f32
        %mul3A_908 = vector.broadcast %mul3A_907 : f32 to vector<16xf32>
        %mul3A_909 = arith.mulf %add3A_906, %mul3A_908 : vector<16xf32>
        %mul3A_910 = arith.constant 8 : i32
        %mul3A_911 = arith.muli %add3A_220, %mul3A_910 : i32
        %add3A_912 = arith.addi %mul3A_911, %scan3A_382 : i32
        %swap3A_913 = arith.index_cast %add3A_912 : i32 to index
        %swap3A_914 = arith.constant 48 : index
        %swap3A_915 = tpu.vector_load %arg12[%swap3A_913, %swap3A_914] {strides = array<i32>} : memref<64x128xf32, #tpu.memory_space<vmem>>, vector<1x16xf32>,
        %swap3A_916 = vector.shape_cast %swap3A_915 : vector<1x16xf32> to vector<16xf32>
        %swap3A_917 = vector.shape_cast %mul3A_909 : vector<16xf32> to vector<1x16xf32>
        tpu.vector_store %arg12[%swap3A_913, %swap3A_914], %swap3A_917 {strides = array<i32>} : memref<64x128xf32, #tpu.memory_space<vmem>>, vector<1x16xf32>,
        %mul3A_918 = arith.constant 8 : i32
        %mul3A_919 = arith.muli %scan3A_382, %mul3A_918 : i32
        %add3A_920 = arith.constant 4 : i32
        %add3A_921 = arith.addi %mul3A_919, %add3A_920 : i32
        %get3A_922 = arith.index_cast %add3A_921 : i32 to index
        %get3A_923 = arith.constant 0 : index
        %get3A_924 = tpu.vector_load %arg9[%get3A_922, %get3A_923] {strides = array<i32>} : memref<64x128xf32, #tpu.memory_space<vmem>>, vector<1x16xf32>,
        %get3A_925 = vector.shape_cast %get3A_924 : vector<1x16xf32> to vector<16xf32>
        %get3A_926 = arith.index_cast %add3A_921 : i32 to index
        %get3A_927 = arith.constant 0 : index
        %get3A_928 = tpu.vector_load %arg10[%get3A_926, %get3A_927] {strides = array<i32>} : memref<64x128xf32, #tpu.memory_space<vmem>>, vector<1x16xf32>,
        %get3A_929 = vector.shape_cast %get3A_928 : vector<1x16xf32> to vector<16xf32>
        %mul3A_930 = arith.mulf %get3A_925, %get3A_929 : vector<16xf32>
        %get3A_931 = arith.index_cast %add3A_921 : i32 to index
        %get3A_932 = arith.constant 0 : index
        %get3A_933 = tpu.vector_load %arg11[%get3A_931, %get3A_932] {strides = array<i32>} : memref<64x128xf32, #tpu.memory_space<vmem>>, vector<1x16xf32>,
        %get3A_934 = vector.shape_cast %get3A_933 : vector<1x16xf32> to vector<16xf32>
        %mul3A_935 = arith.mulf %mul3A_930, %get3A_934 : vector<16xf32>
        %get3A_936 = arith.index_cast %add3A_921 : i32 to index
        %get3A_937 = arith.constant 16 : index
        %get3A_938 = tpu.vector_load %arg9[%get3A_936, %get3A_937] {strides = array<i32>} : memref<64x128xf32, #tpu.memory_space<vmem>>, vector<1x16xf32>,
        %get3A_939 = vector.shape_cast %get3A_938 : vector<1x16xf32> to vector<16xf32>
        %get3A_940 = arith.index_cast %add3A_921 : i32 to index
        %get3A_941 = arith.constant 16 : index
        %get3A_942 = tpu.vector_load %arg10[%get3A_940, %get3A_941] {strides = array<i32>} : memref<64x128xf32, #tpu.memory_space<vmem>>, vector<1x16xf32>,
        %get3A_943 = vector.shape_cast %get3A_942 : vector<1x16xf32> to vector<16xf32>
        %mul3A_944 = arith.mulf %get3A_939, %get3A_943 : vector<16xf32>
        %get3A_945 = arith.index_cast %add3A_921 : i32 to index
        %get3A_946 = arith.constant 16 : index
        %get3A_947 = tpu.vector_load %arg11[%get3A_945, %get3A_946] {strides = array<i32>} : memref<64x128xf32, #tpu.memory_space<vmem>>, vector<1x16xf32>,
        %get3A_948 = vector.shape_cast %get3A_947 : vector<1x16xf32> to vector<16xf32>
        %mul3A_949 = arith.mulf %mul3A_944, %get3A_948 : vector<16xf32>
        %get3A_950 = arith.index_cast %add3A_921 : i32 to index
        %get3A_951 = arith.constant 32 : index
        %get3A_952 = tpu.vector_load %arg9[%get3A_950, %get3A_951] {strides = array<i32>} : memref<64x128xf32, #tpu.memory_space<vmem>>, vector<1x16xf32>,
        %get3A_953 = vector.shape_cast %get3A_952 : vector<1x16xf32> to vector<16xf32>
        %get3A_954 = arith.index_cast %add3A_921 : i32 to index
        %get3A_955 = arith.constant 32 : index
        %get3A_956 = tpu.vector_load %arg10[%get3A_954, %get3A_955] {strides = array<i32>} : memref<64x128xf32, #tpu.memory_space<vmem>>, vector<1x16xf32>,
        %get3A_957 = vector.shape_cast %get3A_956 : vector<1x16xf32> to vector<16xf32>
        %mul3A_958 = arith.mulf %get3A_953, %get3A_957 : vector<16xf32>
        %get3A_959 = arith.index_cast %add3A_921 : i32 to index
        %get3A_960 = arith.constant 32 : index
        %get3A_961 = tpu.vector_load %arg11[%get3A_959, %get3A_960] {strides = array<i32>} : memref<64x128xf32, #tpu.memory_space<vmem>>, vector<1x16xf32>,
        %get3A_962 = vector.shape_cast %get3A_961 : vector<1x16xf32> to vector<16xf32>
        %mul3A_963 = arith.mulf %mul3A_958, %get3A_962 : vector<16xf32>
        %get3A_964 = arith.index_cast %add3A_921 : i32 to index
        %get3A_965 = arith.constant 48 : index
        %get3A_966 = tpu.vector_load %arg9[%get3A_964, %get3A_965] {strides = array<i32>} : memref<64x128xf32, #tpu.memory_space<vmem>>, vector<1x16xf32>,
        %get3A_967 = vector.shape_cast %get3A_966 : vector<1x16xf32> to vector<16xf32>
        %get3A_968 = arith.index_cast %add3A_921 : i32 to index
        %get3A_969 = arith.constant 48 : index
        %get3A_970 = tpu.vector_load %arg10[%get3A_968, %get3A_969] {strides = array<i32>} : memref<64x128xf32, #tpu.memory_space<vmem>>, vector<1x16xf32>,
        %get3A_971 = vector.shape_cast %get3A_970 : vector<1x16xf32> to vector<16xf32>
        %mul3A_972 = arith.mulf %get3A_967, %get3A_971 : vector<16xf32>
        %get3A_973 = arith.index_cast %add3A_921 : i32 to index
        %get3A_974 = arith.constant 48 : index
        %get3A_975 = tpu.vector_load %arg11[%get3A_973, %get3A_974] {strides = array<i32>} : memref<64x128xf32, #tpu.memory_space<vmem>>, vector<1x16xf32>,
        %get3A_976 = vector.shape_cast %get3A_975 : vector<1x16xf32> to vector<16xf32>
        %mul3A_977 = arith.mulf %mul3A_972, %get3A_976 : vector<16xf32>
        %get3A_978 = arith.index_cast %add3A_921 : i32 to index
        %get3A_979 = arith.constant 64 : index
        %get3A_980 = tpu.vector_load %arg9[%get3A_978, %get3A_979] {strides = array<i32>} : memref<64x128xf32, #tpu.memory_space<vmem>>, vector<1x16xf32>,
        %get3A_981 = vector.shape_cast %get3A_980 : vector<1x16xf32> to vector<16xf32>
        %get3A_982 = arith.index_cast %add3A_921 : i32 to index
        %get3A_983 = arith.constant 64 : index
        %get3A_984 = tpu.vector_load %arg10[%get3A_982, %get3A_983] {strides = array<i32>} : memref<64x128xf32, #tpu.memory_space<vmem>>, vector<1x16xf32>,
        %get3A_985 = vector.shape_cast %get3A_984 : vector<1x16xf32> to vector<16xf32>
        %mul3A_986 = arith.mulf %get3A_981, %get3A_985 : vector<16xf32>
        %get3A_987 = arith.index_cast %add3A_921 : i32 to index
        %get3A_988 = arith.constant 64 : index
        %get3A_989 = tpu.vector_load %arg11[%get3A_987, %get3A_988] {strides = array<i32>} : memref<64x128xf32, #tpu.memory_space<vmem>>, vector<1x16xf32>,
        %get3A_990 = vector.shape_cast %get3A_989 : vector<1x16xf32> to vector<16xf32>
        %mul3A_991 = arith.mulf %mul3A_986, %get3A_990 : vector<16xf32>
        %get3A_992 = arith.index_cast %add3A_921 : i32 to index
        %get3A_993 = arith.constant 80 : index
        %get3A_994 = tpu.vector_load %arg9[%get3A_992, %get3A_993] {strides = array<i32>} : memref<64x128xf32, #tpu.memory_space<vmem>>, vector<1x16xf32>,
        %get3A_995 = vector.shape_cast %get3A_994 : vector<1x16xf32> to vector<16xf32>
        %get3A_996 = arith.index_cast %add3A_921 : i32 to index
        %get3A_997 = arith.constant 80 : index
        %get3A_998 = tpu.vector_load %arg10[%get3A_996, %get3A_997] {strides = array<i32>} : memref<64x128xf32, #tpu.memory_space<vmem>>, vector<1x16xf32>,
        %get3A_999 = vector.shape_cast %get3A_998 : vector<1x16xf32> to vector<16xf32>
        %mul3A_1000 = arith.mulf %get3A_995, %get3A_999 : vector<16xf32>
        %get3A_1001 = arith.index_cast %add3A_921 : i32 to index
        %get3A_1002 = arith.constant 80 : index
        %get3A_1003 = tpu.vector_load %arg11[%get3A_1001, %get3A_1002] {strides = array<i32>} : memref<64x128xf32, #tpu.memory_space<vmem>>, vector<1x16xf32>,
        %get3A_1004 = vector.shape_cast %get3A_1003 : vector<1x16xf32> to vector<16xf32>
        %mul3A_1005 = arith.mulf %mul3A_1000, %get3A_1004 : vector<16xf32>
        %get3A_1006 = arith.index_cast %add3A_921 : i32 to index
        %get3A_1007 = arith.constant 96 : index
        %get3A_1008 = tpu.vector_load %arg9[%get3A_1006, %get3A_1007] {strides = array<i32>} : memref<64x128xf32, #tpu.memory_space<vmem>>, vector<1x16xf32>,
        %get3A_1009 = vector.shape_cast %get3A_1008 : vector<1x16xf32> to vector<16xf32>
        %get3A_1010 = arith.index_cast %add3A_921 : i32 to index
        %get3A_1011 = arith.constant 96 : index
        %get3A_1012 = tpu.vector_load %arg10[%get3A_1010, %get3A_1011] {strides = array<i32>} : memref<64x128xf32, #tpu.memory_space<vmem>>, vector<1x16xf32>,
        %get3A_1013 = vector.shape_cast %get3A_1012 : vector<1x16xf32> to vector<16xf32>
        %mul3A_1014 = arith.mulf %get3A_1009, %get3A_1013 : vector<16xf32>
        %get3A_1015 = arith.index_cast %add3A_921 : i32 to index
        %get3A_1016 = arith.constant 96 : index
        %get3A_1017 = tpu.vector_load %arg11[%get3A_1015, %get3A_1016] {strides = array<i32>} : memref<64x128xf32, #tpu.memory_space<vmem>>, vector<1x16xf32>,
        %get3A_1018 = vector.shape_cast %get3A_1017 : vector<1x16xf32> to vector<16xf32>
        %mul3A_1019 = arith.mulf %mul3A_1014, %get3A_1018 : vector<16xf32>
        %get3A_1020 = arith.index_cast %add3A_921 : i32 to index
        %get3A_1021 = arith.constant 112 : index
        %get3A_1022 = tpu.vector_load %arg9[%get3A_1020, %get3A_1021] {strides = array<i32>} : memref<64x128xf32, #tpu.memory_space<vmem>>, vector<1x16xf32>,
        %get3A_1023 = vector.shape_cast %get3A_1022 : vector<1x16xf32> to vector<16xf32>
        %get3A_1024 = arith.index_cast %add3A_921 : i32 to index
        %get3A_1025 = arith.constant 112 : index
        %get3A_1026 = tpu.vector_load %arg10[%get3A_1024, %get3A_1025] {strides = array<i32>} : memref<64x128xf32, #tpu.memory_space<vmem>>, vector<1x16xf32>,
        %get3A_1027 = vector.shape_cast %get3A_1026 : vector<1x16xf32> to vector<16xf32>
        %mul3A_1028 = arith.mulf %get3A_1023, %get3A_1027 : vector<16xf32>
        %get3A_1029 = arith.index_cast %add3A_921 : i32 to index
        %get3A_1030 = arith.constant 112 : index
        %get3A_1031 = tpu.vector_load %arg11[%get3A_1029, %get3A_1030] {strides = array<i32>} : memref<64x128xf32, #tpu.memory_space<vmem>>, vector<1x16xf32>,
        %get3A_1032 = vector.shape_cast %get3A_1031 : vector<1x16xf32> to vector<16xf32>
        %mul3A_1033 = arith.mulf %mul3A_1028, %get3A_1032 : vector<16xf32>
        %add3A_1034 = arith.addf %mul3A_935, %mul3A_949 : vector<16xf32>
        %add3A_1035 = arith.addf %mul3A_963, %mul3A_977 : vector<16xf32>
        %add3A_1036 = arith.addf %mul3A_991, %mul3A_1005 : vector<16xf32>
        %add3A_1037 = arith.addf %mul3A_1019, %mul3A_1033 : vector<16xf32>
        %add3A_1038 = arith.addf %add3A_1034, %add3A_1035 : vector<16xf32>
        %add3A_1039 = arith.addf %add3A_1036, %add3A_1037 : vector<16xf32>
        %add3A_1040 = arith.addf %add3A_1038, %add3A_1039 : vector<16xf32>
        %mul3A_1041 = arith.constant 7.812500e-03 : f32
        %mul3A_1042 = vector.broadcast %mul3A_1041 : f32 to vector<16xf32>
        %mul3A_1043 = arith.mulf %add3A_1040, %mul3A_1042 : vector<16xf32>
        %mul3A_1044 = arith.constant 8 : i32
        %mul3A_1045 = arith.muli %add3A_220, %mul3A_1044 : i32
        %add3A_1046 = arith.addi %mul3A_1045, %scan3A_382 : i32
        %swap3A_1047 = arith.index_cast %add3A_1046 : i32 to index
        %swap3A_1048 = arith.constant 64 : index
        %swap3A_1049 = tpu.vector_load %arg12[%swap3A_1047, %swap3A_1048] {strides = array<i32>} : memref<64x128xf32, #tpu.memory_space<vmem>>, vector<1x16xf32>,
        %swap3A_1050 = vector.shape_cast %swap3A_1049 : vector<1x16xf32> to vector<16xf32>
        %swap3A_1051 = vector.shape_cast %mul3A_1043 : vector<16xf32> to vector<1x16xf32>
        tpu.vector_store %arg12[%swap3A_1047, %swap3A_1048], %swap3A_1051 {strides = array<i32>} : memref<64x128xf32, #tpu.memory_space<vmem>>, vector<1x16xf32>,
        %mul3A_1052 = arith.constant 8 : i32
        %mul3A_1053 = arith.muli %scan3A_382, %mul3A_1052 : i32
        %add3A_1054 = arith.constant 5 : i32
        %add3A_1055 = arith.addi %mul3A_1053, %add3A_1054 : i32
        %get3A_1056 = arith.index_cast %add3A_1055 : i32 to index
        %get3A_1057 = arith.constant 0 : index
        %get3A_1058 = tpu.vector_load %arg9[%get3A_1056, %get3A_1057] {strides = array<i32>} : memref<64x128xf32, #tpu.memory_space<vmem>>, vector<1x16xf32>,
        %get3A_1059 = vector.shape_cast %get3A_1058 : vector<1x16xf32> to vector<16xf32>
        %get3A_1060 = arith.index_cast %add3A_1055 : i32 to index
        %get3A_1061 = arith.constant 0 : index
        %get3A_1062 = tpu.vector_load %arg10[%get3A_1060, %get3A_1061] {strides = array<i32>} : memref<64x128xf32, #tpu.memory_space<vmem>>, vector<1x16xf32>,
        %get3A_1063 = vector.shape_cast %get3A_1062 : vector<1x16xf32> to vector<16xf32>
        %mul3A_1064 = arith.mulf %get3A_1059, %get3A_1063 : vector<16xf32>
        %get3A_1065 = arith.index_cast %add3A_1055 : i32 to index
        %get3A_1066 = arith.constant 0 : index
        %get3A_1067 = tpu.vector_load %arg11[%get3A_1065, %get3A_1066] {strides = array<i32>} : memref<64x128xf32, #tpu.memory_space<vmem>>, vector<1x16xf32>,
        %get3A_1068 = vector.shape_cast %get3A_1067 : vector<1x16xf32> to vector<16xf32>
        %mul3A_1069 = arith.mulf %mul3A_1064, %get3A_1068 : vector<16xf32>
        %get3A_1070 = arith.index_cast %add3A_1055 : i32 to index
        %get3A_1071 = arith.constant 16 : index
        %get3A_1072 = tpu.vector_load %arg9[%get3A_1070, %get3A_1071] {strides = array<i32>} : memref<64x128xf32, #tpu.memory_space<vmem>>, vector<1x16xf32>,
        %get3A_1073 = vector.shape_cast %get3A_1072 : vector<1x16xf32> to vector<16xf32>
        %get3A_1074 = arith.index_cast %add3A_1055 : i32 to index
        %get3A_1075 = arith.constant 16 : index
        %get3A_1076 = tpu.vector_load %arg10[%get3A_1074, %get3A_1075] {strides = array<i32>} : memref<64x128xf32, #tpu.memory_space<vmem>>, vector<1x16xf32>,
        %get3A_1077 = vector.shape_cast %get3A_1076 : vector<1x16xf32> to vector<16xf32>
        %mul3A_1078 = arith.mulf %get3A_1073, %get3A_1077 : vector<16xf32>
        %get3A_1079 = arith.index_cast %add3A_1055 : i32 to index
        %get3A_1080 = arith.constant 16 : index
        %get3A_1081 = tpu.vector_load %arg11[%get3A_1079, %get3A_1080] {strides = array<i32>} : memref<64x128xf32, #tpu.memory_space<vmem>>, vector<1x16xf32>,
        %get3A_1082 = vector.shape_cast %get3A_1081 : vector<1x16xf32> to vector<16xf32>
        %mul3A_1083 = arith.mulf %mul3A_1078, %get3A_1082 : vector<16xf32>
        %get3A_1084 = arith.index_cast %add3A_1055 : i32 to index
        %get3A_1085 = arith.constant 32 : index
        %get3A_1086 = tpu.vector_load %arg9[%get3A_1084, %get3A_1085] {strides = array<i32>} : memref<64x128xf32, #tpu.memory_space<vmem>>, vector<1x16xf32>,
        %get3A_1087 = vector.shape_cast %get3A_1086 : vector<1x16xf32> to vector<16xf32>
        %get3A_1088 = arith.index_cast %add3A_1055 : i32 to index
        %get3A_1089 = arith.constant 32 : index
        %get3A_1090 = tpu.vector_load %arg10[%get3A_1088, %get3A_1089] {strides = array<i32>} : memref<64x128xf32, #tpu.memory_space<vmem>>, vector<1x16xf32>,
        %get3A_1091 = vector.shape_cast %get3A_1090 : vector<1x16xf32> to vector<16xf32>
        %mul3A_1092 = arith.mulf %get3A_1087, %get3A_1091 : vector<16xf32>
        %get3A_1093 = arith.index_cast %add3A_1055 : i32 to index
        %get3A_1094 = arith.constant 32 : index
        %get3A_1095 = tpu.vector_load %arg11[%get3A_1093, %get3A_1094] {strides = array<i32>} : memref<64x128xf32, #tpu.memory_space<vmem>>, vector<1x16xf32>,
        %get3A_1096 = vector.shape_cast %get3A_1095 : vector<1x16xf32> to vector<16xf32>
        %mul3A_1097 = arith.mulf %mul3A_1092, %get3A_1096 : vector<16xf32>
        %get3A_1098 = arith.index_cast %add3A_1055 : i32 to index
        %get3A_1099 = arith.constant 48 : index
        %get3A_1100 = tpu.vector_load %arg9[%get3A_1098, %get3A_1099] {strides = array<i32>} : memref<64x128xf32, #tpu.memory_space<vmem>>, vector<1x16xf32>,
        %get3A_1101 = vector.shape_cast %get3A_1100 : vector<1x16xf32> to vector<16xf32>
        %get3A_1102 = arith.index_cast %add3A_1055 : i32 to index
        %get3A_1103 = arith.constant 48 : index
        %get3A_1104 = tpu.vector_load %arg10[%get3A_1102, %get3A_1103] {strides = array<i32>} : memref<64x128xf32, #tpu.memory_space<vmem>>, vector<1x16xf32>,
        %get3A_1105 = vector.shape_cast %get3A_1104 : vector<1x16xf32> to vector<16xf32>
        %mul3A_1106 = arith.mulf %get3A_1101, %get3A_1105 : vector<16xf32>
        %get3A_1107 = arith.index_cast %add3A_1055 : i32 to index
        %get3A_1108 = arith.constant 48 : index
        %get3A_1109 = tpu.vector_load %arg11[%get3A_1107, %get3A_1108] {strides = array<i32>} : memref<64x128xf32, #tpu.memory_space<vmem>>, vector<1x16xf32>,
        %get3A_1110 = vector.shape_cast %get3A_1109 : vector<1x16xf32> to vector<16xf32>
        %mul3A_1111 = arith.mulf %mul3A_1106, %get3A_1110 : vector<16xf32>
        %get3A_1112 = arith.index_cast %add3A_1055 : i32 to index
        %get3A_1113 = arith.constant 64 : index
        %get3A_1114 = tpu.vector_load %arg9[%get3A_1112, %get3A_1113] {strides = array<i32>} : memref<64x128xf32, #tpu.memory_space<vmem>>, vector<1x16xf32>,
        %get3A_1115 = vector.shape_cast %get3A_1114 : vector<1x16xf32> to vector<16xf32>
        %get3A_1116 = arith.index_cast %add3A_1055 : i32 to index
        %get3A_1117 = arith.constant 64 : index
        %get3A_1118 = tpu.vector_load %arg10[%get3A_1116, %get3A_1117] {strides = array<i32>} : memref<64x128xf32, #tpu.memory_space<vmem>>, vector<1x16xf32>,
        %get3A_1119 = vector.shape_cast %get3A_1118 : vector<1x16xf32> to vector<16xf32>
        %mul3A_1120 = arith.mulf %get3A_1115, %get3A_1119 : vector<16xf32>
        %get3A_1121 = arith.index_cast %add3A_1055 : i32 to index
        %get3A_1122 = arith.constant 64 : index
        %get3A_1123 = tpu.vector_load %arg11[%get3A_1121, %get3A_1122] {strides = array<i32>} : memref<64x128xf32, #tpu.memory_space<vmem>>, vector<1x16xf32>,
        %get3A_1124 = vector.shape_cast %get3A_1123 : vector<1x16xf32> to vector<16xf32>
        %mul3A_1125 = arith.mulf %mul3A_1120, %get3A_1124 : vector<16xf32>
        %get3A_1126 = arith.index_cast %add3A_1055 : i32 to index
        %get3A_1127 = arith.constant 80 : index
        %get3A_1128 = tpu.vector_load %arg9[%get3A_1126, %get3A_1127] {strides = array<i32>} : memref<64x128xf32, #tpu.memory_space<vmem>>, vector<1x16xf32>,
        %get3A_1129 = vector.shape_cast %get3A_1128 : vector<1x16xf32> to vector<16xf32>
        %get3A_1130 = arith.index_cast %add3A_1055 : i32 to index
        %get3A_1131 = arith.constant 80 : index
        %get3A_1132 = tpu.vector_load %arg10[%get3A_1130, %get3A_1131] {strides = array<i32>} : memref<64x128xf32, #tpu.memory_space<vmem>>, vector<1x16xf32>,
        %get3A_1133 = vector.shape_cast %get3A_1132 : vector<1x16xf32> to vector<16xf32>
        %mul3A_1134 = arith.mulf %get3A_1129, %get3A_1133 : vector<16xf32>
        %get3A_1135 = arith.index_cast %add3A_1055 : i32 to index
        %get3A_1136 = arith.constant 80 : index
        %get3A_1137 = tpu.vector_load %arg11[%get3A_1135, %get3A_1136] {strides = array<i32>} : memref<64x128xf32, #tpu.memory_space<vmem>>, vector<1x16xf32>,
        %get3A_1138 = vector.shape_cast %get3A_1137 : vector<1x16xf32> to vector<16xf32>
        %mul3A_1139 = arith.mulf %mul3A_1134, %get3A_1138 : vector<16xf32>
        %get3A_1140 = arith.index_cast %add3A_1055 : i32 to index
        %get3A_1141 = arith.constant 96 : index
        %get3A_1142 = tpu.vector_load %arg9[%get3A_1140, %get3A_1141] {strides = array<i32>} : memref<64x128xf32, #tpu.memory_space<vmem>>, vector<1x16xf32>,
        %get3A_1143 = vector.shape_cast %get3A_1142 : vector<1x16xf32> to vector<16xf32>
        %get3A_1144 = arith.index_cast %add3A_1055 : i32 to index
        %get3A_1145 = arith.constant 96 : index
        %get3A_1146 = tpu.vector_load %arg10[%get3A_1144, %get3A_1145] {strides = array<i32>} : memref<64x128xf32, #tpu.memory_space<vmem>>, vector<1x16xf32>,
        %get3A_1147 = vector.shape_cast %get3A_1146 : vector<1x16xf32> to vector<16xf32>
        %mul3A_1148 = arith.mulf %get3A_1143, %get3A_1147 : vector<16xf32>
        %get3A_1149 = arith.index_cast %add3A_1055 : i32 to index
        %get3A_1150 = arith.constant 96 : index
        %get3A_1151 = tpu.vector_load %arg11[%get3A_1149, %get3A_1150] {strides = array<i32>} : memref<64x128xf32, #tpu.memory_space<vmem>>, vector<1x16xf32>,
        %get3A_1152 = vector.shape_cast %get3A_1151 : vector<1x16xf32> to vector<16xf32>
        %mul3A_1153 = arith.mulf %mul3A_1148, %get3A_1152 : vector<16xf32>
        %get3A_1154 = arith.index_cast %add3A_1055 : i32 to index
        %get3A_1155 = arith.constant 112 : index
        %get3A_1156 = tpu.vector_load %arg9[%get3A_1154, %get3A_1155] {strides = array<i32>} : memref<64x128xf32, #tpu.memory_space<vmem>>, vector<1x16xf32>,
        %get3A_1157 = vector.shape_cast %get3A_1156 : vector<1x16xf32> to vector<16xf32>
        %get3A_1158 = arith.index_cast %add3A_1055 : i32 to index
        %get3A_1159 = arith.constant 112 : index
        %get3A_1160 = tpu.vector_load %arg10[%get3A_1158, %get3A_1159] {strides = array<i32>} : memref<64x128xf32, #tpu.memory_space<vmem>>, vector<1x16xf32>,
        %get3A_1161 = vector.shape_cast %get3A_1160 : vector<1x16xf32> to vector<16xf32>
        %mul3A_1162 = arith.mulf %get3A_1157, %get3A_1161 : vector<16xf32>
        %get3A_1163 = arith.index_cast %add3A_1055 : i32 to index
        %get3A_1164 = arith.constant 112 : index
        %get3A_1165 = tpu.vector_load %arg11[%get3A_1163, %get3A_1164] {strides = array<i32>} : memref<64x128xf32, #tpu.memory_space<vmem>>, vector<1x16xf32>,
        %get3A_1166 = vector.shape_cast %get3A_1165 : vector<1x16xf32> to vector<16xf32>
        %mul3A_1167 = arith.mulf %mul3A_1162, %get3A_1166 : vector<16xf32>
        %add3A_1168 = arith.addf %mul3A_1069, %mul3A_1083 : vector<16xf32>
        %add3A_1169 = arith.addf %mul3A_1097, %mul3A_1111 : vector<16xf32>
        %add3A_1170 = arith.addf %mul3A_1125, %mul3A_1139 : vector<16xf32>
        %add3A_1171 = arith.addf %mul3A_1153, %mul3A_1167 : vector<16xf32>
        %add3A_1172 = arith.addf %add3A_1168, %add3A_1169 : vector<16xf32>
        %add3A_1173 = arith.addf %add3A_1170, %add3A_1171 : vector<16xf32>
        %add3A_1174 = arith.addf %add3A_1172, %add3A_1173 : vector<16xf32>
        %mul3A_1175 = arith.constant 7.812500e-03 : f32
        %mul3A_1176 = vector.broadcast %mul3A_1175 : f32 to vector<16xf32>
        %mul3A_1177 = arith.mulf %add3A_1174, %mul3A_1176 : vector<16xf32>
        %mul3A_1178 = arith.constant 8 : i32
        %mul3A_1179 = arith.muli %add3A_220, %mul3A_1178 : i32
        %add3A_1180 = arith.addi %mul3A_1179, %scan3A_382 : i32
        %swap3A_1181 = arith.index_cast %add3A_1180 : i32 to index
        %swap3A_1182 = arith.constant 80 : index
        %swap3A_1183 = tpu.vector_load %arg12[%swap3A_1181, %swap3A_1182] {strides = array<i32>} : memref<64x128xf32, #tpu.memory_space<vmem>>, vector<1x16xf32>,
        %swap3A_1184 = vector.shape_cast %swap3A_1183 : vector<1x16xf32> to vector<16xf32>
        %swap3A_1185 = vector.shape_cast %mul3A_1177 : vector<16xf32> to vector<1x16xf32>
        tpu.vector_store %arg12[%swap3A_1181, %swap3A_1182], %swap3A_1185 {strides = array<i32>} : memref<64x128xf32, #tpu.memory_space<vmem>>, vector<1x16xf32>,
        %mul3A_1186 = arith.constant 8 : i32
        %mul3A_1187 = arith.muli %scan3A_382, %mul3A_1186 : i32
        %add3A_1188 = arith.constant 6 : i32
        %add3A_1189 = arith.addi %mul3A_1187, %add3A_1188 : i32
        %get3A_1190 = arith.index_cast %add3A_1189 : i32 to index
        %get3A_1191 = arith.constant 0 : index
        %get3A_1192 = tpu.vector_load %arg9[%get3A_1190, %get3A_1191] {strides = array<i32>} : memref<64x128xf32, #tpu.memory_space<vmem>>, vector<1x16xf32>,
        %get3A_1193 = vector.shape_cast %get3A_1192 : vector<1x16xf32> to vector<16xf32>
        %get3A_1194 = arith.index_cast %add3A_1189 : i32 to index
        %get3A_1195 = arith.constant 0 : index
        %get3A_1196 = tpu.vector_load %arg10[%get3A_1194, %get3A_1195] {strides = array<i32>} : memref<64x128xf32, #tpu.memory_space<vmem>>, vector<1x16xf32>,
        %get3A_1197 = vector.shape_cast %get3A_1196 : vector<1x16xf32> to vector<16xf32>
        %mul3A_1198 = arith.mulf %get3A_1193, %get3A_1197 : vector<16xf32>
        %get3A_1199 = arith.index_cast %add3A_1189 : i32 to index
        %get3A_1200 = arith.constant 0 : index
        %get3A_1201 = tpu.vector_load %arg11[%get3A_1199, %get3A_1200] {strides = array<i32>} : memref<64x128xf32, #tpu.memory_space<vmem>>, vector<1x16xf32>,
        %get3A_1202 = vector.shape_cast %get3A_1201 : vector<1x16xf32> to vector<16xf32>
        %mul3A_1203 = arith.mulf %mul3A_1198, %get3A_1202 : vector<16xf32>
        %get3A_1204 = arith.index_cast %add3A_1189 : i32 to index
        %get3A_1205 = arith.constant 16 : index
        %get3A_1206 = tpu.vector_load %arg9[%get3A_1204, %get3A_1205] {strides = array<i32>} : memref<64x128xf32, #tpu.memory_space<vmem>>, vector<1x16xf32>,
        %get3A_1207 = vector.shape_cast %get3A_1206 : vector<1x16xf32> to vector<16xf32>
        %get3A_1208 = arith.index_cast %add3A_1189 : i32 to index
        %get3A_1209 = arith.constant 16 : index
        %get3A_1210 = tpu.vector_load %arg10[%get3A_1208, %get3A_1209] {strides = array<i32>} : memref<64x128xf32, #tpu.memory_space<vmem>>, vector<1x16xf32>,
        %get3A_1211 = vector.shape_cast %get3A_1210 : vector<1x16xf32> to vector<16xf32>
        %mul3A_1212 = arith.mulf %get3A_1207, %get3A_1211 : vector<16xf32>
        %get3A_1213 = arith.index_cast %add3A_1189 : i32 to index
        %get3A_1214 = arith.constant 16 : index
        %get3A_1215 = tpu.vector_load %arg11[%get3A_1213, %get3A_1214] {strides = array<i32>} : memref<64x128xf32, #tpu.memory_space<vmem>>, vector<1x16xf32>,
        %get3A_1216 = vector.shape_cast %get3A_1215 : vector<1x16xf32> to vector<16xf32>
        %mul3A_1217 = arith.mulf %mul3A_1212, %get3A_1216 : vector<16xf32>
        %get3A_1218 = arith.index_cast %add3A_1189 : i32 to index
        %get3A_1219 = arith.constant 32 : index
        %get3A_1220 = tpu.vector_load %arg9[%get3A_1218, %get3A_1219] {strides = array<i32>} : memref<64x128xf32, #tpu.memory_space<vmem>>, vector<1x16xf32>,
        %get3A_1221 = vector.shape_cast %get3A_1220 : vector<1x16xf32> to vector<16xf32>
        %get3A_1222 = arith.index_cast %add3A_1189 : i32 to index
        %get3A_1223 = arith.constant 32 : index
        %get3A_1224 = tpu.vector_load %arg10[%get3A_1222, %get3A_1223] {strides = array<i32>} : memref<64x128xf32, #tpu.memory_space<vmem>>, vector<1x16xf32>,
        %get3A_1225 = vector.shape_cast %get3A_1224 : vector<1x16xf32> to vector<16xf32>
        %mul3A_1226 = arith.mulf %get3A_1221, %get3A_1225 : vector<16xf32>
        %get3A_1227 = arith.index_cast %add3A_1189 : i32 to index
        %get3A_1228 = arith.constant 32 : index
        %get3A_1229 = tpu.vector_load %arg11[%get3A_1227, %get3A_1228] {strides = array<i32>} : memref<64x128xf32, #tpu.memory_space<vmem>>, vector<1x16xf32>,
        %get3A_1230 = vector.shape_cast %get3A_1229 : vector<1x16xf32> to vector<16xf32>
        %mul3A_1231 = arith.mulf %mul3A_1226, %get3A_1230 : vector<16xf32>
        %get3A_1232 = arith.index_cast %add3A_1189 : i32 to index
        %get3A_1233 = arith.constant 48 : index
        %get3A_1234 = tpu.vector_load %arg9[%get3A_1232, %get3A_1233] {strides = array<i32>} : memref<64x128xf32, #tpu.memory_space<vmem>>, vector<1x16xf32>,
        %get3A_1235 = vector.shape_cast %get3A_1234 : vector<1x16xf32> to vector<16xf32>
        %get3A_1236 = arith.index_cast %add3A_1189 : i32 to index
        %get3A_1237 = arith.constant 48 : index
        %get3A_1238 = tpu.vector_load %arg10[%get3A_1236, %get3A_1237] {strides = array<i32>} : memref<64x128xf32, #tpu.memory_space<vmem>>, vector<1x16xf32>,
        %get3A_1239 = vector.shape_cast %get3A_1238 : vector<1x16xf32> to vector<16xf32>
        %mul3A_1240 = arith.mulf %get3A_1235, %get3A_1239 : vector<16xf32>
        %get3A_1241 = arith.index_cast %add3A_1189 : i32 to index
        %get3A_1242 = arith.constant 48 : index
        %get3A_1243 = tpu.vector_load %arg11[%get3A_1241, %get3A_1242] {strides = array<i32>} : memref<64x128xf32, #tpu.memory_space<vmem>>, vector<1x16xf32>,
        %get3A_1244 = vector.shape_cast %get3A_1243 : vector<1x16xf32> to vector<16xf32>
        %mul3A_1245 = arith.mulf %mul3A_1240, %get3A_1244 : vector<16xf32>
        %get3A_1246 = arith.index_cast %add3A_1189 : i32 to index
        %get3A_1247 = arith.constant 64 : index
        %get3A_1248 = tpu.vector_load %arg9[%get3A_1246, %get3A_1247] {strides = array<i32>} : memref<64x128xf32, #tpu.memory_space<vmem>>, vector<1x16xf32>,
        %get3A_1249 = vector.shape_cast %get3A_1248 : vector<1x16xf32> to vector<16xf32>
        %get3A_1250 = arith.index_cast %add3A_1189 : i32 to index
        %get3A_1251 = arith.constant 64 : index
        %get3A_1252 = tpu.vector_load %arg10[%get3A_1250, %get3A_1251] {strides = array<i32>} : memref<64x128xf32, #tpu.memory_space<vmem>>, vector<1x16xf32>,
        %get3A_1253 = vector.shape_cast %get3A_1252 : vector<1x16xf32> to vector<16xf32>
        %mul3A_1254 = arith.mulf %get3A_1249, %get3A_1253 : vector<16xf32>
        %get3A_1255 = arith.index_cast %add3A_1189 : i32 to index
        %get3A_1256 = arith.constant 64 : index
        %get3A_1257 = tpu.vector_load %arg11[%get3A_1255, %get3A_1256] {strides = array<i32>} : memref<64x128xf32, #tpu.memory_space<vmem>>, vector<1x16xf32>,
        %get3A_1258 = vector.shape_cast %get3A_1257 : vector<1x16xf32> to vector<16xf32>
        %mul3A_1259 = arith.mulf %mul3A_1254, %get3A_1258 : vector<16xf32>
        %get3A_1260 = arith.index_cast %add3A_1189 : i32 to index
        %get3A_1261 = arith.constant 80 : index
        %get3A_1262 = tpu.vector_load %arg9[%get3A_1260, %get3A_1261] {strides = array<i32>} : memref<64x128xf32, #tpu.memory_space<vmem>>, vector<1x16xf32>,
        %get3A_1263 = vector.shape_cast %get3A_1262 : vector<1x16xf32> to vector<16xf32>
        %get3A_1264 = arith.index_cast %add3A_1189 : i32 to index
        %get3A_1265 = arith.constant 80 : index
        %get3A_1266 = tpu.vector_load %arg10[%get3A_1264, %get3A_1265] {strides = array<i32>} : memref<64x128xf32, #tpu.memory_space<vmem>>, vector<1x16xf32>,
        %get3A_1267 = vector.shape_cast %get3A_1266 : vector<1x16xf32> to vector<16xf32>
        %mul3A_1268 = arith.mulf %get3A_1263, %get3A_1267 : vector<16xf32>
        %get3A_1269 = arith.index_cast %add3A_1189 : i32 to index
        %get3A_1270 = arith.constant 80 : index
        %get3A_1271 = tpu.vector_load %arg11[%get3A_1269, %get3A_1270] {strides = array<i32>} : memref<64x128xf32, #tpu.memory_space<vmem>>, vector<1x16xf32>,
        %get3A_1272 = vector.shape_cast %get3A_1271 : vector<1x16xf32> to vector<16xf32>
        %mul3A_1273 = arith.mulf %mul3A_1268, %get3A_1272 : vector<16xf32>
        %get3A_1274 = arith.index_cast %add3A_1189 : i32 to index
        %get3A_1275 = arith.constant 96 : index
        %get3A_1276 = tpu.vector_load %arg9[%get3A_1274, %get3A_1275] {strides = array<i32>} : memref<64x128xf32, #tpu.memory_space<vmem>>, vector<1x16xf32>,
        %get3A_1277 = vector.shape_cast %get3A_1276 : vector<1x16xf32> to vector<16xf32>
        %get3A_1278 = arith.index_cast %add3A_1189 : i32 to index
        %get3A_1279 = arith.constant 96 : index
        %get3A_1280 = tpu.vector_load %arg10[%get3A_1278, %get3A_1279] {strides = array<i32>} : memref<64x128xf32, #tpu.memory_space<vmem>>, vector<1x16xf32>,
        %get3A_1281 = vector.shape_cast %get3A_1280 : vector<1x16xf32> to vector<16xf32>
        %mul3A_1282 = arith.mulf %get3A_1277, %get3A_1281 : vector<16xf32>
        %get3A_1283 = arith.index_cast %add3A_1189 : i32 to index
        %get3A_1284 = arith.constant 96 : index
        %get3A_1285 = tpu.vector_load %arg11[%get3A_1283, %get3A_1284] {strides = array<i32>} : memref<64x128xf32, #tpu.memory_space<vmem>>, vector<1x16xf32>,
        %get3A_1286 = vector.shape_cast %get3A_1285 : vector<1x16xf32> to vector<16xf32>
        %mul3A_1287 = arith.mulf %mul3A_1282, %get3A_1286 : vector<16xf32>
        %get3A_1288 = arith.index_cast %add3A_1189 : i32 to index
        %get3A_1289 = arith.constant 112 : index
        %get3A_1290 = tpu.vector_load %arg9[%get3A_1288, %get3A_1289] {strides = array<i32>} : memref<64x128xf32, #tpu.memory_space<vmem>>, vector<1x16xf32>,
        %get3A_1291 = vector.shape_cast %get3A_1290 : vector<1x16xf32> to vector<16xf32>
        %get3A_1292 = arith.index_cast %add3A_1189 : i32 to index
        %get3A_1293 = arith.constant 112 : index
        %get3A_1294 = tpu.vector_load %arg10[%get3A_1292, %get3A_1293] {strides = array<i32>} : memref<64x128xf32, #tpu.memory_space<vmem>>, vector<1x16xf32>,
        %get3A_1295 = vector.shape_cast %get3A_1294 : vector<1x16xf32> to vector<16xf32>
        %mul3A_1296 = arith.mulf %get3A_1291, %get3A_1295 : vector<16xf32>
        %get3A_1297 = arith.index_cast %add3A_1189 : i32 to index
        %get3A_1298 = arith.constant 112 : index
        %get3A_1299 = tpu.vector_load %arg11[%get3A_1297, %get3A_1298] {strides = array<i32>} : memref<64x128xf32, #tpu.memory_space<vmem>>, vector<1x16xf32>,
        %get3A_1300 = vector.shape_cast %get3A_1299 : vector<1x16xf32> to vector<16xf32>
        %mul3A_1301 = arith.mulf %mul3A_1296, %get3A_1300 : vector<16xf32>
        %add3A_1302 = arith.addf %mul3A_1203, %mul3A_1217 : vector<16xf32>
        %add3A_1303 = arith.addf %mul3A_1231, %mul3A_1245 : vector<16xf32>
        %add3A_1304 = arith.addf %mul3A_1259, %mul3A_1273 : vector<16xf32>
        %add3A_1305 = arith.addf %mul3A_1287, %mul3A_1301 : vector<16xf32>
        %add3A_1306 = arith.addf %add3A_1302, %add3A_1303 : vector<16xf32>
        %add3A_1307 = arith.addf %add3A_1304, %add3A_1305 : vector<16xf32>
        %add3A_1308 = arith.addf %add3A_1306, %add3A_1307 : vector<16xf32>
        %mul3A_1309 = arith.constant 7.812500e-03 : f32
        %mul3A_1310 = vector.broadcast %mul3A_1309 : f32 to vector<16xf32>
        %mul3A_1311 = arith.mulf %add3A_1308, %mul3A_1310 : vector<16xf32>
        %mul3A_1312 = arith.constant 8 : i32
        %mul3A_1313 = arith.muli %add3A_220, %mul3A_1312 : i32
        %add3A_1314 = arith.addi %mul3A_1313, %scan3A_382 : i32
        %swap3A_1315 = arith.index_cast %add3A_1314 : i32 to index
        %swap3A_1316 = arith.constant 96 : index
        %swap3A_1317 = tpu.vector_load %arg12[%swap3A_1315, %swap3A_1316] {strides = array<i32>} : memref<64x128xf32, #tpu.memory_space<vmem>>, vector<1x16xf32>,
        %swap3A_1318 = vector.shape_cast %swap3A_1317 : vector<1x16xf32> to vector<16xf32>
        %swap3A_1319 = vector.shape_cast %mul3A_1311 : vector<16xf32> to vector<1x16xf32>
        tpu.vector_store %arg12[%swap3A_1315, %swap3A_1316], %swap3A_1319 {strides = array<i32>} : memref<64x128xf32, #tpu.memory_space<vmem>>, vector<1x16xf32>,
        %mul3A_1320 = arith.constant 8 : i32
        %mul3A_1321 = arith.muli %scan3A_382, %mul3A_1320 : i32
        %add3A_1322 = arith.constant 7 : i32
        %add3A_1323 = arith.addi %mul3A_1321, %add3A_1322 : i32
        %get3A_1324 = arith.index_cast %add3A_1323 : i32 to index
        %get3A_1325 = arith.constant 0 : index
        %get3A_1326 = tpu.vector_load %arg9[%get3A_1324, %get3A_1325] {strides = array<i32>} : memref<64x128xf32, #tpu.memory_space<vmem>>, vector<1x16xf32>,
        %get3A_1327 = vector.shape_cast %get3A_1326 : vector<1x16xf32> to vector<16xf32>
        %get3A_1328 = arith.index_cast %add3A_1323 : i32 to index
        %get3A_1329 = arith.constant 0 : index
        %get3A_1330 = tpu.vector_load %arg10[%get3A_1328, %get3A_1329] {strides = array<i32>} : memref<64x128xf32, #tpu.memory_space<vmem>>, vector<1x16xf32>,
        %get3A_1331 = vector.shape_cast %get3A_1330 : vector<1x16xf32> to vector<16xf32>
        %mul3A_1332 = arith.mulf %get3A_1327, %get3A_1331 : vector<16xf32>
        %get3A_1333 = arith.index_cast %add3A_1323 : i32 to index
        %get3A_1334 = arith.constant 0 : index
        %get3A_1335 = tpu.vector_load %arg11[%get3A_1333, %get3A_1334] {strides = array<i32>} : memref<64x128xf32, #tpu.memory_space<vmem>>, vector<1x16xf32>,
        %get3A_1336 = vector.shape_cast %get3A_1335 : vector<1x16xf32> to vector<16xf32>
        %mul3A_1337 = arith.mulf %mul3A_1332, %get3A_1336 : vector<16xf32>
        %get3A_1338 = arith.index_cast %add3A_1323 : i32 to index
        %get3A_1339 = arith.constant 16 : index
        %get3A_1340 = tpu.vector_load %arg9[%get3A_1338, %get3A_1339] {strides = array<i32>} : memref<64x128xf32, #tpu.memory_space<vmem>>, vector<1x16xf32>,
        %get3A_1341 = vector.shape_cast %get3A_1340 : vector<1x16xf32> to vector<16xf32>
        %get3A_1342 = arith.index_cast %add3A_1323 : i32 to index
        %get3A_1343 = arith.constant 16 : index
        %get3A_1344 = tpu.vector_load %arg10[%get3A_1342, %get3A_1343] {strides = array<i32>} : memref<64x128xf32, #tpu.memory_space<vmem>>, vector<1x16xf32>,
        %get3A_1345 = vector.shape_cast %get3A_1344 : vector<1x16xf32> to vector<16xf32>
        %mul3A_1346 = arith.mulf %get3A_1341, %get3A_1345 : vector<16xf32>
        %get3A_1347 = arith.index_cast %add3A_1323 : i32 to index
        %get3A_1348 = arith.constant 16 : index
        %get3A_1349 = tpu.vector_load %arg11[%get3A_1347, %get3A_1348] {strides = array<i32>} : memref<64x128xf32, #tpu.memory_space<vmem>>, vector<1x16xf32>,
        %get3A_1350 = vector.shape_cast %get3A_1349 : vector<1x16xf32> to vector<16xf32>
        %mul3A_1351 = arith.mulf %mul3A_1346, %get3A_1350 : vector<16xf32>
        %get3A_1352 = arith.index_cast %add3A_1323 : i32 to index
        %get3A_1353 = arith.constant 32 : index
        %get3A_1354 = tpu.vector_load %arg9[%get3A_1352, %get3A_1353] {strides = array<i32>} : memref<64x128xf32, #tpu.memory_space<vmem>>, vector<1x16xf32>,
        %get3A_1355 = vector.shape_cast %get3A_1354 : vector<1x16xf32> to vector<16xf32>
        %get3A_1356 = arith.index_cast %add3A_1323 : i32 to index
        %get3A_1357 = arith.constant 32 : index
        %get3A_1358 = tpu.vector_load %arg10[%get3A_1356, %get3A_1357] {strides = array<i32>} : memref<64x128xf32, #tpu.memory_space<vmem>>, vector<1x16xf32>,
        %get3A_1359 = vector.shape_cast %get3A_1358 : vector<1x16xf32> to vector<16xf32>
        %mul3A_1360 = arith.mulf %get3A_1355, %get3A_1359 : vector<16xf32>
        %get3A_1361 = arith.index_cast %add3A_1323 : i32 to index
        %get3A_1362 = arith.constant 32 : index
        %get3A_1363 = tpu.vector_load %arg11[%get3A_1361, %get3A_1362] {strides = array<i32>} : memref<64x128xf32, #tpu.memory_space<vmem>>, vector<1x16xf32>,
        %get3A_1364 = vector.shape_cast %get3A_1363 : vector<1x16xf32> to vector<16xf32>
        %mul3A_1365 = arith.mulf %mul3A_1360, %get3A_1364 : vector<16xf32>
        %get3A_1366 = arith.index_cast %add3A_1323 : i32 to index
        %get3A_1367 = arith.constant 48 : index
        %get3A_1368 = tpu.vector_load %arg9[%get3A_1366, %get3A_1367] {strides = array<i32>} : memref<64x128xf32, #tpu.memory_space<vmem>>, vector<1x16xf32>,
        %get3A_1369 = vector.shape_cast %get3A_1368 : vector<1x16xf32> to vector<16xf32>
        %get3A_1370 = arith.index_cast %add3A_1323 : i32 to index
        %get3A_1371 = arith.constant 48 : index
        %get3A_1372 = tpu.vector_load %arg10[%get3A_1370, %get3A_1371] {strides = array<i32>} : memref<64x128xf32, #tpu.memory_space<vmem>>, vector<1x16xf32>,
        %get3A_1373 = vector.shape_cast %get3A_1372 : vector<1x16xf32> to vector<16xf32>
        %mul3A_1374 = arith.mulf %get3A_1369, %get3A_1373 : vector<16xf32>
        %get3A_1375 = arith.index_cast %add3A_1323 : i32 to index
        %get3A_1376 = arith.constant 48 : index
        %get3A_1377 = tpu.vector_load %arg11[%get3A_1375, %get3A_1376] {strides = array<i32>} : memref<64x128xf32, #tpu.memory_space<vmem>>, vector<1x16xf32>,
        %get3A_1378 = vector.shape_cast %get3A_1377 : vector<1x16xf32> to vector<16xf32>
        %mul3A_1379 = arith.mulf %mul3A_1374, %get3A_1378 : vector<16xf32>
        %get3A_1380 = arith.index_cast %add3A_1323 : i32 to index
        %get3A_1381 = arith.constant 64 : index
        %get3A_1382 = tpu.vector_load %arg9[%get3A_1380, %get3A_1381] {strides = array<i32>} : memref<64x128xf32, #tpu.memory_space<vmem>>, vector<1x16xf32>,
        %get3A_1383 = vector.shape_cast %get3A_1382 : vector<1x16xf32> to vector<16xf32>
        %get3A_1384 = arith.index_cast %add3A_1323 : i32 to index
        %get3A_1385 = arith.constant 64 : index
        %get3A_1386 = tpu.vector_load %arg10[%get3A_1384, %get3A_1385] {strides = array<i32>} : memref<64x128xf32, #tpu.memory_space<vmem>>, vector<1x16xf32>,
        %get3A_1387 = vector.shape_cast %get3A_1386 : vector<1x16xf32> to vector<16xf32>
        %mul3A_1388 = arith.mulf %get3A_1383, %get3A_1387 : vector<16xf32>
        %get3A_1389 = arith.index_cast %add3A_1323 : i32 to index
        %get3A_1390 = arith.constant 64 : index
        %get3A_1391 = tpu.vector_load %arg11[%get3A_1389, %get3A_1390] {strides = array<i32>} : memref<64x128xf32, #tpu.memory_space<vmem>>, vector<1x16xf32>,
        %get3A_1392 = vector.shape_cast %get3A_1391 : vector<1x16xf32> to vector<16xf32>
        %mul3A_1393 = arith.mulf %mul3A_1388, %get3A_1392 : vector<16xf32>
        %get3A_1394 = arith.index_cast %add3A_1323 : i32 to index
        %get3A_1395 = arith.constant 80 : index
        %get3A_1396 = tpu.vector_load %arg9[%get3A_1394, %get3A_1395] {strides = array<i32>} : memref<64x128xf32, #tpu.memory_space<vmem>>, vector<1x16xf32>,
        %get3A_1397 = vector.shape_cast %get3A_1396 : vector<1x16xf32> to vector<16xf32>
        %get3A_1398 = arith.index_cast %add3A_1323 : i32 to index
        %get3A_1399 = arith.constant 80 : index
        %get3A_1400 = tpu.vector_load %arg10[%get3A_1398, %get3A_1399] {strides = array<i32>} : memref<64x128xf32, #tpu.memory_space<vmem>>, vector<1x16xf32>,
        %get3A_1401 = vector.shape_cast %get3A_1400 : vector<1x16xf32> to vector<16xf32>
        %mul3A_1402 = arith.mulf %get3A_1397, %get3A_1401 : vector<16xf32>
        %get3A_1403 = arith.index_cast %add3A_1323 : i32 to index
        %get3A_1404 = arith.constant 80 : index
        %get3A_1405 = tpu.vector_load %arg11[%get3A_1403, %get3A_1404] {strides = array<i32>} : memref<64x128xf32, #tpu.memory_space<vmem>>, vector<1x16xf32>,
        %get3A_1406 = vector.shape_cast %get3A_1405 : vector<1x16xf32> to vector<16xf32>
        %mul3A_1407 = arith.mulf %mul3A_1402, %get3A_1406 : vector<16xf32>
        %get3A_1408 = arith.index_cast %add3A_1323 : i32 to index
        %get3A_1409 = arith.constant 96 : index
        %get3A_1410 = tpu.vector_load %arg9[%get3A_1408, %get3A_1409] {strides = array<i32>} : memref<64x128xf32, #tpu.memory_space<vmem>>, vector<1x16xf32>,
        %get3A_1411 = vector.shape_cast %get3A_1410 : vector<1x16xf32> to vector<16xf32>
        %get3A_1412 = arith.index_cast %add3A_1323 : i32 to index
        %get3A_1413 = arith.constant 96 : index
        %get3A_1414 = tpu.vector_load %arg10[%get3A_1412, %get3A_1413] {strides = array<i32>} : memref<64x128xf32, #tpu.memory_space<vmem>>, vector<1x16xf32>,
        %get3A_1415 = vector.shape_cast %get3A_1414 : vector<1x16xf32> to vector<16xf32>
        %mul3A_1416 = arith.mulf %get3A_1411, %get3A_1415 : vector<16xf32>
        %get3A_1417 = arith.index_cast %add3A_1323 : i32 to index
        %get3A_1418 = arith.constant 96 : index
        %get3A_1419 = tpu.vector_load %arg11[%get3A_1417, %get3A_1418] {strides = array<i32>} : memref<64x128xf32, #tpu.memory_space<vmem>>, vector<1x16xf32>,
        %get3A_1420 = vector.shape_cast %get3A_1419 : vector<1x16xf32> to vector<16xf32>
        %mul3A_1421 = arith.mulf %mul3A_1416, %get3A_1420 : vector<16xf32>
        %get3A_1422 = arith.index_cast %add3A_1323 : i32 to index
        %get3A_1423 = arith.constant 112 : index
        %get3A_1424 = tpu.vector_load %arg9[%get3A_1422, %get3A_1423] {strides = array<i32>} : memref<64x128xf32, #tpu.memory_space<vmem>>, vector<1x16xf32>,
        %get3A_1425 = vector.shape_cast %get3A_1424 : vector<1x16xf32> to vector<16xf32>
        %get3A_1426 = arith.index_cast %add3A_1323 : i32 to index
        %get3A_1427 = arith.constant 112 : index
        %get3A_1428 = tpu.vector_load %arg10[%get3A_1426, %get3A_1427] {strides = array<i32>} : memref<64x128xf32, #tpu.memory_space<vmem>>, vector<1x16xf32>,
        %get3A_1429 = vector.shape_cast %get3A_1428 : vector<1x16xf32> to vector<16xf32>
        %mul3A_1430 = arith.mulf %get3A_1425, %get3A_1429 : vector<16xf32>
        %get3A_1431 = arith.index_cast %add3A_1323 : i32 to index
        %get3A_1432 = arith.constant 112 : index
        %get3A_1433 = tpu.vector_load %arg11[%get3A_1431, %get3A_1432] {strides = array<i32>} : memref<64x128xf32, #tpu.memory_space<vmem>>, vector<1x16xf32>,
        %get3A_1434 = vector.shape_cast %get3A_1433 : vector<1x16xf32> to vector<16xf32>
        %mul3A_1435 = arith.mulf %mul3A_1430, %get3A_1434 : vector<16xf32>
        %add3A_1436 = arith.addf %mul3A_1337, %mul3A_1351 : vector<16xf32>
        %add3A_1437 = arith.addf %mul3A_1365, %mul3A_1379 : vector<16xf32>
        %add3A_1438 = arith.addf %mul3A_1393, %mul3A_1407 : vector<16xf32>
        %add3A_1439 = arith.addf %mul3A_1421, %mul3A_1435 : vector<16xf32>
        %add3A_1440 = arith.addf %add3A_1436, %add3A_1437 : vector<16xf32>
        %add3A_1441 = arith.addf %add3A_1438, %add3A_1439 : vector<16xf32>
        %add3A_1442 = arith.addf %add3A_1440, %add3A_1441 : vector<16xf32>
        %mul3A_1443 = arith.constant 7.812500e-03 : f32
        %mul3A_1444 = vector.broadcast %mul3A_1443 : f32 to vector<16xf32>
        %mul3A_1445 = arith.mulf %add3A_1442, %mul3A_1444 : vector<16xf32>
        %mul3A_1446 = arith.constant 8 : i32
        %mul3A_1447 = arith.muli %add3A_220, %mul3A_1446 : i32
        %add3A_1448 = arith.addi %mul3A_1447, %scan3A_382 : i32
        %swap3A_1449 = arith.index_cast %add3A_1448 : i32 to index
        %swap3A_1450 = arith.constant 112 : index
        %swap3A_1451 = tpu.vector_load %arg12[%swap3A_1449, %swap3A_1450] {strides = array<i32>} : memref<64x128xf32, #tpu.memory_space<vmem>>, vector<1x16xf32>,
        %swap3A_1452 = vector.shape_cast %swap3A_1451 : vector<1x16xf32> to vector<16xf32>
        %swap3A_1453 = vector.shape_cast %mul3A_1445 : vector<16xf32> to vector<1x16xf32>
        tpu.vector_store %arg12[%swap3A_1449, %swap3A_1450], %swap3A_1453 {strides = array<i32>} : memref<64x128xf32, #tpu.memory_space<vmem>>, vector<1x16xf32>,
        %scan3A_1454 = arith.constant 0 : i32
        scf.yield %scan3A_1454 : i32
      }
      %scan3A_252 = arith.constant 8 : i32
      %mul3A_253 = arith.constant 8 : i32
      %mul3A_254 = arith.muli %add3A_220, %mul3A_253 : i32
      %add3A_255 = arith.constant 0 : i32
      %add3A_256 = arith.addi %mul3A_254, %add3A_255 : i32
      %mul3A_257 = arith.constant 8 : i32
      %mul3A_258 = arith.muli %add3A_220, %mul3A_257 : i32
      %add3A_259 = arith.constant 0 : i32
      %add3A_260 = arith.addi %mul3A_258, %add3A_259 : i32
      %dma_start3A_261 = arith.constant 0 : i32
      %dma_start3A_262 = tpu.memref_slice %arg12[%add3A_256, %dma_start3A_261] : memref<64x128xf32, #tpu.memory_space<vmem>> -> memref<1x128xf32, #tpu.memory_space<vmem>>
      %dma_start3A_263 = tpu.memref_squeeze %dma_start3A_262 : memref<1x128xf32, #tpu.memory_space<vmem>> -> memref<128xf32, #tpu.memory_space<vmem>>
      %dma_start3A_264 = arith.constant 0 : i32
      %dma_start3A_265 = tpu.memref_slice %arg13[%add3A_260, %dma_start3A_264] : memref<64x128xi32, #tpu.memory_space<vmem>> -> memref<1x128xi32, #tpu.memory_space<vmem>>
      %dma_start3A_266 = tpu.memref_squeeze %dma_start3A_265 : memref<1x128xi32, #tpu.memory_space<vmem>> -> memref<128xi32, #tpu.memory_space<vmem>>
      %dma_start3A_267 = arith.constant 0 : i32
      %dma_start3A_268 = tpu.memref_slice %arg15[%dma_start3A_267] : memref<8192xf32, #tpu.memory_space<vmem_shared>> -> memref<8192xf32, #tpu.memory_space<vmem_shared>>
      tpu.enqueue_indirect_dma source(%dma_start3A_263 : memref<128xf32, #tpu.memory_space<vmem>>) target(%dma_start3A_268 : memref<8192xf32, #tpu.memory_space<vmem_shared>>) offsets(%dma_start3A_266 : memref<128xi32, #tpu.memory_space<vmem>>) semaphore(%arg18 : memref<!tpu.dma_semaphore, #tpu.memory_space<semaphore_mem>>) {add = true}
      %mul3A_269 = arith.constant 8 : i32
      %mul3A_270 = arith.muli %add3A_220, %mul3A_269 : i32
      %add3A_271 = arith.constant 1 : i32
      %add3A_272 = arith.addi %mul3A_270, %add3A_271 : i32
      %mul3A_273 = arith.constant 8 : i32
      %mul3A_274 = arith.muli %add3A_220, %mul3A_273 : i32
      %add3A_275 = arith.constant 1 : i32
      %add3A_276 = arith.addi %mul3A_274, %add3A_275 : i32
      %dma_start3A_277 = arith.constant 0 : i32
      %dma_start3A_278 = tpu.memref_slice %arg12[%add3A_272, %dma_start3A_277] : memref<64x128xf32, #tpu.memory_space<vmem>> -> memref<1x128xf32, #tpu.memory_space<vmem>>
      %dma_start3A_279 = tpu.memref_squeeze %dma_start3A_278 : memref<1x128xf32, #tpu.memory_space<vmem>> -> memref<128xf32, #tpu.memory_space<vmem>>
      %dma_start3A_280 = arith.constant 0 : i32
      %dma_start3A_281 = tpu.memref_slice %arg13[%add3A_276, %dma_start3A_280] : memref<64x128xi32, #tpu.memory_space<vmem>> -> memref<1x128xi32, #tpu.memory_space<vmem>>
      %dma_start3A_282 = tpu.memref_squeeze %dma_start3A_281 : memref<1x128xi32, #tpu.memory_space<vmem>> -> memref<128xi32, #tpu.memory_space<vmem>>
      %dma_start3A_283 = arith.constant 0 : i32
      %dma_start3A_284 = tpu.memref_slice %arg15[%dma_start3A_283] : memref<8192xf32, #tpu.memory_space<vmem_shared>> -> memref<8192xf32, #tpu.memory_space<vmem_shared>>
      tpu.enqueue_indirect_dma source(%dma_start3A_279 : memref<128xf32, #tpu.memory_space<vmem>>) target(%dma_start3A_284 : memref<8192xf32, #tpu.memory_space<vmem_shared>>) offsets(%dma_start3A_282 : memref<128xi32, #tpu.memory_space<vmem>>) semaphore(%arg18 : memref<!tpu.dma_semaphore, #tpu.memory_space<semaphore_mem>>) {add = true}
      %mul3A_285 = arith.constant 8 : i32
      %mul3A_286 = arith.muli %add3A_220, %mul3A_285 : i32
      %add3A_287 = arith.constant 2 : i32
      %add3A_288 = arith.addi %mul3A_286, %add3A_287 : i32
      %mul3A_289 = arith.constant 8 : i32
      %mul3A_290 = arith.muli %add3A_220, %mul3A_289 : i32
      %add3A_291 = arith.constant 2 : i32
      %add3A_292 = arith.addi %mul3A_290, %add3A_291 : i32
      %dma_start3A_293 = arith.constant 0 : i32
      %dma_start3A_294 = tpu.memref_slice %arg12[%add3A_288, %dma_start3A_293] : memref<64x128xf32, #tpu.memory_space<vmem>> -> memref<1x128xf32, #tpu.memory_space<vmem>>
      %dma_start3A_295 = tpu.memref_squeeze %dma_start3A_294 : memref<1x128xf32, #tpu.memory_space<vmem>> -> memref<128xf32, #tpu.memory_space<vmem>>
      %dma_start3A_296 = arith.constant 0 : i32
      %dma_start3A_297 = tpu.memref_slice %arg13[%add3A_292, %dma_start3A_296] : memref<64x128xi32, #tpu.memory_space<vmem>> -> memref<1x128xi32, #tpu.memory_space<vmem>>
      %dma_start3A_298 = tpu.memref_squeeze %dma_start3A_297 : memref<1x128xi32, #tpu.memory_space<vmem>> -> memref<128xi32, #tpu.memory_space<vmem>>
      %dma_start3A_299 = arith.constant 0 : i32
      %dma_start3A_300 = tpu.memref_slice %arg15[%dma_start3A_299] : memref<8192xf32, #tpu.memory_space<vmem_shared>> -> memref<8192xf32, #tpu.memory_space<vmem_shared>>
      tpu.enqueue_indirect_dma source(%dma_start3A_295 : memref<128xf32, #tpu.memory_space<vmem>>) target(%dma_start3A_300 : memref<8192xf32, #tpu.memory_space<vmem_shared>>) offsets(%dma_start3A_298 : memref<128xi32, #tpu.memory_space<vmem>>) semaphore(%arg18 : memref<!tpu.dma_semaphore, #tpu.memory_space<semaphore_mem>>) {add = true}
      %mul3A_301 = arith.constant 8 : i32
      %mul3A_302 = arith.muli %add3A_220, %mul3A_301 : i32
      %add3A_303 = arith.constant 3 : i32
      %add3A_304 = arith.addi %mul3A_302, %add3A_303 : i32
      %mul3A_305 = arith.constant 8 : i32
      %mul3A_306 = arith.muli %add3A_220, %mul3A_305 : i32
      %add3A_307 = arith.constant 3 : i32
      %add3A_308 = arith.addi %mul3A_306, %add3A_307 : i32
      %dma_start3A_309 = arith.constant 0 : i32
      %dma_start3A_310 = tpu.memref_slice %arg12[%add3A_304, %dma_start3A_309] : memref<64x128xf32, #tpu.memory_space<vmem>> -> memref<1x128xf32, #tpu.memory_space<vmem>>
      %dma_start3A_311 = tpu.memref_squeeze %dma_start3A_310 : memref<1x128xf32, #tpu.memory_space<vmem>> -> memref<128xf32, #tpu.memory_space<vmem>>
      %dma_start3A_312 = arith.constant 0 : i32
      %dma_start3A_313 = tpu.memref_slice %arg13[%add3A_308, %dma_start3A_312] : memref<64x128xi32, #tpu.memory_space<vmem>> -> memref<1x128xi32, #tpu.memory_space<vmem>>
      %dma_start3A_314 = tpu.memref_squeeze %dma_start3A_313 : memref<1x128xi32, #tpu.memory_space<vmem>> -> memref<128xi32, #tpu.memory_space<vmem>>
      %dma_start3A_315 = arith.constant 0 : i32
      %dma_start3A_316 = tpu.memref_slice %arg15[%dma_start3A_315] : memref<8192xf32, #tpu.memory_space<vmem_shared>> -> memref<8192xf32, #tpu.memory_space<vmem_shared>>
      tpu.enqueue_indirect_dma source(%dma_start3A_311 : memref<128xf32, #tpu.memory_space<vmem>>) target(%dma_start3A_316 : memref<8192xf32, #tpu.memory_space<vmem_shared>>) offsets(%dma_start3A_314 : memref<128xi32, #tpu.memory_space<vmem>>) semaphore(%arg18 : memref<!tpu.dma_semaphore, #tpu.memory_space<semaphore_mem>>) {add = true}
      %mul3A_317 = arith.constant 8 : i32
      %mul3A_318 = arith.muli %add3A_220, %mul3A_317 : i32
      %add3A_319 = arith.constant 4 : i32
      %add3A_320 = arith.addi %mul3A_318, %add3A_319 : i32
      %mul3A_321 = arith.constant 8 : i32
      %mul3A_322 = arith.muli %add3A_220, %mul3A_321 : i32
      %add3A_323 = arith.constant 4 : i32
      %add3A_324 = arith.addi %mul3A_322, %add3A_323 : i32
      %dma_start3A_325 = arith.constant 0 : i32
      %dma_start3A_326 = tpu.memref_slice %arg12[%add3A_320, %dma_start3A_325] : memref<64x128xf32, #tpu.memory_space<vmem>> -> memref<1x128xf32, #tpu.memory_space<vmem>>
      %dma_start3A_327 = tpu.memref_squeeze %dma_start3A_326 : memref<1x128xf32, #tpu.memory_space<vmem>> -> memref<128xf32, #tpu.memory_space<vmem>>
      %dma_start3A_328 = arith.constant 0 : i32
      %dma_start3A_329 = tpu.memref_slice %arg13[%add3A_324, %dma_start3A_328] : memref<64x128xi32, #tpu.memory_space<vmem>> -> memref<1x128xi32, #tpu.memory_space<vmem>>
      %dma_start3A_330 = tpu.memref_squeeze %dma_start3A_329 : memref<1x128xi32, #tpu.memory_space<vmem>> -> memref<128xi32, #tpu.memory_space<vmem>>
      %dma_start3A_331 = arith.constant 0 : i32
      %dma_start3A_332 = tpu.memref_slice %arg15[%dma_start3A_331] : memref<8192xf32, #tpu.memory_space<vmem_shared>> -> memref<8192xf32, #tpu.memory_space<vmem_shared>>
      tpu.enqueue_indirect_dma source(%dma_start3A_327 : memref<128xf32, #tpu.memory_space<vmem>>) target(%dma_start3A_332 : memref<8192xf32, #tpu.memory_space<vmem_shared>>) offsets(%dma_start3A_330 : memref<128xi32, #tpu.memory_space<vmem>>) semaphore(%arg18 : memref<!tpu.dma_semaphore, #tpu.memory_space<semaphore_mem>>) {add = true}
      %mul3A_333 = arith.constant 8 : i32
      %mul3A_334 = arith.muli %add3A_220, %mul3A_333 : i32
      %add3A_335 = arith.constant 5 : i32
      %add3A_336 = arith.addi %mul3A_334, %add3A_335 : i32
      %mul3A_337 = arith.constant 8 : i32
      %mul3A_338 = arith.muli %add3A_220, %mul3A_337 : i32
      %add3A_339 = arith.constant 5 : i32
      %add3A_340 = arith.addi %mul3A_338, %add3A_339 : i32
      %dma_start3A_341 = arith.constant 0 : i32
      %dma_start3A_342 = tpu.memref_slice %arg12[%add3A_336, %dma_start3A_341] : memref<64x128xf32, #tpu.memory_space<vmem>> -> memref<1x128xf32, #tpu.memory_space<vmem>>
      %dma_start3A_343 = tpu.memref_squeeze %dma_start3A_342 : memref<1x128xf32, #tpu.memory_space<vmem>> -> memref<128xf32, #tpu.memory_space<vmem>>
      %dma_start3A_344 = arith.constant 0 : i32
      %dma_start3A_345 = tpu.memref_slice %arg13[%add3A_340, %dma_start3A_344] : memref<64x128xi32, #tpu.memory_space<vmem>> -> memref<1x128xi32, #tpu.memory_space<vmem>>
      %dma_start3A_346 = tpu.memref_squeeze %dma_start3A_345 : memref<1x128xi32, #tpu.memory_space<vmem>> -> memref<128xi32, #tpu.memory_space<vmem>>
      %dma_start3A_347 = arith.constant 0 : i32
      %dma_start3A_348 = tpu.memref_slice %arg15[%dma_start3A_347] : memref<8192xf32, #tpu.memory_space<vmem_shared>> -> memref<8192xf32, #tpu.memory_space<vmem_shared>>
      tpu.enqueue_indirect_dma source(%dma_start3A_343 : memref<128xf32, #tpu.memory_space<vmem>>) target(%dma_start3A_348 : memref<8192xf32, #tpu.memory_space<vmem_shared>>) offsets(%dma_start3A_346 : memref<128xi32, #tpu.memory_space<vmem>>) semaphore(%arg18 : memref<!tpu.dma_semaphore, #tpu.memory_space<semaphore_mem>>) {add = true}
      %mul3A_349 = arith.constant 8 : i32
      %mul3A_350 = arith.muli %add3A_220, %mul3A_349 : i32
      %add3A_351 = arith.constant 6 : i32
      %add3A_352 = arith.addi %mul3A_350, %add3A_351 : i32
      %mul3A_353 = arith.constant 8 : i32
      %mul3A_354 = arith.muli %add3A_220, %mul3A_353 : i32
      %add3A_355 = arith.constant 6 : i32
      %add3A_356 = arith.addi %mul3A_354, %add3A_355 : i32
      %dma_start3A_357 = arith.constant 0 : i32
      %dma_start3A_358 = tpu.memref_slice %arg12[%add3A_352, %dma_start3A_357] : memref<64x128xf32, #tpu.memory_space<vmem>> -> memref<1x128xf32, #tpu.memory_space<vmem>>
      %dma_start3A_359 = tpu.memref_squeeze %dma_start3A_358 : memref<1x128xf32, #tpu.memory_space<vmem>> -> memref<128xf32, #tpu.memory_space<vmem>>
      %dma_start3A_360 = arith.constant 0 : i32
      %dma_start3A_361 = tpu.memref_slice %arg13[%add3A_356, %dma_start3A_360] : memref<64x128xi32, #tpu.memory_space<vmem>> -> memref<1x128xi32, #tpu.memory_space<vmem>>
      %dma_start3A_362 = tpu.memref_squeeze %dma_start3A_361 : memref<1x128xi32, #tpu.memory_space<vmem>> -> memref<128xi32, #tpu.memory_space<vmem>>
      %dma_start3A_363 = arith.constant 0 : i32
      %dma_start3A_364 = tpu.memref_slice %arg15[%dma_start3A_363] : memref<8192xf32, #tpu.memory_space<vmem_shared>> -> memref<8192xf32, #tpu.memory_space<vmem_shared>>
      tpu.enqueue_indirect_dma source(%dma_start3A_359 : memref<128xf32, #tpu.memory_space<vmem>>) target(%dma_start3A_364 : memref<8192xf32, #tpu.memory_space<vmem_shared>>) offsets(%dma_start3A_362 : memref<128xi32, #tpu.memory_space<vmem>>) semaphore(%arg18 : memref<!tpu.dma_semaphore, #tpu.memory_space<semaphore_mem>>) {add = true}
      %mul3A_365 = arith.constant 8 : i32
      %mul3A_366 = arith.muli %add3A_220, %mul3A_365 : i32
      %add3A_367 = arith.constant 7 : i32
      %add3A_368 = arith.addi %mul3A_366, %add3A_367 : i32
      %mul3A_369 = arith.constant 8 : i32
      %mul3A_370 = arith.muli %add3A_220, %mul3A_369 : i32
      %add3A_371 = arith.constant 7 : i32
      %add3A_372 = arith.addi %mul3A_370, %add3A_371 : i32
      %dma_start3A_373 = arith.constant 0 : i32
      %dma_start3A_374 = tpu.memref_slice %arg12[%add3A_368, %dma_start3A_373] : memref<64x128xf32, #tpu.memory_space<vmem>> -> memref<1x128xf32, #tpu.memory_space<vmem>>
      %dma_start3A_375 = tpu.memref_squeeze %dma_start3A_374 : memref<1x128xf32, #tpu.memory_space<vmem>> -> memref<128xf32, #tpu.memory_space<vmem>>
      %dma_start3A_376 = arith.constant 0 : i32
      %dma_start3A_377 = tpu.memref_slice %arg13[%add3A_372, %dma_start3A_376] : memref<64x128xi32, #tpu.memory_space<vmem>> -> memref<1x128xi32, #tpu.memory_space<vmem>>
      %dma_start3A_378 = tpu.memref_squeeze %dma_start3A_377 : memref<1x128xi32, #tpu.memory_space<vmem>> -> memref<128xi32, #tpu.memory_space<vmem>>
      %dma_start3A_379 = arith.constant 0 : i32
      %dma_start3A_380 = tpu.memref_slice %arg15[%dma_start3A_379] : memref<8192xf32, #tpu.memory_space<vmem_shared>> -> memref<8192xf32, #tpu.memory_space<vmem_shared>>
      tpu.enqueue_indirect_dma source(%dma_start3A_375 : memref<128xf32, #tpu.memory_space<vmem>>) target(%dma_start3A_380 : memref<8192xf32, #tpu.memory_space<vmem_shared>>) offsets(%dma_start3A_378 : memref<128xi32, #tpu.memory_space<vmem>>) semaphore(%arg18 : memref<!tpu.dma_semaphore, #tpu.memory_space<semaphore_mem>>) {add = true}
      %scan3A_381 = arith.constant 0 : i32
      scf.yield %scan3A_381 : i32
    }
    %scan3A_48 = arith.constant 4 : i32
    %dma_wait3A = arith.constant 0 : i32
    %dma_wait3A_49 = arith.constant 0 : i32
    %dma_wait3A_50 = tpu.memref_slice %arg3[%dma_wait3A, %dma_wait3A_49] : memref<100000x128xf32, #tpu.memory_space<hbm>> -> memref<64x128xf32, #tpu.memory_space<hbm>>
    %dma_wait3A_51 = arith.constant 0 : i32
    %dma_wait3A_52 = arith.constant 0 : i32
    %dma_wait3A_53 = tpu.memref_slice %arg3[%dma_wait3A_51, %dma_wait3A_52] : memref<100000x128xf32, #tpu.memory_space<hbm>> -> memref<64x128xf32, #tpu.memory_space<hbm>>
    tpu.wait_dma2 semaphore(%arg18 : memref<!tpu.dma_semaphore, #tpu.memory_space<semaphore_mem>>) src(%dma_wait3A_53 : memref<64x128xf32, #tpu.memory_space<hbm>>) dst(%arg12 : memref<64x128xf32, #tpu.memory_space<vmem>>)
    "tpu.region"() ({
      %run_scoped3A = tpu.sem_alloc : memref<!tpu.dma_semaphore, #tpu.memory_space<semaphore_mem>>
      %dma_start3A_54 = tpu.memref_slice %arg4[%mul3A_2] : memref<16384xf32, #tpu.memory_space<hbm>> -> memref<512xf32, #tpu.memory_space<hbm>>
      %dma_start3A_55 = tpu.memref_slice %arg15[%mul3A_4] : memref<8192xf32, #tpu.memory_space<vmem_shared>> -> memref<512xf32, #tpu.memory_space<vmem_shared>>
      tpu.enqueue_dma source(%dma_start3A_55 : memref<512xf32, #tpu.memory_space<vmem_shared>>) target(%dma_start3A_54 : memref<512xf32, #tpu.memory_space<hbm>>) target_semaphore(%run_scoped3A : memref<!tpu.dma_semaphore, #tpu.memory_space<semaphore_mem>>)
      %dma_wait3A_56 = tpu.memref_slice %arg4[%mul3A_2] : memref<16384xf32, #tpu.memory_space<hbm>> -> memref<512xf32, #tpu.memory_space<hbm>>
      %dma_wait3A_57 = tpu.memref_slice %arg15[%mul3A_4] : memref<8192xf32, #tpu.memory_space<vmem_shared>> -> memref<512xf32, #tpu.memory_space<vmem_shared>>
      tpu.wait_dma2 semaphore(%run_scoped3A : memref<!tpu.dma_semaphore, #tpu.memory_space<semaphore_mem>>) src(%dma_wait3A_57 : memref<512xf32, #tpu.memory_space<vmem_shared>>) dst(%dma_wait3A_56 : memref<512xf32, #tpu.memory_space<hbm>>)
      tpu.yield
    }) : () -> ()
    return
  }
}

</mosaic_0001>

<sc_bundles>
// kernel: kernel.3.cloned.1.call-start
scs
__scs_entry_jumppad:
0x0: {  	(pc) =	sbr.rel $0x88, $3  }
0x1: {  	(tag) =	ssettag $0x0;
	lr =	simm.s32 $0x1  }
0x2: {  	[smem:$0x3F9F] =	sst lr;
	_ =	strace $0xD0000000  }
0x3: {  	_ = 	snop  }
0x4: {  	_ = 	snop  }
0x5: {  	_ = 	snop  }
0x6: {  	_ = 	snop  }
0x7: {  	_ = 	snop  }
__scs_overlays_trampoline_lowered:
0x8: {  	[smem:$0x3FAE] =	sst s0  }
0x9: {  	[smem:$0x3FAF] =	sst s1  }
0xa: {  	[smem:$0x3FB0] =	sst s2  }
0xb: {  	[smem:$0x3FB1] =	sst s3  }
0xc: {  	[smem:$0x3FB2] =	sst s4  }
0xd: {  	[smem:$0x3FB3] =	sst s5  }
0xe: {  	[smem:$0x3FB4] =	sst s6  }
0xf: {  	[smem:$0x3FB5] =	sst s7  }
0x10: {  	[smem:$0x3FB6] =	sst s8  }
0x11: {  	[smem:$0x3FB7] =	sst s9;
	s0 =	simm.s32 @!p0 $0x0  }
0x12: {  	s1 =	sld [smem:$0x3F9D];
	s0 =	simm.s32 @p0 $0x1  }
0x13: {  	[smem:$0x3FB8] =	sst s0;
	s0 =	simm.s32 @!p1 $0x0  }
0x14: {  	s2 =	sld [smem:$0x3F9C];
	s0 =	simm.s32 @p1 $0x1  }
0x15: {  	[smem:$0x3FB9] =	sst s0;
	s0 =	simm.s32 @!p2 $0x0  }
0x16: {  	s3 =	sld [smem:$0x3FDB];
	s0 =	simm.s32 @p2 $0x1  }
0x17: {  	s4 =	simm.s32 $0x1BF5;
	[smem:$0x3FBB] =	sst s0  }
0x18: {  	s0 =	sld [smem:$0x3F9E];
	_ =	swait.ge [sflag:s4], $0x0  }
0x19: {  	s7 =	sld [smem:$0x3F9F]  }
0x1a: {  	s8 =	sadd.s32 $0xFFFFE003, lr  }
0x1b: {  	s9 =	sadd.s32 $0xFFFFFEF7, lr;
	s5 =	simm.s32 $0xFFFFFFFF;
	p2 =	slt.u32 s8, $0xFFFFF086  }
0x1c: {  	p1 =	slt.u32 s9, $0xF7A;
	s5 =	simm.s32 @!p2 $0x0  }
0x1d: {  	s5 =	simm.s32 @p1 $0x1;
	p0 =	seq.s32 s7, s2  }
0x1e: {  	s7 =	smul.u32 @!p0 $0xF7A, s2;
	p2 =	seq.s32 @!p0 s5, $0x0  }
0x1f: {  	s9 =	smul.u32 $0xF7A, s1;
	s8 =	simm.s32 @!p0 $0x1BF5;
	p2 =	por !p2, p0  }
0x20: {  	[sflag:s8] =	ssyncset.s32 @!p0 $0xFFFFF086;
	s6 =	sadd.s32 @!p0 s3, s7;
	s7 =	simm.s32 @!p0 $0x108  }
0x21: {  	s3 =	sadd.s32 s3, s9;
	s6 =	sadd.s32 @!p0 $0x88, s6;
	s7 =	simm.s32 @p2 $0x1082  }
0x22: {  	[simem:s7], [sflag:s8] =	dma.local @!p0 [hbm:s6], $0xF7A  }
0x23: {  	s9 =	sor.u32 $0xD0000000, s2;
	s6 =	simm.s32 $0x108;
	_ =	swait.ge @!p0 [sflag:s8], $0x0  }
0x24: {  	s3 =	sadd.s32 $0x88, s3;
	s6 =	simm.s32 @!p1 $0x1082;
	[sflag:s4] =	ssyncset.s32 $0xFFFFF086  }
0x25: {  	[simem:s6], [sflag:s4] =	dma.local [hbm:s3], $0xF7A  }
0x26: {  	[smem:$0x3F9F] =	sst s1;
	(tag) =	ssettag s2;
	_ =	strace s9  }
0x27: {  	s1 =	sld [smem:$0x3FAF]  }
0x28: {  	s2 =	sld [smem:$0x3FB0]  }
0x29: {  	s4 =	sld [smem:$0x3FB2]  }
0x2a: {  	p0 =	seq.s32 s5, $0x0;
	s5 =	sld [smem:$0x3FB3]  }
0x2b: {  	s6 =	sld [smem:$0x3FB4]  }
0x2c: {  	s7 =	sld [smem:$0x3FB5]  }
0x2d: {  	s3 =	simm.s32 $0x108;
	s8 =	sld [smem:$0x3FB6]  }
0x2e: {  	s3 =	simm.s32 @!p0 $0x1082;
	s9 =	sld [smem:$0x3FB7]  }
0x2f: {  	lr =	sadd.s32 s0, s3;
	s0 =	sld [smem:$0x3FAE]  }
0x30: {  	s3 =	sld [smem:$0x3FB1]  }
0x31: {  	[smem:$0x3FBA] =	sst s10  }
0x32: {  	s10 =	sld [smem:$0x3FB8];
	_ =	sdelay $0x3  }
0x33: {  	p0 =	seq.s32 s10, $0x1;
	s10 =	sld [smem:$0x3FBA];
	_ =	sdelay $0x3  }
0x34: {  	[smem:$0x3FBA] =	sst s10  }
0x35: {  	s10 =	sld [smem:$0x3FB9];
	_ =	sdelay $0x3  }
0x36: {  	p1 =	seq.s32 s10, $0x1;
	s10 =	sld [smem:$0x3FBA];
	_ =	sdelay $0x3  }
0x37: {  	[smem:$0x3FBA] =	sst s10  }
0x38: {  	s10 =	sld [smem:$0x3FBB]  }
0x39: {  	_ = 	snop;
	(pc) =	sbr.ind lr, $3  }
0x3a: {  	_ = 	snop  }
0x3b: {  	_ = 	snop  }
0x3c: {  	p2 =	seq.s32 s10, $0x1;
	s10 =	sld [smem:$0x3FBA]  }
0x3d: {  	_ =	shalt  }
0x3e: {  	_ =	shalt  }
0x3f: {  	_ =	shalt  }
0x40: {  	_ =	shalt  }
0x41: {  	_ =	shalt  }
0x42: {  	_ =	shalt  }
0x43: {  	_ =	shalt  }
0x44: {  	_ =	shalt  }
0x45: {  	_ =	shalt  }
0x46: {  	_ =	shalt  }
0x47: {  	_ =	shalt  }
0x48: {  	_ =	shalt  }
0x49: {  	_ =	shalt  }
0x4a: {  	_ =	shalt  }
0x4b: {  	_ =	shalt  }
0x4c: {  	_ =	shalt  }
0x4d: {  	_ =	shalt  }
0x4e: {  	_ =	shalt  }
0x4f: {  	_ =	shalt  }
0x50: {  	_ =	shalt  }
0x51: {  	_ =	shalt  }
0x52: {  	_ =	shalt  }
0x53: {  	_ =	shalt  }
0x54: {  	_ =	shalt  }
0x55: {  	_ =	shalt  }
0x56: {  	_ =	shalt  }
0x57: {  	_ =	shalt  }
0x58: {  	_ =	shalt  }
0x59: {  	_ =	shalt  }
0x5a: {  	_ =	shalt  }
0x5b: {  	_ =	shalt  }
0x5c: {  	_ =	shalt  }
0x5d: {  	_ =	shalt  }
0x5e: {  	_ =	shalt  }
0x5f: {  	_ =	shalt  }
0x60: {  	_ =	shalt  }
0x61: {  	_ =	shalt  }
0x62: {  	_ =	shalt  }
0x63: {  	_ =	shalt  }
0x64: {  	_ =	shalt  }
0x65: {  	_ =	shalt  }
0x66: {  	_ =	shalt  }
0x67: {  	_ =	shalt  }
0x68: {  	_ =	shalt  }
0x69: {  	_ =	shalt  }
0x6a: {  	_ =	shalt  }
0x6b: {  	_ =	shalt  }
0x6c: {  	_ =	shalt  }
0x6d: {  	_ =	shalt  }
0x6e: {  	_ =	shalt  }
0x6f: {  	_ =	shalt  }
0x70: {  	_ =	shalt  }
0x71: {  	_ =	shalt  }
0x72: {  	_ =	shalt  }
0x73: {  	_ =	shalt  }
0x74: {  	_ =	shalt  }
0x75: {  	_ =	shalt  }
0x76: {  	_ =	shalt  }
0x77: {  	_ =	shalt  }
0x78: {  	_ =	shalt  }
0x79: {  	_ =	shalt  }
0x7a: {  	_ =	shalt  }
0x7b: {  	_ =	shalt  }
0x7c: {  	_ =	shalt  }
0x7d: {  	_ =	shalt  }
0x7e: {  	_ =	shalt  }
0x7f: {  	_ =	shalt  }
0x80: {  	_ =	shalt  }
0x81: {  	_ =	shalt  }
0x82: {  	_ =	shalt  }
0x83: {  	_ =	shalt  }
0x84: {  	_ =	shalt  }
0x85: {  	_ =	shalt  }
0x86: {  	_ =	shalt  }
0x87: {  	_ =	shalt  }
.Lfunc_end0:
.L_simem_size_0:
called_computation_lowered:
.L_overlay_start_0:
0x88: {  	s2 =	sld [smem:$0x3FD9]  }
0x89: {  	s3 =	sld [smem:$0x3FFE];
	_ =	sdelay $0x1  }
0x8a: {  	s1 =	srdreg.scid  }
0x8b: {  	s0 =	sand.u32 $0x1, s1  }
0x8c: {  	s17 =	sshll.u32 s0, $0xA;
	s2 =	sadd.s32 s3, s2  }
0x8d: {  	s2 =	sadd.s32 s2, s17  }
0x8e: {  	[smem:$0x3FC6] =	sst s2  }
0x8f: {  	_ = 	snop  }
0x90: {  	s2 =	sld [smem:$0x3FC8]  }
0x91: {  	s18 =	sld [smem:$0x3FD0];
	(tm) =	ssettm $0x1  }
0x92: {  	s4 =	sld [smem:$0x3FFB];
	_ =	sdelay $0x3  }
0x93: {  	_ =	strace s4  }
0x94: {  	s4 =	sld [smem:$0x3FFC];
	_ =	sdelay $0x3  }
0x95: {  	_ =	strace s4  }
0x96: {  	s4 =	sld [smem:$0x3FFD];
	_ =	sdelay $0x3  }
0x97: {  	_ =	strace s4  }
0x98: {  	_ =	strace $0x8FFFFFFF  }
0x99: {  	s19 =	sld [smem:$0x3FDB];
	_ =	sdelay $0x1  }
0x9a: {  	s5 =	simm.s32 $_scs_section_size  }
0x9b: {  	s6 =	simm.s32 $_size__tile_overlayer_lowered;
	s7 =	simm.s32 $_tile_overlayer_lowered  }
0x9c: {  	s22 =	simm.s32 $0x1BFF;
	s21 =	sshll.u32 s7, $0x1;
	s4 =	sadd.s32 s5, s19  }
0x9d: {  	s8 =	simm.s32 $0x0;
	s20 =	sshll.u32 s6, $0x1;
	s6 =	sadd.s32 s21, s4  }
0x9e: {  	[timem:s8], [sflag:s22] =	dma.local [hbm:s6], s20  }
0x9f: {  	_ =	swait.ge [sflag:s22], s20  }
0xa0: {  	s5 =	ssub.s32 $0x0, s20;
	[sflag:s22] =	ssyncset.done $0x0  }
0xa1: {  	[sflag:s22] =	ssyncadd.s32 s5;
	_ =	sdelay $0x1  }
0xa2: {  	s23 =	simm.s32 $0x1B8B  }
0xa3: {  	_ =	swait.ge [sflag:s23], $0x1  }
0xa4: {  	[sflag:s23] =	ssyncset.done $0x0  }
0xa5: {  	s25 =	simm.s32 $0x1B8E;
	s24 =	sld [smem:$0x3FFE];
	[sflag:s23] =	ssyncadd.s32 $0xFFFFFFFF  }
0xa6: {  	s26 =	simm.s32 $execute0_lowered;
	[smem:$0x3FD2] =	sst s25  }
0xa7: {  	s6 =	sshll.u32 s26, $0x1;
	_ =	strace $0x80000046;
	[dreg:$0x1] =	wrdreg $0xFFFFFFFF  }
0xa8: {  	s28 =	simm.s32 $_size_execute0_lowered;
	s4 =	sadd.s32 s4, s6;
	[dreg:$0x0] =	wrdreg $0x0  }
0xa9: {  	s6 =	sshll.u32 s28, $0x1;
	[dreg:$0x2] =	wrdreg s4  }
0xaa: {  	[dreg:$0x3] =	wrdreg s6  }
0xab: {  	[dreg:$0x4] =	wrdreg $0xC0  }
0xac: {  	_ =	task [dreg:s8], $0x5FFFF  }
0xad: {  	[dreg:$0x1] =	wrdreg $0xFFFFFFFF  }
0xae: {  	[dreg:$0x0] =	wrdreg $0x60  }
0xaf: {  	[dreg:$0x2] =	wrdreg s24  }
0xb0: {  	[dreg:$0x3] =	wrdreg s2  }
0xb1: {  	[dreg:$0x4] =	wrdreg s18  }
0xb2: {  	[dreg:$0x5] =	wrdreg $0x10E000  }
0xb3: {  	[dreg:$0x6] =	wrdreg $0x9  }
0xb4: {  	_ =	task.clear_ibuf [dreg:s8], $0x7FFFF;
	_ =	strace $0x90000046  }
0xb5: {  	s29 =	simm.s32 $0x9;
	_ =	strace $0x80000048  }
0xb6: {  	_ =	swait.ge [sflag:s29], $0x1  }
0xb7: {  	[sflag:s29] =	ssyncadd.s32 $0xFFFFFFFF  }
0xb8: {  	_ =	strace $0x90000048  }
0xb9: {  	_ =	sfence  }
0xba: {  	s30 =	sld [smem:$0x0];
	_ =	sdelay $0x2  }
0xbb: {  	s31 =	sshll.u32 s1, $0xD;
	s1 =	sshrl.u32 s1, $0x2  }
0xbc: {  	s3 =	sand.u32 $0x4000, s31;
	s1 =	sadd.s32 s1, s30  }
0xbd: {  	s0 =	sor.u32 s3, s0;
	s1 =	sshll.u32 s1, $0x11  }
0xbe: {  	s0 =	sor.u32 s1, s0  }
0xbf: {  	s0 =	sadd.s32 $0x8F2B, s0  }
0xc0: {  	[sflag:s0] =	ssyncadd.remote.s32 $0x1  }
0xc1: {  	_ =	sfence.sel $0xFFFF  }
0xc2: {  	[dreg:$0x0] =	wrdreg $0xFFFFFFFF;
	(pc) =	sbr.abs _section_cstart, $3  }
0xc3: {  	[dreg:$0x1] =	wrdreg $0xFFFFFFFF  }
0xc4: {  	_ =	task.clear_ibuf [dreg:s8], $0x2FFFF;
	_ =	strace $0x9FFFFFFF  }
0xc5: {  	(tm) =	ssettm $0x7FFFFFFF  }
tec
execute0_lowered:
.L_overlay_start_1:
0x0: {  	(tag) =	ssettag $0x1  }
0x1: {  	s2 =	rddreg [dreg:$0x0]  }
0x2: {  	s1 =	rddreg [dreg:$0x1]  }
0x3: {  	s8 =	rddreg [dreg:$0x2];
	s4 =	srdreg.scid  }
0x4: {  	s0 =	stileid.u32;
	s3 =	rddreg [dreg:$0x3]  }
0x5: {  	s11 =	simm.s32 $0x40;
	s12 =	simm.s32 $0xC00;
	s13 =	simm.s32 $0x400  }
0x6: {  	s14 =	simm.s32 $0x2C00;
	s15 =	simm.s32 $0x800;
	s16 =	simm.s32 $0x4C00  }
0x7: {  	s17 =	simm.s32 $0x10C00;
	s18 =	simm.s32 $0x6C00;
	s19 =	simm.s32 $0x8C00  }
0x8: {  	s20 =	simm.s32 $0xAC00;
	s21 =	simm.s32 $0x1;
	s22 =	simm.s32 $0x80  }
0x9: {  	s23 =	simm.s32 $0x2;
	s24 =	simm.s32 $0x3;
	s25 =	simm.s32 $0x0  }
0xa: {  	s5 =	sand.u32 $0x1, s4;
	s6 =	sshll.u32 s0, $0x1;
	s4 =	simm.s32 $0x0  }
0xb: {  	s9 =	sor.u32 s5, s6;
	[smem:$0x7FF] =	sst s4;
	s5 =	ssub.s32 $0x2, s5  }
0xc: {  	s6 =	smul.u32 $0x180, s9;
	_ =	strace $0x80000047;
	s7 =	sshrl.u32 s5, $0x1  }
0xd: {  	s31 =	sshll.u32 s9, $0x6;
	s10 =	ssub.s32 s5, s7;
	s5 =	sshll.u32 s0, $0x9  }
0xe: {  	s8 =	sadd.s32 s8, s31;
	s2 =	sadd.s32 s6, s2;
	s7 =	sadd.s32 s5, s3  }
0xf: {  	v0 =	vimm.f32 $0.0e+00;
	s9 =	smax.u32 s10, $0x1;
	s10 =	simm.s32 $0x4;
	s6 =	sadd.s32 $0x400, s2  }
.LBB2_1:
0x10: {  	[tilespmem:s4], [sflag:$0x4] =	stream.linear.gather [hbm4b:s6+s4], $0xC00, $0x38;
	[tilespmem:$0x11000] =	vst v63  }
0x11: {  	_ =	swait.ge [sflag:s10], $0xC00  }
0x12: {  	[sflag:s10] =	ssyncset.done $0x0  }
0x13: {  	[sflag:s10] =	ssyncadd.s32 $0xFFFFF400  }
0x14: {  	[tilespmem:s12], [sflag:$0x1] =	stream.indirect.gather [hbm4b:s1+s11], $0x80, s4, s11, $0xb8;
	[tilespmem:$0x11000] =	vst v63  }
0x15: {  	s26 =	sadd.s32 $0x0, s5  }
0x16: {  	[tilespmem:s14], [sflag:$0x1] =	stream.indirect.gather [hbm4b:s1+s11], $0x80, s13, s11, $0xb8;
	[tilespmem:$0x11000] =	vst v63  }
0x17: {  	s2 =	simm.s32 $0xEC40;
	s28 =	sadd.s32 $0x7, s26;
	s29 =	sadd.s32 $0x1, s26  }
0x18: {  	v1 =	vmov s28;
	[tilespmem:s16], [sflag:$0x1] =	stream.indirect.gather [hbm4b:s1+s11], $0x80, s15, s11, $0xb8;
	[tilespmem:$0x11000] =	vst v63  }
0x19: {  	s31 =	sadd.s32 $0x5, s26;
	v2 =	vmov s29;
	[tilespmem:s2+$0x30] =	vst v1  }
0x1a: {  	s28 =	sadd.s32 $0x2, s26;
	v3 =	vmov s31;
	[tilespmem:s2+$0xFFFFFFD0] =	vst v2  }
0x1b: {  	s30 =	sadd.s32 $0x3, s26;
	v1 =	vmov s28;
	[tilespmem:s2+$0x10] =	vst v3  }
0x1c: {  	v2 =	vmov s30;
	s28 =	sadd.s32 $0x4, s26;
	[tilespmem:s2+$0xFFFFFFE0] =	vst v1  }
0x1d: {  	v1 =	vmov s28;
	[tilespmem:s2+$0xFFFFFFF0] =	vst v2;
	s28 =	sadd.s32 $0x6, s26  }
0x1e: {  	[tilespmem:s2+$0x0] =	vst v1;
	v1 =	vmov s26;
	v2 =	vmov s28;
	s26 =	sadd.s32 $0x8, s5;
	s28 =	simm.s32 $0x10  }
.LBB2_2:
0x1f: {  	p0 =	sne.s32 s28, $0x1F8;
	v3 =	vmov s26;
	s29 =	sadd.s32 $0x1, s26;
	s30 =	sadd.s32 $0x7, s26;
	[tilespmem:s2+$0x20] =	vst v2  }
0x20: {  	s31 =	sadd.s32 $0x3, s26;
	v2 =	vmov s29;
	s29 =	sadd.s32 $0x2, s26;
	v4 =	vmov s30;
	[tilespmem:s2+$0xFFFFFFC0] =	vst v1;
	s2 =	sadd.s32 $0x80, s2;
	v1 =	vmov v3  }
0x21: {  	v5 =	vmov s31;
	s30 =	sadd.s32 $0x5, s26;
	v3 =	vmov s29;
	s29 =	sadd.s32 $0x4, s26;
	s26 =	sadd.s32 $0x6, s26;
	[tilespmem:s2+$0x30] =	vst v4  }
.Ltmp0:
0x22: {  	v6 =	vmov s30;
	[tilespmem:s2+$0xFFFFFFD0] =	vst v2;
	v4 =	vmov s29;
	v2 =	vmov s26;
	(pc) =	sbr.rel @p0 .LBB2_2-.Ltmp0, $4  }
0x23: {  	[tilespmem:s2+$0xFFFFFFE0] =	vst v3  }
0x24: {  	[tilespmem:s2+$0xFFFFFFF0] =	vst v5  }
0x25: {  	[tilespmem:s2+$0x0] =	vst v4  }
0x26: {  	s26 =	sadd.s32 s28, s5;
	s28 =	sadd.s32 $0x8, s28;
	[tilespmem:s2+$0x10] =	vst v6  }
0x27: {  	s28 =	sadd.s32 $0x7, s26;
	[tilespmem:s2+$0x20] =	vst v2  }
0x28: {  	s29 =	sadd.s32 $0x1, s26;
	[tilespmem:s2+$0xFFFFFFC0] =	vst v1;
	s2 =	sadd.s32 $0x80, s2;
	v2 =	vmov s28  }
0x29: {  	s31 =	sadd.s32 $0x2, s26;
	v1 =	vmov s29;
	[tilespmem:s2+$0x30] =	vst v2  }
0x2a: {  	s30 =	sadd.s32 $0x3, s26;
	v2 =	vmov s31;
	[tilespmem:s2+$0xFFFFFFD0] =	vst v1  }
0x2b: {  	v1 =	vmov s30;
	s31 =	sadd.s32 $0x4, s26;
	[tilespmem:s2+$0xFFFFFFE0] =	vst v2  }
0x2c: {  	s30 =	sadd.s32 $0x5, s26;
	v2 =	vmov s31;
	[tilespmem:s2+$0xFFFFFFF0] =	vst v1  }
0x2d: {  	s31 =	sadd.s32 $0x6, s26;
	v1 =	vmov s30;
	[tilespmem:s2+$0x0] =	vst v2  }
0x2e: {  	v2 =	vmov s31;
	[tilespmem:s2+$0x10] =	vst v1  }
0x2f: {  	v1 =	vmov s26;
	[tilespmem:s2+$0x20] =	vst v2  }
0x30: {  	[tilespmem:s2+$0xFFFFFFC0] =	vst v1  }
0x31: {  	[tilespmem:$0x10C00] =	vst v0  }
0x32: {  	[tilespmem:$0x10C10] =	vst v0  }
0x33: {  	[tilespmem:$0x10C20] =	vst v0  }
0x34: {  	[tilespmem:$0x10C30] =	vst v0  }
0x35: {  	[tilespmem:$0x10C40] =	vst v0  }
0x36: {  	[tilespmem:$0x10C50] =	vst v0  }
0x37: {  	[tilespmem:$0x10C60] =	vst v0  }
0x38: {  	[tilespmem:$0x10C70] =	vst v0  }
0x39: {  	[tilespmem:$0x10C80] =	vst v0  }
0x3a: {  	[tilespmem:$0x10C90] =	vst v0  }
0x3b: {  	[tilespmem:$0x10CA0] =	vst v0  }
0x3c: {  	[tilespmem:$0x10CB0] =	vst v0  }
0x3d: {  	[tilespmem:$0x10CC0] =	vst v0  }
0x3e: {  	[tilespmem:$0x10CD0] =	vst v0  }
0x3f: {  	[tilespmem:$0x10CE0] =	vst v0  }
0x40: {  	[tilespmem:$0x10CF0] =	vst v0  }
0x41: {  	[tilespmem:$0x10D00] =	vst v0  }
0x42: {  	[tilespmem:$0x10D10] =	vst v0  }
0x43: {  	[tilespmem:$0x10D20] =	vst v0  }
0x44: {  	[tilespmem:$0x10D30] =	vst v0  }
0x45: {  	[tilespmem:$0x10D40] =	vst v0  }
0x46: {  	[tilespmem:$0x10D50] =	vst v0  }
0x47: {  	[tilespmem:$0x10D60] =	vst v0  }
0x48: {  	[tilespmem:$0x10D70] =	vst v0  }
0x49: {  	[tilespmem:$0x10D80] =	vst v0  }
0x4a: {  	[tilespmem:$0x10D90] =	vst v0  }
0x4b: {  	[tilespmem:$0x10DA0] =	vst v0  }
0x4c: {  	[tilespmem:$0x10DB0] =	vst v0  }
0x4d: {  	[tilespmem:$0x10DC0] =	vst v0  }
0x4e: {  	[tilespmem:$0x10DD0] =	vst v0  }
0x4f: {  	[tilespmem:$0x10DE0] =	vst v0  }
0x50: {  	[tilespmem:$0x10DF0] =	vst v0  }
0x51: {  	[spmem:s7] =	stream.linear.scatter [tilespmem:s17], [sflag:$0x4], $0x200, $0x38;
	[tilespmem:$0x11000] =	vst v63  }
0x52: {  	_ =	swait.ge [sflag:s10], $0x200  }
0x53: {  	[sflag:s10] =	ssyncset.done $0x0  }
0x54: {  	s26 =	simm.s32 $0x0;
	[sflag:s10] =	ssyncadd.s32 $0xFFFFFE00  }
.LBB2_4:
0x55: {  	s28 =	sshllo.u32 s26, $0x1  }
0x56: {  	s2 =	sshll.u32 s28, $0x7  }
0x57: {  	s2 =	sand.u32 $0x3FFFFF80, s2  }
0x58: {  	[tilespmem:s18], [sflag:$0x2] =	stream.indirect.gather [hbm4b:s1+s11], $0x80, s2, s11, $0xb8;
	[tilespmem:$0x11000] =	vst v63  }
0x59: {  	s29 =	sadd.s32 $0x400, s2  }
0x5a: {  	[tilespmem:s19], [sflag:$0x2] =	stream.indirect.gather [hbm4b:s1+s11], $0x80, s29, s11, $0xb8;
	[tilespmem:$0x11000] =	vst v63  }
0x5b: {  	s2 =	sadd.s32 $0x800, s2  }
0x5c: {  	[tilespmem:s20], [sflag:$0x2] =	stream.indirect.gather [hbm4b:s1+s11], $0x80, s2, s11, $0xb8;
	[tilespmem:$0x11000] =	vst v63  }
0x5d: {  	_ =	swait.ge [sflag:s21], $0x2000  }
0x5e: {  	[sflag:s21] =	ssyncset.done $0x0  }
0x5f: {  	[sflag:s21] =	ssyncadd.s32 $0xFFFFE000  }
0x60: {  	_ =	swait.ge [sflag:s21], $0x2000  }
0x61: {  	[sflag:s21] =	ssyncset.done $0x0  }
0x62: {  	s29 =	sshll.u32 s26, $0xB;
	[sflag:s21] =	ssyncadd.s32 $0xFFFFE000  }
0x63: {  	s31 =	sand.u32 $0x3FFFF800, s29;
	_ =	swait.ge [sflag:s21], $0x2000  }
0x64: {  	s2 =	sadd.s32 $0xCC00, s31;
	[sflag:s21] =	ssyncset.done $0x0  }
0x65: {  	s30 =	simm.s32 $0x0;
	v1 =	vmov s2;
	[sflag:s21] =	ssyncadd.s32 $0xFFFFE000  }
.LBB2_5:
0x66: {  	s31 =	sshll.u32 s30, $0xA  }
0x67: {  	v2 =	vld [tilespmem:s31+$0xC00]  }
0x68: {  	v3 =	vld [tilespmem:s31+$0x2C00]  }
0x69: {  	v4 =	vld [tilespmem:s31+$0x4C00]  }
0x6a: {  	v5 =	vld [tilespmem:s31+$0xC10]  }
0x6b: {  	v6 =	vld [tilespmem:s31+$0x2C10]  }
0x6c: {  	v7 =	vld [tilespmem:s31+$0x4C10]  }
0x6d: {  	v8 =	vld [tilespmem:s31+$0xC20]  }
0x6e: {  	v9 =	vld [tilespmem:s31+$0x2C20]  }
0x6f: {  	v10 =	vld [tilespmem:s31+$0x4C20]  }
0x70: {  	v11 =	vld [tilespmem:s31+$0xC30]  }
0x71: {  	v12 =	vld [tilespmem:s31+$0x2C30]  }
0x72: {  	v13 =	vld [tilespmem:s31+$0x4C30]  }
0x73: {  	v14 =	vld [tilespmem:s31+$0xC40]  }
0x74: {  	v15 =	vld [tilespmem:s31+$0x2C40]  }
0x75: {  	v17 =	vld [tilespmem:s31+$0xC50]  }
0x76: {  	v18 =	vld [tilespmem:s31+$0x2C50]  }
0x77: {  	v20 =	vld [tilespmem:s31+$0xC60]  }
0x78: {  	v21 =	vld [tilespmem:s31+$0x2C60]  }
0x79: {  	v22 =	vld [tilespmem:s31+$0xC70]  }
0x7a: {  	v53 =	vld [tilespmem:s31+$0x2C70]  }
0x7b: {  	v16 =	vld [tilespmem:s31+$0x4C40]  }
0x7c: {  	v19 =	vld [tilespmem:s31+$0x4C50];
	v2 =	vmul.f32 v3, v2;
	v3 =	vmul.f32 v6, v5  }
0x7d: {  	v56 =	vld [tilespmem:s31+$0x4C60];
	v54 =	vmul.f32 v9, v8;
	v55 =	vmul.f32 v12, v11  }
0x7e: {  	v57 =	vld [tilespmem:s31+$0x4C70];
	v59 =	vmul.f32 v15, v14;
	v60 =	vmul.f32 v18, v17  }
0x7f: {  	v61 =	vmul.f32 v21, v20;
	v5 =	vmul.f32 v53, v22  }
0x80: {  	v2 =	vmul.f32 v4, v2;
	v3 =	vmul.f32 v7, v3  }
0x81: {  	v6 =	vmul.f32 v10, v54;
	v58 =	vmul.f32 v13, v55  }
0x82: {  	v8 =	vmul.f32 v16, v59;
	v10 =	vmul.f32 v19, v60  }
0x83: {  	v9 =	vmul.f32 v56, v61;
	v4 =	vmul.f32 v57, v5  }
0x84: {  	v2 =	vadd.f32 v3, v2;
	v3 =	vadd.f32 v58, v6  }
0x85: {  	v62 =	vadd.f32 v10, v8;
	v4 =	vadd.f32 v4, v9;
	_ =	sdelay $0x1  }
0x86: {  	v2 =	vadd.f32 v3, v2;
	v3 =	vadd.f32 v4, v62;
	_ =	sdelay $0x1  }
0x87: {  	v2 =	vadd.f32 v3, v2;
	_ =	sdelay $0x1  }
0x88: {  	s2 =	sshll.u32 s30, $0x7;
	v2 =	vmul.f32 $7.812500000e-03, v2  }
0x89: {  	s2 =	sand.u32 $0x3FFFFF80, s2  }
0x8a: {  	[tilespmem:v1+s2+$0x0 ss:$0x1] =	vst.idx.msk $0xffff, v2  }
0x8b: {  	v2 =	vld [tilespmem:s31+$0xC80]  }
0x8c: {  	v3 =	vld [tilespmem:s31+$0x2C80]  }
0x8d: {  	v63 =	vld [tilespmem:s31+$0x4C80]  }
0x8e: {  	v24 =	vld [tilespmem:s31+$0xC90]  }
0x8f: {  	v25 =	vld [tilespmem:s31+$0x2C90]  }
0x90: {  	v26 =	vld [tilespmem:s31+$0x4C90]  }
0x91: {  	v27 =	vld [tilespmem:s31+$0xCA0]  }
0x92: {  	v28 =	vld [tilespmem:s31+$0x2CA0]  }
0x93: {  	v29 =	vld [tilespmem:s31+$0x4CA0]  }
0x94: {  	v30 =	vld [tilespmem:s31+$0xCB0]  }
0x95: {  	v31 =	vld [tilespmem:s31+$0x2CB0]  }
0x96: {  	v32 =	vld [tilespmem:s31+$0x4CB0]  }
0x97: {  	v33 =	vld [tilespmem:s31+$0xCC0]  }
0x98: {  	v34 =	vld [tilespmem:s31+$0x2CC0]  }
0x99: {  	v36 =	vld [tilespmem:s31+$0xCD0]  }
0x9a: {  	v37 =	vld [tilespmem:s31+$0x2CD0]  }
0x9b: {  	v39 =	vld [tilespmem:s31+$0xCE0]  }
0x9c: {  	v40 =	vld [tilespmem:s31+$0x2CE0]  }
0x9d: {  	v41 =	vld [tilespmem:s31+$0xCF0]  }
0x9e: {  	v42 =	vld [tilespmem:s31+$0x2CF0]  }
0x9f: {  	v35 =	vld [tilespmem:s31+$0x4CC0]  }
0xa0: {  	v38 =	vld [tilespmem:s31+$0x4CD0];
	v2 =	vmul.f32 v3, v2;
	v3 =	vmul.f32 v25, v24  }
0xa1: {  	v45 =	vld [tilespmem:s31+$0x4CE0];
	v43 =	vmul.f32 v28, v27;
	v44 =	vmul.f32 v31, v30  }
0xa2: {  	v46 =	vld [tilespmem:s31+$0x4CF0];
	v48 =	vmul.f32 v34, v33;
	v49 =	vmul.f32 v37, v36  }
0xa3: {  	v50 =	vmul.f32 v40, v39;
	v5 =	vmul.f32 v42, v41  }
0xa4: {  	v2 =	vmul.f32 v63, v2;
	v3 =	vmul.f32 v26, v3  }
0xa5: {  	v6 =	vmul.f32 v29, v43;
	v47 =	vmul.f32 v32, v44  }
0xa6: {  	v8 =	vmul.f32 v35, v48;
	v10 =	vmul.f32 v38, v49  }
0xa7: {  	v9 =	vmul.f32 v45, v50;
	v4 =	vmul.f32 v46, v5  }
0xa8: {  	v2 =	vadd.f32 v3, v2;
	v3 =	vadd.f32 v47, v6  }
0xa9: {  	v51 =	vadd.f32 v10, v8;
	v4 =	vadd.f32 v4, v9;
	_ =	sdelay $0x1  }
0xaa: {  	v2 =	vadd.f32 v3, v2;
	v3 =	vadd.f32 v4, v51;
	_ =	sdelay $0x1  }
0xab: {  	v2 =	vadd.f32 v3, v2;
	_ =	sdelay $0x1  }
0xac: {  	v2 =	vmul.f32 $7.812500000e-03, v2;
	_ =	sdelay $0x1  }
0xad: {  	[tilespmem:v1+s2+$0x10 ss:$0x1] =	vst.idx.msk $0xffff, v2  }
0xae: {  	v2 =	vld [tilespmem:s31+$0xD00]  }
0xaf: {  	v3 =	vld [tilespmem:s31+$0x2D00]  }
0xb0: {  	v52 =	vld [tilespmem:s31+$0x4D00]  }
0xb1: {  	v53 =	vld [tilespmem:s31+$0xD10]  }
0xb2: {  	v54 =	vld [tilespmem:s31+$0x2D10]  }
0xb3: {  	v55 =	vld [tilespmem:s31+$0x4D10]  }
0xb4: {  	v56 =	vld [tilespmem:s31+$0xD20]  }
0xb5: {  	v57 =	vld [tilespmem:s31+$0x2D20]  }
0xb6: {  	v58 =	vld [tilespmem:s31+$0x4D20]  }
0xb7: {  	v59 =	vld [tilespmem:s31+$0xD30]  }
0xb8: {  	v60 =	vld [tilespmem:s31+$0x2D30]  }
0xb9: {  	v61 =	vld [tilespmem:s31+$0x4D30]  }
0xba: {  	v62 =	vld [tilespmem:s31+$0xD40]  }
0xbb: {  	v63 =	vld [tilespmem:s31+$0x2D40]  }
0xbc: {  	v25 =	vld [tilespmem:s31+$0xD50]  }
0xbd: {  	v26 =	vld [tilespmem:s31+$0x2D50]  }
0xbe: {  	v28 =	vld [tilespmem:s31+$0xD60]  }
0xbf: {  	v29 =	vld [tilespmem:s31+$0x2D60]  }
0xc0: {  	v30 =	vld [tilespmem:s31+$0xD70]  }
0xc1: {  	v31 =	vld [tilespmem:s31+$0x2D70]  }
0xc2: {  	v24 =	vld [tilespmem:s31+$0x4D40]  }
0xc3: {  	v27 =	vld [tilespmem:s31+$0x4D50];
	v2 =	vmul.f32 v3, v2;
	v3 =	vmul.f32 v54, v53  }
0xc4: {  	v34 =	vld [tilespmem:s31+$0x4D60];
	v32 =	vmul.f32 v57, v56;
	v33 =	vmul.f32 v60, v59  }
0xc5: {  	v35 =	vld [tilespmem:s31+$0x4D70];
	v37 =	vmul.f32 v63, v62;
	v38 =	vmul.f32 v26, v25  }
0xc6: {  	v39 =	vmul.f32 v29, v28;
	v5 =	vmul.f32 v31, v30  }
0xc7: {  	v2 =	vmul.f32 v52, v2;
	v3 =	vmul.f32 v55, v3  }
0xc8: {  	v6 =	vmul.f32 v58, v32;
	v36 =	vmul.f32 v61, v33  }
0xc9: {  	v8 =	vmul.f32 v24, v37;
	v10 =	vmul.f32 v27, v38  }
0xca: {  	v9 =	vmul.f32 v34, v39;
	v4 =	vmul.f32 v35, v5  }
0xcb: {  	v2 =	vadd.f32 v3, v2;
	v3 =	vadd.f32 v36, v6  }
0xcc: {  	v40 =	vadd.f32 v10, v8;
	v4 =	vadd.f32 v4, v9;
	_ =	sdelay $0x1  }
0xcd: {  	v2 =	vadd.f32 v3, v2;
	v3 =	vadd.f32 v4, v40;
	_ =	sdelay $0x1  }
0xce: {  	v2 =	vadd.f32 v3, v2;
	_ =	sdelay $0x1  }
0xcf: {  	v2 =	vmul.f32 $7.812500000e-03, v2;
	_ =	sdelay $0x1  }
0xd0: {  	[tilespmem:v1+s2+$0x20 ss:$0x1] =	vst.idx.msk $0xffff, v2  }
0xd1: {  	v2 =	vld [tilespmem:s31+$0xD80]  }
0xd2: {  	v3 =	vld [tilespmem:s31+$0x2D80]  }
0xd3: {  	v41 =	vld [tilespmem:s31+$0x4D80]  }
0xd4: {  	v42 =	vld [tilespmem:s31+$0xD90]  }
0xd5: {  	v43 =	vld [tilespmem:s31+$0x2D90]  }
0xd6: {  	v44 =	vld [tilespmem:s31+$0x4D90]  }
0xd7: {  	v45 =	vld [tilespmem:s31+$0xDA0]  }
0xd8: {  	v46 =	vld [tilespmem:s31+$0x2DA0]  }
0xd9: {  	v47 =	vld [tilespmem:s31+$0x4DA0]  }
0xda: {  	v48 =	vld [tilespmem:s31+$0xDB0]  }
0xdb: {  	v49 =	vld [tilespmem:s31+$0x2DB0]  }
0xdc: {  	v50 =	vld [tilespmem:s31+$0x4DB0]  }
0xdd: {  	v51 =	vld [tilespmem:s31+$0xDC0]  }
0xde: {  	v52 =	vld [tilespmem:s31+$0x2DC0]  }
0xdf: {  	v54 =	vld [tilespmem:s31+$0xDD0]  }
0xe0: {  	v55 =	vld [tilespmem:s31+$0x2DD0]  }
0xe1: {  	v57 =	vld [tilespmem:s31+$0xDE0]  }
0xe2: {  	v58 =	vld [tilespmem:s31+$0x2DE0]  }
0xe3: {  	v59 =	vld [tilespmem:s31+$0xDF0]  }
0xe4: {  	v60 =	vld [tilespmem:s31+$0x2DF0]  }
0xe5: {  	v53 =	vld [tilespmem:s31+$0x4DC0]  }
0xe6: {  	v56 =	vld [tilespmem:s31+$0x4DD0];
	v2 =	vmul.f32 v3, v2;
	v3 =	vmul.f32 v43, v42  }
0xe7: {  	v63 =	vld [tilespmem:s31+$0x4DE0];
	v61 =	vmul.f32 v46, v45;
	v62 =	vmul.f32 v49, v48  }
0xe8: {  	v12 =	vld [tilespmem:s31+$0x4DF0];
	v24 =	vmul.f32 v52, v51;
	v25 =	vmul.f32 v55, v54  }
0xe9: {  	v26 =	vmul.f32 v58, v57;
	v5 =	vmul.f32 v60, v59  }
0xea: {  	v2 =	vmul.f32 v41, v2;
	v3 =	vmul.f32 v44, v3  }
0xeb: {  	v6 =	vmul.f32 v47, v61;
	v23 =	vmul.f32 v50, v62  }
0xec: {  	v8 =	vmul.f32 v53, v24;
	v10 =	vmul.f32 v56, v25  }
0xed: {  	v9 =	vmul.f32 v63, v26;
	v4 =	vmul.f32 v12, v5  }
0xee: {  	v2 =	vadd.f32 v3, v2;
	v3 =	vadd.f32 v23, v6  }
0xef: {  	v27 =	vadd.f32 v10, v8;
	v4 =	vadd.f32 v4, v9;
	_ =	sdelay $0x1  }
0xf0: {  	v2 =	vadd.f32 v3, v2;
	v3 =	vadd.f32 v4, v27;
	_ =	sdelay $0x1  }
0xf1: {  	v2 =	vadd.f32 v3, v2;
	_ =	sdelay $0x1  }
0xf2: {  	v2 =	vmul.f32 $7.812500000e-03, v2;
	_ =	sdelay $0x1  }
0xf3: {  	[tilespmem:v1+s2+$0x30 ss:$0x1] =	vst.idx.msk $0xffff, v2  }
0xf4: {  	v2 =	vld [tilespmem:s31+$0xE00]  }
0xf5: {  	v3 =	vld [tilespmem:s31+$0x2E00]  }
0xf6: {  	v28 =	vld [tilespmem:s31+$0x4E00]  }
0xf7: {  	v29 =	vld [tilespmem:s31+$0xE10]  }
0xf8: {  	v30 =	vld [tilespmem:s31+$0x2E10]  }
0xf9: {  	v31 =	vld [tilespmem:s31+$0x4E10]  }
0xfa: {  	v32 =	vld [tilespmem:s31+$0xE20]  }
0xfb: {  	v33 =	vld [tilespmem:s31+$0x2E20]  }
0xfc: {  	v34 =	vld [tilespmem:s31+$0x4E20]  }
0xfd: {  	v35 =	vld [tilespmem:s31+$0xE30]  }
0xfe: {  	v36 =	vld [tilespmem:s31+$0x2E30]  }
0xff: {  	v37 =	vld [tilespmem:s31+$0x4E30]  }
0x100: {  	v38 =	vld [tilespmem:s31+$0xE40]  }
0x101: {  	v39 =	vld [tilespmem:s31+$0x2E40]  }
0x102: {  	v41 =	vld [tilespmem:s31+$0xE50]  }
0x103: {  	v42 =	vld [tilespmem:s31+$0x2E50]  }
0x104: {  	v44 =	vld [tilespmem:s31+$0xE60]  }
0x105: {  	v45 =	vld [tilespmem:s31+$0x2E60]  }
0x106: {  	v46 =	vld [tilespmem:s31+$0xE70]  }
0x107: {  	v47 =	vld [tilespmem:s31+$0x2E70]  }
0x108: {  	v40 =	vld [tilespmem:s31+$0x4E40]  }
0x109: {  	v43 =	vld [tilespmem:s31+$0x4E50];
	v2 =	vmul.f32 v3, v2;
	v3 =	vmul.f32 v30, v29  }
0x10a: {  	v50 =	vld [tilespmem:s31+$0x4E60];
	v48 =	vmul.f32 v33, v32;
	v49 =	vmul.f32 v36, v35  }
0x10b: {  	v51 =	vld [tilespmem:s31+$0x4E70];
	v53 =	vmul.f32 v39, v38;
	v54 =	vmul.f32 v42, v41  }
0x10c: {  	v55 =	vmul.f32 v45, v44;
	v5 =	vmul.f32 v47, v46  }
0x10d: {  	v2 =	vmul.f32 v28, v2;
	v3 =	vmul.f32 v31, v3  }
0x10e: {  	v6 =	vmul.f32 v34, v48;
	v52 =	vmul.f32 v37, v49  }
0x10f: {  	v8 =	vmul.f32 v40, v53;
	v10 =	vmul.f32 v43, v54  }
0x110: {  	v9 =	vmul.f32 v50, v55;
	v4 =	vmul.f32 v51, v5  }
0x111: {  	v2 =	vadd.f32 v3, v2;
	v3 =	vadd.f32 v52, v6  }
0x112: {  	v56 =	vadd.f32 v10, v8;
	v4 =	vadd.f32 v4, v9;
	_ =	sdelay $0x1  }
0x113: {  	v2 =	vadd.f32 v3, v2;
	v3 =	vadd.f32 v4, v56;
	_ =	sdelay $0x1  }
0x114: {  	v2 =	vadd.f32 v3, v2;
	_ =	sdelay $0x1  }
0x115: {  	v2 =	vmul.f32 $7.812500000e-03, v2;
	_ =	sdelay $0x1  }
0x116: {  	[tilespmem:v1+s2+$0x40 ss:$0x1] =	vst.idx.msk $0xffff, v2  }
0x117: {  	v2 =	vld [tilespmem:s31+$0xE80]  }
0x118: {  	v3 =	vld [tilespmem:s31+$0x2E80]  }
0x119: {  	v57 =	vld [tilespmem:s31+$0x4E80]  }
0x11a: {  	v58 =	vld [tilespmem:s31+$0xE90]  }
0x11b: {  	v59 =	vld [tilespmem:s31+$0x2E90]  }
0x11c: {  	v60 =	vld [tilespmem:s31+$0x4E90]  }
0x11d: {  	v61 =	vld [tilespmem:s31+$0xEA0]  }
0x11e: {  	v62 =	vld [tilespmem:s31+$0x2EA0]  }
0x11f: {  	v63 =	vld [tilespmem:s31+$0x4EA0]  }
0x120: {  	v24 =	vld [tilespmem:s31+$0xEB0]  }
0x121: {  	v25 =	vld [tilespmem:s31+$0x2EB0]  }
0x122: {  	v26 =	vld [tilespmem:s31+$0x4EB0]  }
0x123: {  	v27 =	vld [tilespmem:s31+$0xEC0]  }
0x124: {  	v28 =	vld [tilespmem:s31+$0x2EC0]  }
0x125: {  	v30 =	vld [tilespmem:s31+$0xED0]  }
0x126: {  	v31 =	vld [tilespmem:s31+$0x2ED0]  }
0x127: {  	v33 =	vld [tilespmem:s31+$0xEE0]  }
0x128: {  	v34 =	vld [tilespmem:s31+$0x2EE0]  }
0x129: {  	v35 =	vld [tilespmem:s31+$0xEF0]  }
0x12a: {  	v36 =	vld [tilespmem:s31+$0x2EF0]  }
0x12b: {  	v29 =	vld [tilespmem:s31+$0x4EC0]  }
0x12c: {  	v32 =	vld [tilespmem:s31+$0x4ED0];
	v2 =	vmul.f32 v3, v2;
	v3 =	vmul.f32 v59, v58  }
0x12d: {  	v39 =	vld [tilespmem:s31+$0x4EE0];
	v37 =	vmul.f32 v62, v61;
	v38 =	vmul.f32 v25, v24  }
0x12e: {  	v40 =	vld [tilespmem:s31+$0x4EF0];
	v42 =	vmul.f32 v28, v27;
	v43 =	vmul.f32 v31, v30  }
0x12f: {  	v44 =	vmul.f32 v34, v33;
	v5 =	vmul.f32 v36, v35  }
0x130: {  	v2 =	vmul.f32 v57, v2;
	v3 =	vmul.f32 v60, v3  }
0x131: {  	v6 =	vmul.f32 v63, v37;
	v41 =	vmul.f32 v26, v38  }
0x132: {  	v8 =	vmul.f32 v29, v42;
	v10 =	vmul.f32 v32, v43  }
0x133: {  	v9 =	vmul.f32 v39, v44;
	v4 =	vmul.f32 v40, v5  }
0x134: {  	v2 =	vadd.f32 v3, v2;
	v3 =	vadd.f32 v41, v6  }
0x135: {  	v45 =	vadd.f32 v10, v8;
	v4 =	vadd.f32 v4, v9;
	_ =	sdelay $0x1  }
0x136: {  	v2 =	vadd.f32 v3, v2;
	v3 =	vadd.f32 v4, v45;
	_ =	sdelay $0x1  }
0x137: {  	v2 =	vadd.f32 v3, v2;
	_ =	sdelay $0x1  }
0x138: {  	v2 =	vmul.f32 $7.812500000e-03, v2;
	_ =	sdelay $0x1  }
0x139: {  	[tilespmem:v1+s2+$0x50 ss:$0x1] =	vst.idx.msk $0xffff, v2  }
0x13a: {  	v2 =	vld [tilespmem:s31+$0xF00]  }
0x13b: {  	v3 =	vld [tilespmem:s31+$0x2F00]  }
0x13c: {  	v46 =	vld [tilespmem:s31+$0x4F00]  }
0x13d: {  	v47 =	vld [tilespmem:s31+$0xF10]  }
0x13e: {  	v48 =	vld [tilespmem:s31+$0x2F10]  }
0x13f: {  	v49 =	vld [tilespmem:s31+$0x4F10]  }
0x140: {  	v50 =	vld [tilespmem:s31+$0xF20]  }
0x141: {  	v51 =	vld [tilespmem:s31+$0x2F20]  }
0x142: {  	v52 =	vld [tilespmem:s31+$0x4F20]  }
0x143: {  	v53 =	vld [tilespmem:s31+$0xF30]  }
0x144: {  	v54 =	vld [tilespmem:s31+$0x2F30]  }
0x145: {  	v55 =	vld [tilespmem:s31+$0x4F30]  }
0x146: {  	v56 =	vld [tilespmem:s31+$0xF40]  }
0x147: {  	v57 =	vld [tilespmem:s31+$0x2F40]  }
0x148: {  	v59 =	vld [tilespmem:s31+$0xF50]  }
0x149: {  	v60 =	vld [tilespmem:s31+$0x2F50]  }
0x14a: {  	v62 =	vld [tilespmem:s31+$0xF60]  }
0x14b: {  	v63 =	vld [tilespmem:s31+$0x2F60]  }
0x14c: {  	v24 =	vld [tilespmem:s31+$0xF70]  }
0x14d: {  	v25 =	vld [tilespmem:s31+$0x2F70]  }
0x14e: {  	v58 =	vld [tilespmem:s31+$0x4F40]  }
0x14f: {  	v61 =	vld [tilespmem:s31+$0x4F50];
	v2 =	vmul.f32 v3, v2;
	v3 =	vmul.f32 v48, v47  }
0x150: {  	v28 =	vld [tilespmem:s31+$0x4F60];
	v26 =	vmul.f32 v51, v50;
	v27 =	vmul.f32 v54, v53  }
0x151: {  	v29 =	vld [tilespmem:s31+$0x4F70];
	v31 =	vmul.f32 v57, v56;
	v32 =	vmul.f32 v60, v59  }
0x152: {  	v33 =	vmul.f32 v63, v62;
	v5 =	vmul.f32 v25, v24  }
0x153: {  	v2 =	vmul.f32 v46, v2;
	v3 =	vmul.f32 v49, v3  }
0x154: {  	v6 =	vmul.f32 v52, v26;
	v30 =	vmul.f32 v55, v27  }
0x155: {  	v8 =	vmul.f32 v58, v31;
	v10 =	vmul.f32 v61, v32  }
0x156: {  	v9 =	vmul.f32 v28, v33;
	v4 =	vmul.f32 v29, v5  }
0x157: {  	v2 =	vadd.f32 v3, v2;
	v3 =	vadd.f32 v30, v6  }
0x158: {  	v34 =	vadd.f32 v10, v8;
	v4 =	vadd.f32 v4, v9;
	_ =	sdelay $0x1  }
0x159: {  	v2 =	vadd.f32 v3, v2;
	v3 =	vadd.f32 v4, v34;
	_ =	sdelay $0x1  }
0x15a: {  	v2 =	vadd.f32 v3, v2;
	_ =	sdelay $0x1  }
0x15b: {  	v2 =	vmul.f32 $7.812500000e-03, v2;
	_ =	sdelay $0x1  }
0x15c: {  	[tilespmem:v1+s2+$0x60 ss:$0x1] =	vst.idx.msk $0xffff, v2  }
0x15d: {  	v2 =	vld [tilespmem:s31+$0xF80]  }
0x15e: {  	v3 =	vld [tilespmem:s31+$0x2F80]  }
0x15f: {  	v35 =	vld [tilespmem:s31+$0x4F80]  }
0x160: {  	v36 =	vld [tilespmem:s31+$0xF90]  }
0x161: {  	v37 =	vld [tilespmem:s31+$0x2F90]  }
0x162: {  	v38 =	vld [tilespmem:s31+$0x4F90]  }
0x163: {  	v39 =	vld [tilespmem:s31+$0xFA0]  }
0x164: {  	v40 =	vld [tilespmem:s31+$0x2FA0]  }
0x165: {  	v41 =	vld [tilespmem:s31+$0x4FA0]  }
0x166: {  	v42 =	vld [tilespmem:s31+$0xFB0]  }
0x167: {  	v43 =	vld [tilespmem:s31+$0x2FB0]  }
0x168: {  	v44 =	vld [tilespmem:s31+$0x4FB0]  }
0x169: {  	v45 =	vld [tilespmem:s31+$0xFC0]  }
0x16a: {  	v46 =	vld [tilespmem:s31+$0x2FC0]  }
0x16b: {  	v48 =	vld [tilespmem:s31+$0xFD0]  }
0x16c: {  	v49 =	vld [tilespmem:s31+$0x2FD0]  }
0x16d: {  	v51 =	vld [tilespmem:s31+$0xFE0]  }
0x16e: {  	v52 =	vld [tilespmem:s31+$0x2FE0]  }
0x16f: {  	v53 =	vld [tilespmem:s31+$0xFF0]  }
0x170: {  	v54 =	vld [tilespmem:s31+$0x2FF0]  }
0x171: {  	v47 =	vld [tilespmem:s31+$0x4FC0]  }
0x172: {  	v50 =	vld [tilespmem:s31+$0x4FD0];
	v2 =	vmul.f32 v3, v2;
	v3 =	vmul.f32 v37, v36  }
0x173: {  	v57 =	vld [tilespmem:s31+$0x4FE0];
	v55 =	vmul.f32 v40, v39;
	v56 =	vmul.f32 v43, v42  }
0x174: {  	v58 =	vld [tilespmem:s31+$0x4FF0];
	v60 =	vmul.f32 v46, v45;
	v61 =	vmul.f32 v49, v48  }
0x175: {  	v62 =	vmul.f32 v52, v51;
	v5 =	vmul.f32 v54, v53  }
0x176: {  	v2 =	vmul.f32 v35, v2;
	v3 =	vmul.f32 v38, v3  }
0x177: {  	v6 =	vmul.f32 v41, v55;
	v59 =	vmul.f32 v44, v56  }
0x178: {  	v8 =	vmul.f32 v47, v60;
	v10 =	vmul.f32 v50, v61  }
0x179: {  	v9 =	vmul.f32 v57, v62;
	v4 =	vmul.f32 v58, v5  }
0x17a: {  	v2 =	vadd.f32 v3, v2;
	v3 =	vadd.f32 v59, v6  }
0x17b: {  	v63 =	vadd.f32 v10, v8;
	v4 =	vadd.f32 v4, v9;
	_ =	sdelay $0x1  }
0x17c: {  	v2 =	vadd.f32 v3, v2;
	v3 =	vadd.f32 v4, v63  }
0x17d: {  	p0 =	sne.s32 s30, $0x7  }
.Ltmp1:
0x17e: {  	v2 =	vadd.f32 v3, v2;
	(pc) =	sbr.rel @p0 .LBB2_5-.Ltmp1, $3  }
0x17f: {  	_ = 	snop  }
0x180: {  	v2 =	vmul.f32 $7.812500000e-03, v2;
	_ =	sdelay $0x1  }
0x181: {  	s30 =	sadd.s32 $0x1, s30;
	[tilespmem:v1+s2+$0x70 ss:$0x1] =	vst.idx.msk $0xffff, v2  }
0x182: {  	s2 =	sadd.s32 $0xCC00, s29;
	s30 =	sadd.s32 $0xEC00, s29  }
0x183: {  	[spmem:s3] =	stream.indirect.scatter.add.f32 [tilespmem:s2], [sflag:$0x3], $0x1, s30, s22, $0xb8;
	[tilespmem:$0x11000] =	vst v63  }
0x184: {  	s31 =	sadd.s32 $0xEC80, s29;
	s2 =	sadd.s32 $0xCC80, s29  }
0x185: {  	[spmem:s3] =	stream.indirect.scatter.add.f32 [tilespmem:s2], [sflag:$0x3], $0x1, s31, s22, $0xb8;
	[tilespmem:$0x11000] =	vst v63  }
0x186: {  	s2 =	sadd.s32 $0xCD00, s29;
	s31 =	sadd.s32 $0xED00, s29  }
0x187: {  	[spmem:s3] =	stream.indirect.scatter.add.f32 [tilespmem:s2], [sflag:$0x3], $0x1, s31, s22, $0xb8;
	[tilespmem:$0x11000] =	vst v63  }
0x188: {  	s2 =	sadd.s32 $0xCD80, s29;
	s31 =	sadd.s32 $0xED80, s29  }
0x189: {  	[spmem:s3] =	stream.indirect.scatter.add.f32 [tilespmem:s2], [sflag:$0x3], $0x1, s31, s22, $0xb8;
	[tilespmem:$0x11000] =	vst v63  }
0x18a: {  	s2 =	sadd.s32 $0xCE00, s29;
	s31 =	sadd.s32 $0xEE00, s29  }
0x18b: {  	[spmem:s3] =	stream.indirect.scatter.add.f32 [tilespmem:s2], [sflag:$0x3], $0x1, s31, s22, $0xb8;
	[tilespmem:$0x11000] =	vst v63  }
0x18c: {  	s2 =	sadd.s32 $0xCE80, s29;
	s31 =	sadd.s32 $0xEE80, s29  }
0x18d: {  	[spmem:s3] =	stream.indirect.scatter.add.f32 [tilespmem:s2], [sflag:$0x3], $0x1, s31, s22, $0xb8;
	[tilespmem:$0x11000] =	vst v63  }
0x18e: {  	p0 =	seq.s32 s26, $0x3;
	s2 =	sadd.s32 $0xCF00, s29;
	s31 =	sadd.s32 $0xEF00, s29  }
0x18f: {  	[spmem:s3] =	stream.indirect.scatter.add.f32 [tilespmem:s2], [sflag:$0x3], $0x1, s31, s22, $0xb8;
	[tilespmem:$0x11000] =	vst v63  }
0x190: {  	s2 =	sshll.u32 @!p0 s26, $0x8  }
0x191: {  	s30 =	sadd.s32 $0xCF80, s29;
	s29 =	sadd.s32 $0xEF80, s29;
	s2 =	sand.u32 @!p0 $0x3FFFFF00, s2  }
0x192: {  	[spmem:s3] =	stream.indirect.scatter.add.f32 [tilespmem:s30], [sflag:$0x3], $0x1, s29, s22, $0xb8;
	[tilespmem:$0x11000] =	vst v63  }
0x193: {  	s31 =	simm.s32 @!p0 $0xC00;
	s29 =	sadd.s32 @!p0 $0x100, s2;
	s30 =	simm.s32 @!p0 $0x40  }
0x194: {  	[tilespmem:s31], [sflag:$0x1] =	stream.indirect.gather @!p0 [hbm4b:s1+s30], $0x80, s29, s30, $0xb8;
	[tilespmem:$0x11000] =	vst v63  }
0x195: {  	s29 =	sadd.s32 @!p0 $0x500, s2;
	s31 =	simm.s32 @!p0 $0x2C00  }
0x196: {  	[tilespmem:s31], [sflag:$0x1] =	stream.indirect.gather @!p0 [hbm4b:s1+s30], $0x80, s29, s30, $0xb8;
	[tilespmem:$0x11000] =	vst v63  }
0x197: {  	s2 =	sadd.s32 @!p0 $0x900, s2;
	s29 =	simm.s32 @!p0 $0x4C00  }
0x198: {  	[tilespmem:s29], [sflag:$0x1] =	stream.indirect.gather @!p0 [hbm4b:s1+s30], $0x80, s2, s30, $0xb8;
	[tilespmem:$0x11000] =	vst v63  }
0x199: {  	_ =	swait.ge [sflag:s23], $0x2000  }
0x19a: {  	[sflag:s23] =	ssyncset.done $0x0  }
0x19b: {  	[sflag:s23] =	ssyncadd.s32 $0xFFFFE000  }
0x19c: {  	_ =	swait.ge [sflag:s23], $0x2000  }
0x19d: {  	[sflag:s23] =	ssyncset.done $0x0  }
0x19e: {  	s28 =	sshll.u32 s28, $0xA;
	[sflag:s23] =	ssyncadd.s32 $0xFFFFE000  }
0x19f: {  	s31 =	sand.u32 $0x3FFFFC00, s28;
	_ =	swait.ge [sflag:s23], $0x2000  }
0x1a0: {  	s2 =	sadd.s32 $0xCC00, s31;
	[sflag:s23] =	ssyncset.done $0x0  }
0x1a1: {  	s29 =	simm.s32 $0x0;
	v1 =	vmov s2;
	[sflag:s23] =	ssyncadd.s32 $0xFFFFE000  }
.LBB2_7:
0x1a2: {  	s30 =	sshll.u32 s29, $0xA  }
0x1a3: {  	v2 =	vld [tilespmem:s30+$0x6C00]  }
0x1a4: {  	v3 =	vld [tilespmem:s30+$0x8C00]  }
0x1a5: {  	v4 =	vld [tilespmem:s30+$0xAC00]  }
0x1a6: {  	v5 =	vld [tilespmem:s30+$0x6C10]  }
0x1a7: {  	v6 =	vld [tilespmem:s30+$0x8C10]  }
0x1a8: {  	v7 =	vld [tilespmem:s30+$0xAC10]  }
0x1a9: {  	v8 =	vld [tilespmem:s30+$0x6C20]  }
0x1aa: {  	v9 =	vld [tilespmem:s30+$0x8C20]  }
0x1ab: {  	v10 =	vld [tilespmem:s30+$0xAC20]  }
0x1ac: {  	v11 =	vld [tilespmem:s30+$0x6C30]  }
0x1ad: {  	v12 =	vld [tilespmem:s30+$0x8C30]  }
0x1ae: {  	v13 =	vld [tilespmem:s30+$0xAC30]  }
0x1af: {  	v14 =	vld [tilespmem:s30+$0x6C40]  }
0x1b0: {  	v15 =	vld [tilespmem:s30+$0x8C40]  }
0x1b1: {  	v17 =	vld [tilespmem:s30+$0x6C50]  }
0x1b2: {  	v18 =	vld [tilespmem:s30+$0x8C50]  }
0x1b3: {  	v20 =	vld [tilespmem:s30+$0x6C60]  }
0x1b4: {  	v21 =	vld [tilespmem:s30+$0x8C60]  }
0x1b5: {  	v22 =	vld [tilespmem:s30+$0x6C70]  }
0x1b6: {  	v53 =	vld [tilespmem:s30+$0x8C70]  }
0x1b7: {  	v16 =	vld [tilespmem:s30+$0xAC40]  }
0x1b8: {  	v19 =	vld [tilespmem:s30+$0xAC50];
	v2 =	vmul.f32 v3, v2;
	v3 =	vmul.f32 v6, v5  }
0x1b9: {  	v56 =	vld [tilespmem:s30+$0xAC60];
	v54 =	vmul.f32 v9, v8;
	v55 =	vmul.f32 v12, v11  }
0x1ba: {  	v57 =	vld [tilespmem:s30+$0xAC70];
	v59 =	vmul.f32 v15, v14;
	v60 =	vmul.f32 v18, v17  }
0x1bb: {  	v61 =	vmul.f32 v21, v20;
	v5 =	vmul.f32 v53, v22  }
0x1bc: {  	v2 =	vmul.f32 v4, v2;
	v3 =	vmul.f32 v7, v3  }
0x1bd: {  	v6 =	vmul.f32 v10, v54;
	v58 =	vmul.f32 v13, v55  }
0x1be: {  	v8 =	vmul.f32 v16, v59;
	v10 =	vmul.f32 v19, v60  }
0x1bf: {  	v9 =	vmul.f32 v56, v61;
	v4 =	vmul.f32 v57, v5  }
0x1c0: {  	v2 =	vadd.f32 v3, v2;
	v3 =	vadd.f32 v58, v6  }
0x1c1: {  	v62 =	vadd.f32 v10, v8;
	v4 =	vadd.f32 v4, v9;
	_ =	sdelay $0x1  }
0x1c2: {  	v2 =	vadd.f32 v3, v2;
	v3 =	vadd.f32 v4, v62;
	_ =	sdelay $0x1  }
0x1c3: {  	v2 =	vadd.f32 v3, v2;
	_ =	sdelay $0x1  }
0x1c4: {  	s2 =	sshll.u32 s29, $0x7;
	v2 =	vmul.f32 $7.812500000e-03, v2  }
0x1c5: {  	s2 =	sand.u32 $0x3FFFFF80, s2  }
0x1c6: {  	[tilespmem:v1+s2+$0x0 ss:$0x1] =	vst.idx.msk $0xffff, v2  }
0x1c7: {  	v2 =	vld [tilespmem:s30+$0x6C80]  }
0x1c8: {  	v3 =	vld [tilespmem:s30+$0x8C80]  }
0x1c9: {  	v63 =	vld [tilespmem:s30+$0xAC80]  }
0x1ca: {  	v24 =	vld [tilespmem:s30+$0x6C90]  }
0x1cb: {  	v25 =	vld [tilespmem:s30+$0x8C90]  }
0x1cc: {  	v26 =	vld [tilespmem:s30+$0xAC90]  }
0x1cd: {  	v27 =	vld [tilespmem:s30+$0x6CA0]  }
0x1ce: {  	v28 =	vld [tilespmem:s30+$0x8CA0]  }
0x1cf: {  	v29 =	vld [tilespmem:s30+$0xACA0]  }
0x1d0: {  	v30 =	vld [tilespmem:s30+$0x6CB0]  }
0x1d1: {  	v31 =	vld [tilespmem:s30+$0x8CB0]  }
0x1d2: {  	v32 =	vld [tilespmem:s30+$0xACB0]  }
0x1d3: {  	v33 =	vld [tilespmem:s30+$0x6CC0]  }
0x1d4: {  	v34 =	vld [tilespmem:s30+$0x8CC0]  }
0x1d5: {  	v36 =	vld [tilespmem:s30+$0x6CD0]  }
0x1d6: {  	v37 =	vld [tilespmem:s30+$0x8CD0]  }
0x1d7: {  	v39 =	vld [tilespmem:s30+$0x6CE0]  }
0x1d8: {  	v40 =	vld [tilespmem:s30+$0x8CE0]  }
0x1d9: {  	v41 =	vld [tilespmem:s30+$0x6CF0]  }
0x1da: {  	v42 =	vld [tilespmem:s30+$0x8CF0]  }
0x1db: {  	v35 =	vld [tilespmem:s30+$0xACC0]  }
0x1dc: {  	v38 =	vld [tilespmem:s30+$0xACD0];
	v2 =	vmul.f32 v3, v2;
	v3 =	vmul.f32 v25, v24  }
0x1dd: {  	v45 =	vld [tilespmem:s30+$0xACE0];
	v43 =	vmul.f32 v28, v27;
	v44 =	vmul.f32 v31, v30  }
0x1de: {  	v46 =	vld [tilespmem:s30+$0xACF0];
	v48 =	vmul.f32 v34, v33;
	v49 =	vmul.f32 v37, v36  }
0x1df: {  	v50 =	vmul.f32 v40, v39;
	v5 =	vmul.f32 v42, v41  }
0x1e0: {  	v2 =	vmul.f32 v63, v2;
	v3 =	vmul.f32 v26, v3  }
0x1e1: {  	v6 =	vmul.f32 v29, v43;
	v47 =	vmul.f32 v32, v44  }
0x1e2: {  	v8 =	vmul.f32 v35, v48;
	v10 =	vmul.f32 v38, v49  }
0x1e3: {  	v9 =	vmul.f32 v45, v50;
	v4 =	vmul.f32 v46, v5  }
0x1e4: {  	v2 =	vadd.f32 v3, v2;
	v3 =	vadd.f32 v47, v6  }
0x1e5: {  	v51 =	vadd.f32 v10, v8;
	v4 =	vadd.f32 v4, v9;
	_ =	sdelay $0x1  }
0x1e6: {  	v2 =	vadd.f32 v3, v2;
	v3 =	vadd.f32 v4, v51;
	_ =	sdelay $0x1  }
0x1e7: {  	v2 =	vadd.f32 v3, v2;
	_ =	sdelay $0x1  }
0x1e8: {  	v2 =	vmul.f32 $7.812500000e-03, v2;
	_ =	sdelay $0x1  }
0x1e9: {  	[tilespmem:v1+s2+$0x10 ss:$0x1] =	vst.idx.msk $0xffff, v2  }
0x1ea: {  	v2 =	vld [tilespmem:s30+$0x6D00]  }
0x1eb: {  	v3 =	vld [tilespmem:s30+$0x8D00]  }
0x1ec: {  	v52 =	vld [tilespmem:s30+$0xAD00]  }
0x1ed: {  	v53 =	vld [tilespmem:s30+$0x6D10]  }
0x1ee: {  	v54 =	vld [tilespmem:s30+$0x8D10]  }
0x1ef: {  	v55 =	vld [tilespmem:s30+$0xAD10]  }
0x1f0: {  	v56 =	vld [tilespmem:s30+$0x6D20]  }
0x1f1: {  	v57 =	vld [tilespmem:s30+$0x8D20]  }
0x1f2: {  	v58 =	vld [tilespmem:s30+$0xAD20]  }
0x1f3: {  	v59 =	vld [tilespmem:s30+$0x6D30]  }
0x1f4: {  	v60 =	vld [tilespmem:s30+$0x8D30]  }
0x1f5: {  	v61 =	vld [tilespmem:s30+$0xAD30]  }
0x1f6: {  	v62 =	vld [tilespmem:s30+$0x6D40]  }
0x1f7: {  	v63 =	vld [tilespmem:s30+$0x8D40]  }
0x1f8: {  	v25 =	vld [tilespmem:s30+$0x6D50]  }
0x1f9: {  	v26 =	vld [tilespmem:s30+$0x8D50]  }
0x1fa: {  	v28 =	vld [tilespmem:s30+$0x6D60]  }
0x1fb: {  	v29 =	vld [tilespmem:s30+$0x8D60]  }
0x1fc: {  	v30 =	vld [tilespmem:s30+$0x6D70]  }
0x1fd: {  	v31 =	vld [tilespmem:s30+$0x8D70]  }
0x1fe: {  	v24 =	vld [tilespmem:s30+$0xAD40]  }
0x1ff: {  	v27 =	vld [tilespmem:s30+$0xAD50];
	v2 =	vmul.f32 v3, v2;
	v3 =	vmul.f32 v54, v53  }
0x200: {  	v34 =	vld [tilespmem:s30+$0xAD60];
	v32 =	vmul.f32 v57, v56;
	v33 =	vmul.f32 v60, v59  }
0x201: {  	v35 =	vld [tilespmem:s30+$0xAD70];
	v37 =	vmul.f32 v63, v62;
	v38 =	vmul.f32 v26, v25  }
0x202: {  	v39 =	vmul.f32 v29, v28;
	v5 =	vmul.f32 v31, v30  }
0x203: {  	v2 =	vmul.f32 v52, v2;
	v3 =	vmul.f32 v55, v3  }
0x204: {  	v6 =	vmul.f32 v58, v32;
	v36 =	vmul.f32 v61, v33  }
0x205: {  	v8 =	vmul.f32 v24, v37;
	v10 =	vmul.f32 v27, v38  }
0x206: {  	v9 =	vmul.f32 v34, v39;
	v4 =	vmul.f32 v35, v5  }
0x207: {  	v2 =	vadd.f32 v3, v2;
	v3 =	vadd.f32 v36, v6  }
0x208: {  	v40 =	vadd.f32 v10, v8;
	v4 =	vadd.f32 v4, v9;
	_ =	sdelay $0x1  }
0x209: {  	v2 =	vadd.f32 v3, v2;
	v3 =	vadd.f32 v4, v40;
	_ =	sdelay $0x1  }
0x20a: {  	v2 =	vadd.f32 v3, v2;
	_ =	sdelay $0x1  }
0x20b: {  	v2 =	vmul.f32 $7.812500000e-03, v2;
	_ =	sdelay $0x1  }
0x20c: {  	[tilespmem:v1+s2+$0x20 ss:$0x1] =	vst.idx.msk $0xffff, v2  }
0x20d: {  	v2 =	vld [tilespmem:s30+$0x6D80]  }
0x20e: {  	v3 =	vld [tilespmem:s30+$0x8D80]  }
0x20f: {  	v41 =	vld [tilespmem:s30+$0xAD80]  }
0x210: {  	v42 =	vld [tilespmem:s30+$0x6D90]  }
0x211: {  	v43 =	vld [tilespmem:s30+$0x8D90]  }
0x212: {  	v44 =	vld [tilespmem:s30+$0xAD90]  }
0x213: {  	v45 =	vld [tilespmem:s30+$0x6DA0]  }
0x214: {  	v46 =	vld [tilespmem:s30+$0x8DA0]  }
0x215: {  	v47 =	vld [tilespmem:s30+$0xADA0]  }
0x216: {  	v48 =	vld [tilespmem:s30+$0x6DB0]  }
0x217: {  	v49 =	vld [tilespmem:s30+$0x8DB0]  }
0x218: {  	v50 =	vld [tilespmem:s30+$0xADB0]  }
0x219: {  	v51 =	vld [tilespmem:s30+$0x6DC0]  }
0x21a: {  	v52 =	vld [tilespmem:s30+$0x8DC0]  }
0x21b: {  	v54 =	vld [tilespmem:s30+$0x6DD0]  }
0x21c: {  	v55 =	vld [tilespmem:s30+$0x8DD0]  }
0x21d: {  	v57 =	vld [tilespmem:s30+$0x6DE0]  }
0x21e: {  	v58 =	vld [tilespmem:s30+$0x8DE0]  }
0x21f: {  	v59 =	vld [tilespmem:s30+$0x6DF0]  }
0x220: {  	v60 =	vld [tilespmem:s30+$0x8DF0]  }
0x221: {  	v53 =	vld [tilespmem:s30+$0xADC0]  }
0x222: {  	v56 =	vld [tilespmem:s30+$0xADD0];
	v2 =	vmul.f32 v3, v2;
	v3 =	vmul.f32 v43, v42  }
0x223: {  	v63 =	vld [tilespmem:s30+$0xADE0];
	v61 =	vmul.f32 v46, v45;
	v62 =	vmul.f32 v49, v48  }
0x224: {  	v12 =	vld [tilespmem:s30+$0xADF0];
	v24 =	vmul.f32 v52, v51;
	v25 =	vmul.f32 v55, v54  }
0x225: {  	v26 =	vmul.f32 v58, v57;
	v5 =	vmul.f32 v60, v59  }
0x226: {  	v2 =	vmul.f32 v41, v2;
	v3 =	vmul.f32 v44, v3  }
0x227: {  	v6 =	vmul.f32 v47, v61;
	v23 =	vmul.f32 v50, v62  }
0x228: {  	v8 =	vmul.f32 v53, v24;
	v10 =	vmul.f32 v56, v25  }
0x229: {  	v9 =	vmul.f32 v63, v26;
	v4 =	vmul.f32 v12, v5  }
0x22a: {  	v2 =	vadd.f32 v3, v2;
	v3 =	vadd.f32 v23, v6  }
0x22b: {  	v27 =	vadd.f32 v10, v8;
	v4 =	vadd.f32 v4, v9;
	_ =	sdelay $0x1  }
0x22c: {  	v2 =	vadd.f32 v3, v2;
	v3 =	vadd.f32 v4, v27;
	_ =	sdelay $0x1  }
0x22d: {  	v2 =	vadd.f32 v3, v2;
	_ =	sdelay $0x1  }
0x22e: {  	v2 =	vmul.f32 $7.812500000e-03, v2;
	_ =	sdelay $0x1  }
0x22f: {  	[tilespmem:v1+s2+$0x30 ss:$0x1] =	vst.idx.msk $0xffff, v2  }
0x230: {  	v2 =	vld [tilespmem:s30+$0x6E00]  }
0x231: {  	v3 =	vld [tilespmem:s30+$0x8E00]  }
0x232: {  	v28 =	vld [tilespmem:s30+$0xAE00]  }
0x233: {  	v29 =	vld [tilespmem:s30+$0x6E10]  }
0x234: {  	v30 =	vld [tilespmem:s30+$0x8E10]  }
0x235: {  	v31 =	vld [tilespmem:s30+$0xAE10]  }
0x236: {  	v32 =	vld [tilespmem:s30+$0x6E20]  }
0x237: {  	v33 =	vld [tilespmem:s30+$0x8E20]  }
0x238: {  	v34 =	vld [tilespmem:s30+$0xAE20]  }
0x239: {  	v35 =	vld [tilespmem:s30+$0x6E30]  }
0x23a: {  	v36 =	vld [tilespmem:s30+$0x8E30]  }
0x23b: {  	v37 =	vld [tilespmem:s30+$0xAE30]  }
0x23c: {  	v38 =	vld [tilespmem:s30+$0x6E40]  }
0x23d: {  	v39 =	vld [tilespmem:s30+$0x8E40]  }
0x23e: {  	v41 =	vld [tilespmem:s30+$0x6E50]  }
0x23f: {  	v42 =	vld [tilespmem:s30+$0x8E50]  }
0x240: {  	v44 =	vld [tilespmem:s30+$0x6E60]  }
0x241: {  	v45 =	vld [tilespmem:s30+$0x8E60]  }
0x242: {  	v46 =	vld [tilespmem:s30+$0x6E70]  }
0x243: {  	v47 =	vld [tilespmem:s30+$0x8E70]  }
0x244: {  	v40 =	vld [tilespmem:s30+$0xAE40]  }
0x245: {  	v43 =	vld [tilespmem:s30+$0xAE50];
	v2 =	vmul.f32 v3, v2;
	v3 =	vmul.f32 v30, v29  }
0x246: {  	v50 =	vld [tilespmem:s30+$0xAE60];
	v48 =	vmul.f32 v33, v32;
	v49 =	vmul.f32 v36, v35  }
0x247: {  	v51 =	vld [tilespmem:s30+$0xAE70];
	v53 =	vmul.f32 v39, v38;
	v54 =	vmul.f32 v42, v41  }
0x248: {  	v55 =	vmul.f32 v45, v44;
	v5 =	vmul.f32 v47, v46  }
0x249: {  	v2 =	vmul.f32 v28, v2;
	v3 =	vmul.f32 v31, v3  }
0x24a: {  	v6 =	vmul.f32 v34, v48;
	v52 =	vmul.f32 v37, v49  }
0x24b: {  	v8 =	vmul.f32 v40, v53;
	v10 =	vmul.f32 v43, v54  }
0x24c: {  	v9 =	vmul.f32 v50, v55;
	v4 =	vmul.f32 v51, v5  }
0x24d: {  	v2 =	vadd.f32 v3, v2;
	v3 =	vadd.f32 v52, v6  }
0x24e: {  	v56 =	vadd.f32 v10, v8;
	v4 =	vadd.f32 v4, v9;
	_ =	sdelay $0x1  }
0x24f: {  	v2 =	vadd.f32 v3, v2;
	v3 =	vadd.f32 v4, v56;
	_ =	sdelay $0x1  }
0x250: {  	v2 =	vadd.f32 v3, v2;
	_ =	sdelay $0x1  }
0x251: {  	v2 =	vmul.f32 $7.812500000e-03, v2;
	_ =	sdelay $0x1  }
0x252: {  	[tilespmem:v1+s2+$0x40 ss:$0x1] =	vst.idx.msk $0xffff, v2  }
0x253: {  	v2 =	vld [tilespmem:s30+$0x6E80]  }
0x254: {  	v3 =	vld [tilespmem:s30+$0x8E80]  }
0x255: {  	v57 =	vld [tilespmem:s30+$0xAE80]  }
0x256: {  	v58 =	vld [tilespmem:s30+$0x6E90]  }
0x257: {  	v59 =	vld [tilespmem:s30+$0x8E90]  }
0x258: {  	v60 =	vld [tilespmem:s30+$0xAE90]  }
0x259: {  	v61 =	vld [tilespmem:s30+$0x6EA0]  }
0x25a: {  	v62 =	vld [tilespmem:s30+$0x8EA0]  }
0x25b: {  	v63 =	vld [tilespmem:s30+$0xAEA0]  }
0x25c: {  	v24 =	vld [tilespmem:s30+$0x6EB0]  }
0x25d: {  	v25 =	vld [tilespmem:s30+$0x8EB0]  }
0x25e: {  	v26 =	vld [tilespmem:s30+$0xAEB0]  }
0x25f: {  	v27 =	vld [tilespmem:s30+$0x6EC0]  }
0x260: {  	v28 =	vld [tilespmem:s30+$0x8EC0]  }
0x261: {  	v30 =	vld [tilespmem:s30+$0x6ED0]  }
0x262: {  	v31 =	vld [tilespmem:s30+$0x8ED0]  }
0x263: {  	v33 =	vld [tilespmem:s30+$0x6EE0]  }
0x264: {  	v34 =	vld [tilespmem:s30+$0x8EE0]  }
0x265: {  	v35 =	vld [tilespmem:s30+$0x6EF0]  }
0x266: {  	v36 =	vld [tilespmem:s30+$0x8EF0]  }
0x267: {  	v29 =	vld [tilespmem:s30+$0xAEC0]  }
0x268: {  	v32 =	vld [tilespmem:s30+$0xAED0];
	v2 =	vmul.f32 v3, v2;
	v3 =	vmul.f32 v59, v58  }
0x269: {  	v39 =	vld [tilespmem:s30+$0xAEE0];
	v37 =	vmul.f32 v62, v61;
	v38 =	vmul.f32 v25, v24  }
0x26a: {  	v40 =	vld [tilespmem:s30+$0xAEF0];
	v42 =	vmul.f32 v28, v27;
	v43 =	vmul.f32 v31, v30  }
0x26b: {  	v44 =	vmul.f32 v34, v33;
	v5 =	vmul.f32 v36, v35  }
0x26c: {  	v2 =	vmul.f32 v57, v2;
	v3 =	vmul.f32 v60, v3  }
0x26d: {  	v6 =	vmul.f32 v63, v37;
	v41 =	vmul.f32 v26, v38  }
0x26e: {  	v8 =	vmul.f32 v29, v42;
	v10 =	vmul.f32 v32, v43  }
0x26f: {  	v9 =	vmul.f32 v39, v44;
	v4 =	vmul.f32 v40, v5  }
0x270: {  	v2 =	vadd.f32 v3, v2;
	v3 =	vadd.f32 v41, v6  }
0x271: {  	v45 =	vadd.f32 v10, v8;
	v4 =	vadd.f32 v4, v9;
	_ =	sdelay $0x1  }
0x272: {  	v2 =	vadd.f32 v3, v2;
	v3 =	vadd.f32 v4, v45;
	_ =	sdelay $0x1  }
0x273: {  	v2 =	vadd.f32 v3, v2;
	_ =	sdelay $0x1  }
0x274: {  	v2 =	vmul.f32 $7.812500000e-03, v2;
	_ =	sdelay $0x1  }
0x275: {  	[tilespmem:v1+s2+$0x50 ss:$0x1] =	vst.idx.msk $0xffff, v2  }
0x276: {  	v2 =	vld [tilespmem:s30+$0x6F00]  }
0x277: {  	v3 =	vld [tilespmem:s30+$0x8F00]  }
0x278: {  	v46 =	vld [tilespmem:s30+$0xAF00]  }
0x279: {  	v47 =	vld [tilespmem:s30+$0x6F10]  }
0x27a: {  	v48 =	vld [tilespmem:s30+$0x8F10]  }
0x27b: {  	v49 =	vld [tilespmem:s30+$0xAF10]  }
0x27c: {  	v50 =	vld [tilespmem:s30+$0x6F20]  }
0x27d: {  	v51 =	vld [tilespmem:s30+$0x8F20]  }
0x27e: {  	v52 =	vld [tilespmem:s30+$0xAF20]  }
0x27f: {  	v53 =	vld [tilespmem:s30+$0x6F30]  }
0x280: {  	v54 =	vld [tilespmem:s30+$0x8F30]  }
0x281: {  	v55 =	vld [tilespmem:s30+$0xAF30]  }
0x282: {  	v56 =	vld [tilespmem:s30+$0x6F40]  }
0x283: {  	v57 =	vld [tilespmem:s30+$0x8F40]  }
0x284: {  	v59 =	vld [tilespmem:s30+$0x6F50]  }
0x285: {  	v60 =	vld [tilespmem:s30+$0x8F50]  }
0x286: {  	v62 =	vld [tilespmem:s30+$0x6F60]  }
0x287: {  	v63 =	vld [tilespmem:s30+$0x8F60]  }
0x288: {  	v24 =	vld [tilespmem:s30+$0x6F70]  }
0x289: {  	v25 =	vld [tilespmem:s30+$0x8F70]  }
0x28a: {  	v58 =	vld [tilespmem:s30+$0xAF40]  }
0x28b: {  	v61 =	vld [tilespmem:s30+$0xAF50];
	v2 =	vmul.f32 v3, v2;
	v3 =	vmul.f32 v48, v47  }
0x28c: {  	v28 =	vld [tilespmem:s30+$0xAF60];
	v26 =	vmul.f32 v51, v50;
	v27 =	vmul.f32 v54, v53  }
0x28d: {  	v29 =	vld [tilespmem:s30+$0xAF70];
	v31 =	vmul.f32 v57, v56;
	v32 =	vmul.f32 v60, v59  }
0x28e: {  	v33 =	vmul.f32 v63, v62;
	v5 =	vmul.f32 v25, v24  }
0x28f: {  	v2 =	vmul.f32 v46, v2;
	v3 =	vmul.f32 v49, v3  }
0x290: {  	v6 =	vmul.f32 v52, v26;
	v30 =	vmul.f32 v55, v27  }
0x291: {  	v8 =	vmul.f32 v58, v31;
	v10 =	vmul.f32 v61, v32  }
0x292: {  	v9 =	vmul.f32 v28, v33;
	v4 =	vmul.f32 v29, v5  }
0x293: {  	v2 =	vadd.f32 v3, v2;
	v3 =	vadd.f32 v30, v6  }
0x294: {  	v34 =	vadd.f32 v10, v8;
	v4 =	vadd.f32 v4, v9;
	_ =	sdelay $0x1  }
0x295: {  	v2 =	vadd.f32 v3, v2;
	v3 =	vadd.f32 v4, v34;
	_ =	sdelay $0x1  }
0x296: {  	v2 =	vadd.f32 v3, v2;
	_ =	sdelay $0x1  }
0x297: {  	v2 =	vmul.f32 $7.812500000e-03, v2;
	_ =	sdelay $0x1  }
0x298: {  	[tilespmem:v1+s2+$0x60 ss:$0x1] =	vst.idx.msk $0xffff, v2  }
0x299: {  	v2 =	vld [tilespmem:s30+$0x6F80]  }
0x29a: {  	v3 =	vld [tilespmem:s30+$0x8F80]  }
0x29b: {  	v35 =	vld [tilespmem:s30+$0xAF80]  }
0x29c: {  	v36 =	vld [tilespmem:s30+$0x6F90]  }
0x29d: {  	v37 =	vld [tilespmem:s30+$0x8F90]  }
0x29e: {  	v38 =	vld [tilespmem:s30+$0xAF90]  }
0x29f: {  	v39 =	vld [tilespmem:s30+$0x6FA0]  }
0x2a0: {  	v40 =	vld [tilespmem:s30+$0x8FA0]  }
0x2a1: {  	v41 =	vld [tilespmem:s30+$0xAFA0]  }
0x2a2: {  	v42 =	vld [tilespmem:s30+$0x6FB0]  }
0x2a3: {  	v43 =	vld [tilespmem:s30+$0x8FB0]  }
0x2a4: {  	v44 =	vld [tilespmem:s30+$0xAFB0]  }
0x2a5: {  	v45 =	vld [tilespmem:s30+$0x6FC0]  }
0x2a6: {  	v46 =	vld [tilespmem:s30+$0x8FC0]  }
0x2a7: {  	v48 =	vld [tilespmem:s30+$0x6FD0]  }
0x2a8: {  	v49 =	vld [tilespmem:s30+$0x8FD0]  }
0x2a9: {  	v51 =	vld [tilespmem:s30+$0x6FE0]  }
0x2aa: {  	v52 =	vld [tilespmem:s30+$0x8FE0]  }
0x2ab: {  	v53 =	vld [tilespmem:s30+$0x6FF0]  }
0x2ac: {  	v54 =	vld [tilespmem:s30+$0x8FF0]  }
0x2ad: {  	v47 =	vld [tilespmem:s30+$0xAFC0]  }
0x2ae: {  	v50 =	vld [tilespmem:s30+$0xAFD0];
	v2 =	vmul.f32 v3, v2;
	v3 =	vmul.f32 v37, v36  }
0x2af: {  	v57 =	vld [tilespmem:s30+$0xAFE0];
	v55 =	vmul.f32 v40, v39;
	v56 =	vmul.f32 v43, v42  }
0x2b0: {  	v58 =	vld [tilespmem:s30+$0xAFF0];
	v60 =	vmul.f32 v46, v45;
	v61 =	vmul.f32 v49, v48  }
0x2b1: {  	v62 =	vmul.f32 v52, v51;
	v5 =	vmul.f32 v54, v53  }
0x2b2: {  	v2 =	vmul.f32 v35, v2;
	v3 =	vmul.f32 v38, v3  }
0x2b3: {  	v6 =	vmul.f32 v41, v55;
	v59 =	vmul.f32 v44, v56  }
0x2b4: {  	v8 =	vmul.f32 v47, v60;
	v10 =	vmul.f32 v50, v61  }
0x2b5: {  	v9 =	vmul.f32 v57, v62;
	v4 =	vmul.f32 v58, v5  }
0x2b6: {  	v2 =	vadd.f32 v3, v2;
	v3 =	vadd.f32 v59, v6  }
0x2b7: {  	v63 =	vadd.f32 v10, v8;
	v4 =	vadd.f32 v4, v9;
	_ =	sdelay $0x1  }
0x2b8: {  	v2 =	vadd.f32 v3, v2;
	v3 =	vadd.f32 v4, v63  }
0x2b9: {  	p0 =	sne.s32 s29, $0x7  }
.Ltmp2:
0x2ba: {  	v2 =	vadd.f32 v3, v2;
	(pc) =	sbr.rel @p0 .LBB2_7-.Ltmp2, $3  }
0x2bb: {  	_ = 	snop  }
0x2bc: {  	v2 =	vmul.f32 $7.812500000e-03, v2;
	_ =	sdelay $0x1  }
0x2bd: {  	s29 =	sadd.s32 $0x1, s29;
	[tilespmem:v1+s2+$0x70 ss:$0x1] =	vst.idx.msk $0xffff, v2  }
0x2be: {  	s2 =	sadd.s32 $0xCC00, s28;
	s29 =	sadd.s32 $0xEC00, s28  }
0x2bf: {  	[spmem:s3] =	stream.indirect.scatter.add.f32 [tilespmem:s2], [sflag:$0x3], $0x1, s29, s22, $0xb8;
	[tilespmem:$0x11000] =	vst v63  }
0x2c0: {  	s30 =	sadd.s32 $0xCC80, s28;
	s31 =	sadd.s32 $0xEC80, s28  }
0x2c1: {  	[spmem:s3] =	stream.indirect.scatter.add.f32 [tilespmem:s30], [sflag:$0x3], $0x1, s31, s22, $0xb8;
	[tilespmem:$0x11000] =	vst v63  }
0x2c2: {  	s30 =	sadd.s32 $0xCD00, s28;
	s31 =	sadd.s32 $0xED00, s28  }
0x2c3: {  	[spmem:s3] =	stream.indirect.scatter.add.f32 [tilespmem:s30], [sflag:$0x3], $0x1, s31, s22, $0xb8;
	[tilespmem:$0x11000] =	vst v63  }
0x2c4: {  	s30 =	sadd.s32 $0xCD80, s28;
	s31 =	sadd.s32 $0xED80, s28  }
0x2c5: {  	[spmem:s3] =	stream.indirect.scatter.add.f32 [tilespmem:s30], [sflag:$0x3], $0x1, s31, s22, $0xb8;
	[tilespmem:$0x11000] =	vst v63  }
0x2c6: {  	s26 =	sadd.s32 $0x1, s26;
	s30 =	sadd.s32 $0xCE00, s28;
	s31 =	sadd.s32 $0xEE00, s28  }
0x2c7: {  	[spmem:s3] =	stream.indirect.scatter.add.f32 [tilespmem:s30], [sflag:$0x3], $0x1, s31, s22, $0xb8;
	[tilespmem:$0x11000] =	vst v63  }
0x2c8: {  	p0 =	sne.s32 s26, $0x4;
	s30 =	sadd.s32 $0xCE80, s28;
	s31 =	sadd.s32 $0xEE80, s28  }
0x2c9: {  	[spmem:s3] =	stream.indirect.scatter.add.f32 [tilespmem:s30], [sflag:$0x3], $0x1, s31, s22, $0xb8;
	[tilespmem:$0x11000] =	vst v63  }
.Ltmp3:
0x2ca: {  	_ = 	snop;
	(pc) =	sbr.rel @p0 .LBB2_4-.Ltmp3, $4  }
0x2cb: {  	s30 =	sadd.s32 $0xCF00, s28;
	s31 =	sadd.s32 $0xEF00, s28  }
0x2cc: {  	[spmem:s3] =	stream.indirect.scatter.add.f32 [tilespmem:s30], [sflag:$0x3], $0x1, s31, s22, $0xb8;
	[tilespmem:$0x11000] =	vst v63  }
0x2cd: {  	s30 =	sadd.s32 $0xCF80, s28;
	s31 =	sadd.s32 $0xEF80, s28  }
0x2ce: {  	[spmem:s3] =	stream.indirect.scatter.add.f32 [tilespmem:s30], [sflag:$0x3], $0x1, s31, s22, $0xb8;
	[tilespmem:$0x11000] =	vst v63  }
0x2cf: {  	_ =	swait.ge [sflag:s24], $0x2000;
	s2 =	sshll.u32 s0, $0x6;
	s25 =	sadd.s32 $0x1, s25  }
0x2d0: {  	s26 =	sshrl.u32 s7, $0x3;
	[sflag:s24] =	ssyncset.done $0x0;
	p0 =	sne.s32 s25, s9  }
.Ltmp4:
0x2d1: {  	s2 =	sor.u32 $0x1C04, s2;
	[sflag:s24] =	ssyncadd.s32 $0xFFFFE000;
	(pc) =	sbr.rel @p0 .LBB2_1-.Ltmp4, $4  }
0x2d2: {  	[hbm:s8], [sflag:s2] =	dma.local [spmem:s26], $0x40  }
0x2d3: {  	_ =	swait.ge [sflag:s10], $0x40  }
0x2d4: {  	[sflag:s10] =	ssyncset.done $0x0  }
0x2d5: {  	[sflag:s10] =	ssyncadd.s32 $0xFFFFFFC0  }
0x2d6: {  	_ =	sfence.sel $0x180000  }
0x2d7: {  	[bflag:$0x0] =	sbarrier.arrive $0xFFFF  }
0x2d8: {  	_ =	strace $0x90000047  }
0x2d9: {  	[bflag:$0x2] =	sbarrier.arrive $0xFFFF  }
0x2da: {  	p0 =	sne.s32 s0, $0x0;
	s0 =	rddreg [dreg:$0x4]  }
0x2db: {  	s0 =	sadd.s32 @!p0 $0x100000, s0  }
0x2dc: {  	[sflag:s0] =	ssyncadd.tile.s32 @!p0 $0x1;
	_ =	shalt  }
.Lfunc_end2:
_tile_overlayer_lowered:
.L_overlay_start_2:
0x2dd: {  	(tag) =	ssettag $0x2  }
0x2de: {  	s0 =	rddreg [dreg:$0x0];
	s2 =	stileid.u32  }
0x2df: {  	s1 =	rddreg [dreg:$0x1];
	p0 =	sne.s32 s2, $0x0  }
0x2e0: {  	s3 =	rddreg [dreg:$0x2];
	[bflag:$0x3] =	sbarrier.arrive $0xFFFF;
	s2 =	simm.s32 @!p0 $0x1C04  }
0x2e1: {  	[timem:s3], [sflag:s2] =	dma.local @!p0 [hbm:s0], s1  }
0x2e2: {  	s0 =	simm.s32 @!p0 $0x4  }
0x2e3: {  	_ =	swait.ge @!p0 [sflag:s0], s1  }
0x2e4: {  	s1 =	ssub.s32 @!p0 $0x0, s1;
	[sflag:s0] =	ssyncset.done @!p0 $0x0  }
0x2e5: {  	[sflag:s0] =	ssyncadd.s32 @!p0 s1  }
0x2e6: {  	[bflag:$0x3] =	sbarrier.arrive $0xFFFF  }
0x2e7: {  	_ =	shalt  }

</sc_bundles>
